<compile_context>
chip_gen: v7x
topology: tpu7x:2x2x1
jax: 0.10.2.dev20260603
libtpu: 0.0.44.dev20260713+nightly
codegen_flags: <defaults>
</compile_context>

<pallas_src>
import dataclasses
import functools

import jax
import jax.numpy as jnp
from jax import lax
from jax.experimental import pallas as pl
from jax.experimental.pallas import tpu as pltpu
from jax.experimental.pallas import tpu_sc as plsc

VOCAB_N = 1000000
DIM = 32
MVALS = 50
BATCH = 16384

NC = 2
NS = 16
NW = NC * NS
ROWS_PER_W = BATCH // NW
CHUNK_ROWS = 32
N_CHUNKS = ROWS_PER_W // CHUNK_ROWS
E = CHUNK_ROWS * MVALS

_mesh = plsc.VectorSubcoreMesh(core_axis_name="c", subcore_axis_name="s")

_cp = pltpu.CompilerParams()
if "needs_layout_passes" in pltpu.CompilerParams.__dataclass_fields__:
    _cp = dataclasses.replace(_cp, needs_layout_passes=False)
if "use_tc_tiling_on_sc" in pltpu.CompilerParams.__dataclass_fields__:
    _cp = dataclasses.replace(_cp, use_tc_tiling_on_sc=False)


@functools.partial(
    pl.kernel,
    out_type=jax.ShapeDtypeStruct((BATCH, DIM), jnp.float32),
    mesh=_mesh,
    compiler_params=_cp,
    scratch_types=[
        pltpu.VMEM((E,), jnp.int32),
        pltpu.VMEM((E,), jnp.int32),
        pltpu.VMEM((E, DIM), jnp.float32),
        pltpu.VMEM((E, DIM), jnp.float32),
        pltpu.VMEM((CHUNK_ROWS, DIM), jnp.float32),
        pltpu.VMEM((CHUNK_ROWS, DIM), jnp.float32),
        pltpu.VMEM((1, DIM), jnp.float32),
        pltpu.SemaphoreType.DMA,
        pltpu.SemaphoreType.DMA,
        pltpu.SemaphoreType.DMA,
        pltpu.SemaphoreType.DMA,
    ],
)
def _sc_embed(idx_hbm, table_hbm, out_hbm,
              idxA, idxB, rowsA, rowsB, outA, outB, padrow,
              semA, semB, semOA, semOB):
    cid = lax.axis_index("c")
    sid = lax.axis_index("s")
    wid = cid * NS + sid

    iota = lax.iota(jnp.int32, 16)
    zero_i = jnp.zeros((16,), jnp.int32)
    one_i = jnp.full((16,), 1, jnp.int32)
    vocab_v = jnp.full((16,), VOCAB_N, jnp.int32)
    mclamp = [jnp.minimum(iota + mb, MVALS - 1) for mb in (0, 16, 32, 48)]
    mvalid = [(iota + mb) < MVALS for mb in (0, 16, 32, 48)]

    pltpu.sync_copy(table_hbm.at[pl.ds(VOCAB_N, 1)], padrow)
    pad0 = padrow[0, 0:16]
    pad1 = padrow[0, 16:32]
    padflag = jnp.minimum(
        plsc.all_reduce_population_count(jnp.maximum(pad0, pad1) > 0.0), one_i)

    def load_idx(ch, idx_v):
        base = wid * (N_CHUNKS * E) + ch * E
        pltpu.sync_copy(idx_hbm.at[pl.ds(base, E)], idx_v)

    def fire_gathers(idx_v, rows_v, sem):
        pltpu.async_copy(table_hbm.at[idx_v], rows_v, sem)

    def process(ch, idx_v, rows_v, sem, out_v, semO):
        @pl.when(ch >= 2)
        def _ow():
            pb = wid * ROWS_PER_W + (ch - 2) * CHUNK_ROWS
            pltpu.make_async_copy(out_v, out_hbm.at[pl.ds(pb, CHUNK_ROWS)],
                                  semO).wait()
        pltpu.make_async_copy(table_hbm.at[idx_v], rows_v, sem).wait()

        @pl.loop(0, CHUNK_ROWS)
        def _row(r):
            r50 = jnp.full((16,), r * MVALS, jnp.int32)
            nval_vec = zero_i
            for grp in range(4):
                ridx = r50 + mclamp[grp]
                idxs = plsc.load_gather(idx_v, [ridx])
                valid = (idxs < vocab_v) & mvalid[grp]
                nval_vec = nval_vec + plsc.all_reduce_population_count(valid)
            e0 = r * MVALS
            s0 = rows_v[e0, 0:16]
            s1 = rows_v[e0, 16:32]
            any_vec = jnp.minimum(
                plsc.all_reduce_population_count(jnp.maximum(s0, s1) > 0.0),
                one_i)
            for m in range(1, MVALS):
                v0 = rows_v[e0 + m, 0:16]
                v1 = rows_v[e0 + m, 16:32]
                s0 = s0 + v0
                s1 = s1 + v1
                pc = plsc.all_reduce_population_count(
                    jnp.maximum(v0, v1) > 0.0)
                any_vec = any_vec + jnp.minimum(pc, one_i)
            npad_i = MVALS - nval_vec
            n_vec = any_vec - npad_i * padflag
            npad = npad_i.astype(jnp.float32)
            rec = 1.0 / jnp.maximum(n_vec.astype(jnp.float32), 1.0)
            out_v[r, 0:16] = (s0 - npad * pad0) * rec
            out_v[r, 16:32] = (s1 - npad * pad1) * rec

        rbase = wid * ROWS_PER_W + ch * CHUNK_ROWS
        pltpu.async_copy(out_v, out_hbm.at[pl.ds(rbase, CHUNK_ROWS)], semO)

    load_idx(0, idxA)
    fire_gathers(idxA, rowsA, semA)

    @pl.loop(0, N_CHUNKS // 2)
    def _pair(g):
        ch0 = 2 * g
        load_idx(ch0 + 1, idxB)
        fire_gathers(idxB, rowsB, semB)
        process(ch0, idxA, rowsA, semA, outA, semOA)

        @pl.when(g < N_CHUNKS // 2 - 1)
        def _pf():
            load_idx(ch0 + 2, idxA)
            fire_gathers(idxA, rowsA, semA)

        process(ch0 + 1, idxB, rowsB, semB, outB, semOB)

    pltpu.make_async_copy(
        outA, out_hbm.at[pl.ds(wid * ROWS_PER_W + (N_CHUNKS - 2) * CHUNK_ROWS,
                               CHUNK_ROWS)], semOA).wait()
    pltpu.make_async_copy(
        outB, out_hbm.at[pl.ds(wid * ROWS_PER_W + (N_CHUNKS - 1) * CHUNK_ROWS,
                               CHUNK_ROWS)], semOB).wait()


def kernel(indices, table):
    idx_flat = indices.reshape(BATCH * MVALS)
    out = _sc_embed(idx_flat, table)
    return out.reshape(BATCH, 1, DIM)

# --- scband reference (transcript-rebuilt; emitter-appended) ---
"""Pipeline reference for scband-sparse-embedding-80333068304830 (READ-ONLY COPY).

The authoritative reference and input builder live on the scoring server;
editing this copy changes nothing except your own understanding.
"""

import jax, jax.numpy as jnp
import numpy as np

VOCAB = 1000000  # vocabulary_size; index == VOCAB is the padding slot
D = 32           # embedding dim
M = 50           # values per sparse field (input_length)
B = 16384        # batch


def setup_inputs(seed: int = 0) -> dict:
    key = jax.random.key(seed)
    k1, k2 = jax.random.split(key)
    # multi-valued sparse field: each row has M ids in [0, VOCAB]; id == VOCAB means padding
    indices = jax.random.randint(k1, (B, M), 0, VOCAB + 1, dtype=jnp.int32)
    # embedding table has VOCAB + 1 rows (extra row for the padding id)
    table = jax.random.normal(k2, (VOCAB + 1, D), dtype=jnp.float32) * 0.05
    return {"indices": indices, "table": table}


def reference(indices, table):
    # e = self._v(input) * self._mask(input)
    # _v: dense embedding gather; _mask: MaskEmbedding emits 1.0 for valid ids (< VOCAB),
    # 0.0 for the padding id (== VOCAB), broadcast over the embedding dim.
    e = jnp.take(table, indices, axis=0)                      # [B, M, D]
    mask = (indices < VOCAB).astype(jnp.float32)[..., None]   # [B, M, 1]
    e = e * mask
    # averaged=True branch:
    # zero_embedding_flag = reduce_any(e > 0, axis=2, keepdims=True)
    zero_embedding_flag = jnp.any(e > 0, axis=2, keepdims=True)           # [B, M, 1]
    # n_nonzero_embeddings = count_nonzero(flag, axis=1, keepdims=True)
    n_nonzero = jnp.sum(zero_embedding_flag.astype(jnp.int32), axis=1, keepdims=True)  # [B, 1, 1]
    # relu(n - 1) + 1 -> avoid division by zero
    n_safe = jax.nn.relu(n_nonzero - 1) + 1
    out = jnp.sum(e, axis=1, keepdims=True) / n_safe.astype(jnp.float32)  # [B, 1, D]
    return out

if __name__ == "__main__":
    import jax
    _d = setup_inputs()
    print(jax.jit(kernel)(*tuple(_d.values())))

</pallas_src>

<mosaic_0001>
#map = affine_map<(d0, d1) -> (0)>
#map1 = affine_map<(d0, d1) -> (0, 0)>
module attributes {stable_mosaic.version = 14 : i64} {
  func.func @_sc_embed(%arg0: i32, %arg1: i32, %arg2: memref<819200xi32, #tpu.memory_space<hbm>>, %arg3: memref<1000001x32xf32, #tpu.memory_space<hbm>>, %arg4: memref<16384x32xf32, #tpu.memory_space<hbm>>, %arg5: memref<1600xi32, #tpu.memory_space<vmem>>, %arg6: memref<1600xi32, #tpu.memory_space<vmem>>, %arg7: memref<1600x32xf32, #tpu.memory_space<vmem>>, %arg8: memref<1600x32xf32, #tpu.memory_space<vmem>>, %arg9: memref<32x32xf32, #tpu.memory_space<vmem>>, %arg10: memref<32x32xf32, #tpu.memory_space<vmem>>, %arg11: memref<1x32xf32, #tpu.memory_space<vmem>>, %arg12: memref<!tpu.dma_semaphore, #tpu.memory_space<semaphore_mem>>, %arg13: memref<!tpu.dma_semaphore, #tpu.memory_space<semaphore_mem>>, %arg14: memref<!tpu.dma_semaphore, #tpu.memory_space<semaphore_mem>>, %arg15: memref<!tpu.dma_semaphore, #tpu.memory_space<semaphore_mem>>) attributes {dimension_semantics = [#tpu.dimension_semantics<core_parallel>, #tpu.dimension_semantics<subcore_parallel>], iteration_bounds = array<i64: 2, 16>, scalar_prefetch = 0 : i64, scratch_operands = 11 : i64, tpu.core_type = #tpu.core_type<sc_vector_subcore>, window_params = [{transform_indices = #map}, {transform_indices = #map1}, {transform_indices = #map1}]} {
    %mul3A = arith.constant 16 : i32
    %mul3A_0 = arith.muli %arg0, %mul3A : i32
    %add3A = arith.addi %mul3A_0, %arg1 : i32
    %iota3A = tpu.iota {dimensions = array<i32: 0>} : vector<16xi32>
    %broadcast_in_dim3A = arith.constant 0 : i32
    %broadcast_in_dim3A_1 = vector.broadcast %broadcast_in_dim3A : i32 to vector<16xi32>
    %broadcast_in_dim3A_2 = arith.constant 1 : i32
    %broadcast_in_dim3A_3 = vector.broadcast %broadcast_in_dim3A_2 : i32 to vector<16xi32>
    %broadcast_in_dim3A_4 = arith.constant 1000000 : i32
    %broadcast_in_dim3A_5 = vector.broadcast %broadcast_in_dim3A_4 : i32 to vector<16xi32>
    %add3A_6 = arith.constant 0 : i32
    %add3A_7 = vector.broadcast %add3A_6 : i32 to vector<16xi32>
    %add3A_8 = arith.addi %iota3A, %add3A_7 : vector<16xi32>
    %min3A = arith.constant 49 : i32
    %min3A_9 = vector.broadcast %min3A : i32 to vector<16xi32>
    %min3A_10 = arith.minsi %add3A_8, %min3A_9 : vector<16xi32>
    %add3A_11 = arith.constant 16 : i32
    %add3A_12 = vector.broadcast %add3A_11 : i32 to vector<16xi32>
    %add3A_13 = arith.addi %iota3A, %add3A_12 : vector<16xi32>
    %min3A_14 = arith.constant 49 : i32
    %min3A_15 = vector.broadcast %min3A_14 : i32 to vector<16xi32>
    %min3A_16 = arith.minsi %add3A_13, %min3A_15 : vector<16xi32>
    %add3A_17 = arith.constant 32 : i32
    %add3A_18 = vector.broadcast %add3A_17 : i32 to vector<16xi32>
    %add3A_19 = arith.addi %iota3A, %add3A_18 : vector<16xi32>
    %min3A_20 = arith.constant 49 : i32
    %min3A_21 = vector.broadcast %min3A_20 : i32 to vector<16xi32>
    %min3A_22 = arith.minsi %add3A_19, %min3A_21 : vector<16xi32>
    %add3A_23 = arith.constant 48 : i32
    %add3A_24 = vector.broadcast %add3A_23 : i32 to vector<16xi32>
    %add3A_25 = arith.addi %iota3A, %add3A_24 : vector<16xi32>
    %min3A_26 = arith.constant 49 : i32
    %min3A_27 = vector.broadcast %min3A_26 : i32 to vector<16xi32>
    %min3A_28 = arith.minsi %add3A_25, %min3A_27 : vector<16xi32>
    %add3A_29 = arith.constant 0 : i32
    %add3A_30 = vector.broadcast %add3A_29 : i32 to vector<16xi32>
    %add3A_31 = arith.addi %iota3A, %add3A_30 : vector<16xi32>
    %lt3A = arith.constant 50 : i32
    %lt3A_32 = vector.broadcast %lt3A : i32 to vector<16xi32>
    %lt3A_33 = arith.cmpi slt, %add3A_31, %lt3A_32 : vector<16xi32>
    %add3A_34 = arith.constant 16 : i32
    %add3A_35 = vector.broadcast %add3A_34 : i32 to vector<16xi32>
    %add3A_36 = arith.addi %iota3A, %add3A_35 : vector<16xi32>
    %lt3A_37 = arith.constant 50 : i32
    %lt3A_38 = vector.broadcast %lt3A_37 : i32 to vector<16xi32>
    %lt3A_39 = arith.cmpi slt, %add3A_36, %lt3A_38 : vector<16xi32>
    %add3A_40 = arith.constant 32 : i32
    %add3A_41 = vector.broadcast %add3A_40 : i32 to vector<16xi32>
    %add3A_42 = arith.addi %iota3A, %add3A_41 : vector<16xi32>
    %lt3A_43 = arith.constant 50 : i32
    %lt3A_44 = vector.broadcast %lt3A_43 : i32 to vector<16xi32>
    %lt3A_45 = arith.cmpi slt, %add3A_42, %lt3A_44 : vector<16xi32>
    %add3A_46 = arith.constant 48 : i32
    %add3A_47 = vector.broadcast %add3A_46 : i32 to vector<16xi32>
    %add3A_48 = arith.addi %iota3A, %add3A_47 : vector<16xi32>
    %lt3A_49 = arith.constant 50 : i32
    %lt3A_50 = vector.broadcast %lt3A_49 : i32 to vector<16xi32>
    %lt3A_51 = arith.cmpi slt, %add3A_48, %lt3A_50 : vector<16xi32>
    "tpu.region"() ({
      %run_scoped3A = tpu.sem_alloc : memref<!tpu.dma_semaphore, #tpu.memory_space<semaphore_mem>>
      %dma_start3A_87 = arith.constant 1000000 : i32
      %dma_start3A_88 = arith.constant 0 : i32
      %dma_start3A_89 = tpu.memref_slice %arg3[%dma_start3A_87, %dma_start3A_88] : memref<1000001x32xf32, #tpu.memory_space<hbm>> -> memref<1x32xf32, #tpu.memory_space<hbm>>
      %dma_start3A_90 = arith.constant 1000000 : i32
      %dma_start3A_91 = arith.constant 0 : i32
      %dma_start3A_92 = tpu.memref_slice %arg3[%dma_start3A_90, %dma_start3A_91] : memref<1000001x32xf32, #tpu.memory_space<hbm>> -> memref<1x32xf32, #tpu.memory_space<hbm>>
      tpu.enqueue_dma source(%dma_start3A_92 : memref<1x32xf32, #tpu.memory_space<hbm>>) target(%arg11 : memref<1x32xf32, #tpu.memory_space<vmem>>) target_semaphore(%run_scoped3A : memref<!tpu.dma_semaphore, #tpu.memory_space<semaphore_mem>>)
      %dma_wait3A_93 = arith.constant 1000000 : i32
      %dma_wait3A_94 = arith.constant 0 : i32
      %dma_wait3A_95 = tpu.memref_slice %arg3[%dma_wait3A_93, %dma_wait3A_94] : memref<1000001x32xf32, #tpu.memory_space<hbm>> -> memref<1x32xf32, #tpu.memory_space<hbm>>
      %dma_wait3A_96 = arith.constant 1000000 : i32
      %dma_wait3A_97 = arith.constant 0 : i32
      %dma_wait3A_98 = tpu.memref_slice %arg3[%dma_wait3A_96, %dma_wait3A_97] : memref<1000001x32xf32, #tpu.memory_space<hbm>> -> memref<1x32xf32, #tpu.memory_space<hbm>>
      tpu.wait_dma2 semaphore(%run_scoped3A : memref<!tpu.dma_semaphore, #tpu.memory_space<semaphore_mem>>) src(%dma_wait3A_98 : memref<1x32xf32, #tpu.memory_space<hbm>>) dst(%arg11 : memref<1x32xf32, #tpu.memory_space<vmem>>)
      tpu.yield
    }) : () -> ()
    %get3A = arith.constant 0 : i32
    %get3A_52 = arith.index_cast %get3A : i32 to index
    %get3A_53 = arith.constant 0 : index
    %get3A_54 = tpu.vector_load %arg11[%get3A_52, %get3A_53] {strides = array<i32>} : memref<1x32xf32, #tpu.memory_space<vmem>>, vector<16xf32>,
    %get3A_55 = arith.constant 0 : i32
    %get3A_56 = arith.index_cast %get3A_55 : i32 to index
    %get3A_57 = arith.constant 16 : index
    %get3A_58 = tpu.vector_load %arg11[%get3A_56, %get3A_57] {strides = array<i32>} : memref<1x32xf32, #tpu.memory_space<vmem>>, vector<16xf32>,
    %max3A = arith.maximumf %get3A_54, %get3A_58 : vector<16xf32>
    %gt3A = arith.constant 0.000000e+00 : f32
    %gt3A_59 = vector.broadcast %gt3A : f32 to vector<16xf32>
    %gt3A_60 = arith.cmpf ogt, %max3A, %gt3A_59 : vector<16xf32>
    %all_reduce_population_count3A = tpu.all_reduce %gt3A_60 {dim = 0 : i64, kind = #tpu.reduction_kind<sum>} : vector<16xi1> -> vector<16xi32>
    %min3A_61 = arith.minsi %all_reduce_population_count3A, %broadcast_in_dim3A_3 : vector<16xi32>
    %mul3A_62 = arith.constant 25600 : i32
    %mul3A_63 = arith.muli %add3A, %mul3A_62 : i32
    %add3A_64 = arith.constant 0 : i32
    %add3A_65 = arith.addi %mul3A_63, %add3A_64 : i32
    "tpu.region"() ({
      %run_scoped3A = tpu.sem_alloc : memref<!tpu.dma_semaphore, #tpu.memory_space<semaphore_mem>>
      %dma_start3A_87 = tpu.memref_slice %arg2[%add3A_65] : memref<819200xi32, #tpu.memory_space<hbm>> -> memref<1600xi32, #tpu.memory_space<hbm>>
      %dma_start3A_88 = tpu.memref_slice %arg2[%add3A_65] : memref<819200xi32, #tpu.memory_space<hbm>> -> memref<1600xi32, #tpu.memory_space<hbm>>
      tpu.enqueue_dma source(%dma_start3A_88 : memref<1600xi32, #tpu.memory_space<hbm>>) target(%arg5 : memref<1600xi32, #tpu.memory_space<vmem>>) target_semaphore(%run_scoped3A : memref<!tpu.dma_semaphore, #tpu.memory_space<semaphore_mem>>)
      %dma_wait3A_89 = tpu.memref_slice %arg2[%add3A_65] : memref<819200xi32, #tpu.memory_space<hbm>> -> memref<1600xi32, #tpu.memory_space<hbm>>
      %dma_wait3A_90 = tpu.memref_slice %arg2[%add3A_65] : memref<819200xi32, #tpu.memory_space<hbm>> -> memref<1600xi32, #tpu.memory_space<hbm>>
      tpu.wait_dma2 semaphore(%run_scoped3A : memref<!tpu.dma_semaphore, #tpu.memory_space<semaphore_mem>>) src(%dma_wait3A_90 : memref<1600xi32, #tpu.memory_space<hbm>>) dst(%arg5 : memref<1600xi32, #tpu.memory_space<vmem>>)
      tpu.yield
    }) : () -> ()
    %dma_start3A = arith.constant 0 : i32
    %dma_start3A_66 = arith.constant 0 : i32
    %dma_start3A_67 = tpu.memref_slice %arg3[%dma_start3A, %dma_start3A_66] : memref<1000001x32xf32, #tpu.memory_space<hbm>> -> memref<1000001x32xf32, #tpu.memory_space<hbm>>
    tpu.enqueue_indirect_dma source(%dma_start3A_67 : memref<1000001x32xf32, #tpu.memory_space<hbm>>) target(%arg7 : memref<1600x32xf32, #tpu.memory_space<vmem>>) offsets(%arg5 : memref<1600xi32, #tpu.memory_space<vmem>>) semaphore(%arg12 : memref<!tpu.dma_semaphore, #tpu.memory_space<semaphore_mem>>)
    %scan3A = arith.constant 0 : i32
    %scan3A_68 = arith.constant 8 : i32
    %scan3A_69 = arith.addi %scan3A, %scan3A_68 : i32
    %scan3A_70 = arith.constant 1 : i32
    scf.for %scan3A_87 = %scan3A to %scan3A_69 step %scan3A_70  : i32 {
      %mul3A_88 = arith.constant 1 : i32
      %mul3A_89 = arith.muli %scan3A_87, %mul3A_88 : i32
      %add3A_90 = arith.constant 0 : i32
      %add3A_91 = arith.addi %add3A_90, %mul3A_89 : i32
      %mul3A_92 = arith.constant 2 : i32
      %mul3A_93 = arith.muli %mul3A_92, %add3A_91 : i32
      %add3A_94 = arith.constant 1 : i32
      %add3A_95 = arith.addi %mul3A_93, %add3A_94 : i32
      %mul3A_96 = arith.constant 25600 : i32
      %mul3A_97 = arith.muli %add3A, %mul3A_96 : i32
      %mul3A_98 = arith.constant 1600 : i32
      %mul3A_99 = arith.muli %add3A_95, %mul3A_98 : i32
      %add3A_100 = arith.addi %mul3A_97, %mul3A_99 : i32
      "tpu.region"() ({
        %run_scoped3A = tpu.sem_alloc : memref<!tpu.dma_semaphore, #tpu.memory_space<semaphore_mem>>
        %dma_start3A_152 = tpu.memref_slice %arg2[%add3A_100] : memref<819200xi32, #tpu.memory_space<hbm>> -> memref<1600xi32, #tpu.memory_space<hbm>>
        %dma_start3A_153 = tpu.memref_slice %arg2[%add3A_100] : memref<819200xi32, #tpu.memory_space<hbm>> -> memref<1600xi32, #tpu.memory_space<hbm>>
        tpu.enqueue_dma source(%dma_start3A_153 : memref<1600xi32, #tpu.memory_space<hbm>>) target(%arg6 : memref<1600xi32, #tpu.memory_space<vmem>>) target_semaphore(%run_scoped3A : memref<!tpu.dma_semaphore, #tpu.memory_space<semaphore_mem>>)
        %dma_wait3A_154 = tpu.memref_slice %arg2[%add3A_100] : memref<819200xi32, #tpu.memory_space<hbm>> -> memref<1600xi32, #tpu.memory_space<hbm>>
        %dma_wait3A_155 = tpu.memref_slice %arg2[%add3A_100] : memref<819200xi32, #tpu.memory_space<hbm>> -> memref<1600xi32, #tpu.memory_space<hbm>>
        tpu.wait_dma2 semaphore(%run_scoped3A : memref<!tpu.dma_semaphore, #tpu.memory_space<semaphore_mem>>) src(%dma_wait3A_155 : memref<1600xi32, #tpu.memory_space<hbm>>) dst(%arg6 : memref<1600xi32, #tpu.memory_space<vmem>>)
        tpu.yield
      }) : () -> ()
      %dma_start3A_101 = arith.constant 0 : i32
      %dma_start3A_102 = arith.constant 0 : i32
      %dma_start3A_103 = tpu.memref_slice %arg3[%dma_start3A_101, %dma_start3A_102] : memref<1000001x32xf32, #tpu.memory_space<hbm>> -> memref<1000001x32xf32, #tpu.memory_space<hbm>>
      tpu.enqueue_indirect_dma source(%dma_start3A_103 : memref<1000001x32xf32, #tpu.memory_space<hbm>>) target(%arg8 : memref<1600x32xf32, #tpu.memory_space<vmem>>) offsets(%arg6 : memref<1600xi32, #tpu.memory_space<vmem>>) semaphore(%arg13 : memref<!tpu.dma_semaphore, #tpu.memory_space<semaphore_mem>>)
      %ge3A = arith.constant 2 : i32
      %ge3A_104 = arith.cmpi sge, %mul3A_93, %ge3A : i32
      %convert_element_type3A = arith.extui %ge3A_104 : i1 to i32
      %cond3A = arith.constant 0 : i32
      %cond3A_105 = arith.cmpi ne, %convert_element_type3A, %cond3A : i32
      scf.if %cond3A_105 {
        %mul3A_152 = arith.constant 512 : i32
        %mul3A_153 = arith.muli %add3A, %mul3A_152 : i32
        %sub3A = arith.constant 2 : i32
        %sub3A_154 = arith.subi %mul3A_93, %sub3A : i32
        %mul3A_155 = arith.constant 32 : i32
        %mul3A_156 = arith.muli %sub3A_154, %mul3A_155 : i32
        %add3A_157 = arith.addi %mul3A_153, %mul3A_156 : i32
        %dma_wait3A_158 = arith.constant 0 : i32
        %dma_wait3A_159 = tpu.memref_slice %arg4[%add3A_157, %dma_wait3A_158] : memref<16384x32xf32, #tpu.memory_space<hbm>> -> memref<32x32xf32, #tpu.memory_space<hbm>>
        %dma_wait3A_160 = arith.constant 0 : i32
        %dma_wait3A_161 = tpu.memref_slice %arg4[%add3A_157, %dma_wait3A_160] : memref<16384x32xf32, #tpu.memory_space<hbm>> -> memref<32x32xf32, #tpu.memory_space<hbm>>
        tpu.wait_dma2 semaphore(%arg14 : memref<!tpu.dma_semaphore, #tpu.memory_space<semaphore_mem>>) src(%arg9 : memref<32x32xf32, #tpu.memory_space<vmem>>) dst(%dma_wait3A_161 : memref<32x32xf32, #tpu.memory_space<hbm>>)
      } else {
      }
      %dma_wait3A_106 = arith.constant 0 : i32
      %dma_wait3A_107 = arith.constant 0 : i32
      %dma_wait3A_108 = tpu.memref_slice %arg3[%dma_wait3A_106, %dma_wait3A_107] : memref<1000001x32xf32, #tpu.memory_space<hbm>> -> memref<1000001x32xf32, #tpu.memory_space<hbm>>
      tpu.wait_indirect_dma semaphore(%arg12 : memref<!tpu.dma_semaphore, #tpu.memory_space<semaphore_mem>>) src(%dma_wait3A_108 : memref<1000001x32xf32, #tpu.memory_space<hbm>>) dst(%arg7 : memref<1600x32xf32, #tpu.memory_space<vmem>>)
      %scan3A_109 = arith.constant 0 : i32
      %scan3A_110 = arith.constant 32 : i32
      %scan3A_111 = arith.addi %scan3A_109, %scan3A_110 : i32
      %scan3A_112 = arith.constant 1 : i32
      scf.for %scan3A_152 = %scan3A_109 to %scan3A_111 step %scan3A_112  : i32 {
        %mul3A_153 = arith.constant 1 : i32
        %mul3A_154 = arith.muli %scan3A_152, %mul3A_153 : i32
        %add3A_155 = arith.constant 0 : i32
        %add3A_156 = arith.addi %add3A_155, %mul3A_154 : i32
        %mul3A_157 = arith.constant 50 : i32
        %mul3A_158 = arith.muli %add3A_156, %mul3A_157 : i32
        %broadcast_in_dim3A_159 = vector.broadcast %mul3A_158 : i32 to vector<16xi32>
        %add3A_160 = arith.addi %broadcast_in_dim3A_159, %min3A_10 : vector<16xi32>
        %gather3A = tpu.vector_load_idx %arg5[%add3A_160] : memref<1600xi32, #tpu.memory_space<vmem>>[vector<16xi32>], vector<16xi32>,
        %lt3A_161 = arith.cmpi slt, %gather3A, %broadcast_in_dim3A_5 : vector<16xi32>
        %and3A = arith.andi %lt3A_161, %lt3A_33 : vector<16xi1>
        %all_reduce_population_count3A_162 = tpu.all_reduce %and3A {dim = 0 : i64, kind = #tpu.reduction_kind<sum>} : vector<16xi1> -> vector<16xi32>
        %add3A_163 = arith.addi %broadcast_in_dim3A_1, %all_reduce_population_count3A_162 : vector<16xi32>
        %add3A_164 = arith.addi %broadcast_in_dim3A_159, %min3A_16 : vector<16xi32>
        %gather3A_165 = tpu.vector_load_idx %arg5[%add3A_164] : memref<1600xi32, #tpu.memory_space<vmem>>[vector<16xi32>], vector<16xi32>,
        %lt3A_166 = arith.cmpi slt, %gather3A_165, %broadcast_in_dim3A_5 : vector<16xi32>
        %and3A_167 = arith.andi %lt3A_166, %lt3A_39 : vector<16xi1>
        %all_reduce_population_count3A_168 = tpu.all_reduce %and3A_167 {dim = 0 : i64, kind = #tpu.reduction_kind<sum>} : vector<16xi1> -> vector<16xi32>
        %add3A_169 = arith.addi %add3A_163, %all_reduce_population_count3A_168 : vector<16xi32>
        %add3A_170 = arith.addi %broadcast_in_dim3A_159, %min3A_22 : vector<16xi32>
        %gather3A_171 = tpu.vector_load_idx %arg5[%add3A_170] : memref<1600xi32, #tpu.memory_space<vmem>>[vector<16xi32>], vector<16xi32>,
        %lt3A_172 = arith.cmpi slt, %gather3A_171, %broadcast_in_dim3A_5 : vector<16xi32>
        %and3A_173 = arith.andi %lt3A_172, %lt3A_45 : vector<16xi1>
        %all_reduce_population_count3A_174 = tpu.all_reduce %and3A_173 {dim = 0 : i64, kind = #tpu.reduction_kind<sum>} : vector<16xi1> -> vector<16xi32>
        %add3A_175 = arith.addi %add3A_169, %all_reduce_population_count3A_174 : vector<16xi32>
        %add3A_176 = arith.addi %broadcast_in_dim3A_159, %min3A_28 : vector<16xi32>
        %gather3A_177 = tpu.vector_load_idx %arg5[%add3A_176] : memref<1600xi32, #tpu.memory_space<vmem>>[vector<16xi32>], vector<16xi32>,
        %lt3A_178 = arith.cmpi slt, %gather3A_177, %broadcast_in_dim3A_5 : vector<16xi32>
        %and3A_179 = arith.andi %lt3A_178, %lt3A_51 : vector<16xi1>
        %all_reduce_population_count3A_180 = tpu.all_reduce %and3A_179 {dim = 0 : i64, kind = #tpu.reduction_kind<sum>} : vector<16xi1> -> vector<16xi32>
        %add3A_181 = arith.addi %add3A_175, %all_reduce_population_count3A_180 : vector<16xi32>
        %mul3A_182 = arith.constant 50 : i32
        %mul3A_183 = arith.muli %add3A_156, %mul3A_182 : i32
        %get3A_184 = arith.index_cast %mul3A_183 : i32 to index
        %get3A_185 = arith.constant 0 : index
        %get3A_186 = tpu.vector_load %arg7[%get3A_184, %get3A_185] {strides = array<i32>} : memref<1600x32xf32, #tpu.memory_space<vmem>>, vector<16xf32>,
        %get3A_187 = arith.index_cast %mul3A_183 : i32 to index
        %get3A_188 = arith.constant 16 : index
        %get3A_189 = tpu.vector_load %arg7[%get3A_187, %get3A_188] {strides = array<i32>} : memref<1600x32xf32, #tpu.memory_space<vmem>>, vector<16xf32>,
        %max3A_190 = arith.maximumf %get3A_186, %get3A_189 : vector<16xf32>
        %gt3A_191 = arith.constant 0.000000e+00 : f32
        %gt3A_192 = vector.broadcast %gt3A_191 : f32 to vector<16xf32>
        %gt3A_193 = arith.cmpf ogt, %max3A_190, %gt3A_192 : vector<16xf32>
        %all_reduce_population_count3A_194 = tpu.all_reduce %gt3A_193 {dim = 0 : i64, kind = #tpu.reduction_kind<sum>} : vector<16xi1> -> vector<16xi32>
        %min3A_195 = arith.minsi %all_reduce_population_count3A_194, %broadcast_in_dim3A_3 : vector<16xi32>
        %add3A_196 = arith.constant 1 : i32
        %add3A_197 = arith.addi %mul3A_183, %add3A_196 : i32
        %get3A_198 = arith.index_cast %add3A_197 : i32 to index
        %get3A_199 = arith.constant 0 : index
        %get3A_200 = tpu.vector_load %arg7[%get3A_198, %get3A_199] {strides = array<i32>} : memref<1600x32xf32, #tpu.memory_space<vmem>>, vector<16xf32>,
        %add3A_201 = arith.constant 1 : i32
        %add3A_202 = arith.addi %mul3A_183, %add3A_201 : i32
        %get3A_203 = arith.index_cast %add3A_202 : i32 to index
        %get3A_204 = arith.constant 16 : index
        %get3A_205 = tpu.vector_load %arg7[%get3A_203, %get3A_204] {strides = array<i32>} : memref<1600x32xf32, #tpu.memory_space<vmem>>, vector<16xf32>,
        %add3A_206 = arith.addf %get3A_186, %get3A_200 : vector<16xf32>
        %add3A_207 = arith.addf %get3A_189, %get3A_205 : vector<16xf32>
        %max3A_208 = arith.maximumf %get3A_200, %get3A_205 : vector<16xf32>
        %gt3A_209 = arith.constant 0.000000e+00 : f32
        %gt3A_210 = vector.broadcast %gt3A_209 : f32 to vector<16xf32>
        %gt3A_211 = arith.cmpf ogt, %max3A_208, %gt3A_210 : vector<16xf32>
        %all_reduce_population_count3A_212 = tpu.all_reduce %gt3A_211 {dim = 0 : i64, kind = #tpu.reduction_kind<sum>} : vector<16xi1> -> vector<16xi32>
        %min3A_213 = arith.minsi %all_reduce_population_count3A_212, %broadcast_in_dim3A_3 : vector<16xi32>
        %add3A_214 = arith.addi %min3A_195, %min3A_213 : vector<16xi32>
        %add3A_215 = arith.constant 2 : i32
        %add3A_216 = arith.addi %mul3A_183, %add3A_215 : i32
        %get3A_217 = arith.index_cast %add3A_216 : i32 to index
        %get3A_218 = arith.constant 0 : index
        %get3A_219 = tpu.vector_load %arg7[%get3A_217, %get3A_218] {strides = array<i32>} : memref<1600x32xf32, #tpu.memory_space<vmem>>, vector<16xf32>,
        %add3A_220 = arith.constant 2 : i32
        %add3A_221 = arith.addi %mul3A_183, %add3A_220 : i32
        %get3A_222 = arith.index_cast %add3A_221 : i32 to index
        %get3A_223 = arith.constant 16 : index
        %get3A_224 = tpu.vector_load %arg7[%get3A_222, %get3A_223] {strides = array<i32>} : memref<1600x32xf32, #tpu.memory_space<vmem>>, vector<16xf32>,
        %add3A_225 = arith.addf %add3A_206, %get3A_219 : vector<16xf32>
        %add3A_226 = arith.addf %add3A_207, %get3A_224 : vector<16xf32>
        %max3A_227 = arith.maximumf %get3A_219, %get3A_224 : vector<16xf32>
        %gt3A_228 = arith.constant 0.000000e+00 : f32
        %gt3A_229 = vector.broadcast %gt3A_228 : f32 to vector<16xf32>
        %gt3A_230 = arith.cmpf ogt, %max3A_227, %gt3A_229 : vector<16xf32>
        %all_reduce_population_count3A_231 = tpu.all_reduce %gt3A_230 {dim = 0 : i64, kind = #tpu.reduction_kind<sum>} : vector<16xi1> -> vector<16xi32>
        %min3A_232 = arith.minsi %all_reduce_population_count3A_231, %broadcast_in_dim3A_3 : vector<16xi32>
        %add3A_233 = arith.addi %add3A_214, %min3A_232 : vector<16xi32>
        %add3A_234 = arith.constant 3 : i32
        %add3A_235 = arith.addi %mul3A_183, %add3A_234 : i32
        %get3A_236 = arith.index_cast %add3A_235 : i32 to index
        %get3A_237 = arith.constant 0 : index
        %get3A_238 = tpu.vector_load %arg7[%get3A_236, %get3A_237] {strides = array<i32>} : memref<1600x32xf32, #tpu.memory_space<vmem>>, vector<16xf32>,
        %add3A_239 = arith.constant 3 : i32
        %add3A_240 = arith.addi %mul3A_183, %add3A_239 : i32
        %get3A_241 = arith.index_cast %add3A_240 : i32 to index
        %get3A_242 = arith.constant 16 : index
        %get3A_243 = tpu.vector_load %arg7[%get3A_241, %get3A_242] {strides = array<i32>} : memref<1600x32xf32, #tpu.memory_space<vmem>>, vector<16xf32>,
        %add3A_244 = arith.addf %add3A_225, %get3A_238 : vector<16xf32>
        %add3A_245 = arith.addf %add3A_226, %get3A_243 : vector<16xf32>
        %max3A_246 = arith.maximumf %get3A_238, %get3A_243 : vector<16xf32>
        %gt3A_247 = arith.constant 0.000000e+00 : f32
        %gt3A_248 = vector.broadcast %gt3A_247 : f32 to vector<16xf32>
        %gt3A_249 = arith.cmpf ogt, %max3A_246, %gt3A_248 : vector<16xf32>
        %all_reduce_population_count3A_250 = tpu.all_reduce %gt3A_249 {dim = 0 : i64, kind = #tpu.reduction_kind<sum>} : vector<16xi1> -> vector<16xi32>
        %min3A_251 = arith.minsi %all_reduce_population_count3A_250, %broadcast_in_dim3A_3 : vector<16xi32>
        %add3A_252 = arith.addi %add3A_233, %min3A_251 : vector<16xi32>
        %add3A_253 = arith.constant 4 : i32
        %add3A_254 = arith.addi %mul3A_183, %add3A_253 : i32
        %get3A_255 = arith.index_cast %add3A_254 : i32 to index
        %get3A_256 = arith.constant 0 : index
        %get3A_257 = tpu.vector_load %arg7[%get3A_255, %get3A_256] {strides = array<i32>} : memref<1600x32xf32, #tpu.memory_space<vmem>>, vector<16xf32>,
        %add3A_258 = arith.constant 4 : i32
        %add3A_259 = arith.addi %mul3A_183, %add3A_258 : i32
        %get3A_260 = arith.index_cast %add3A_259 : i32 to index
        %get3A_261 = arith.constant 16 : index
        %get3A_262 = tpu.vector_load %arg7[%get3A_260, %get3A_261] {strides = array<i32>} : memref<1600x32xf32, #tpu.memory_space<vmem>>, vector<16xf32>,
        %add3A_263 = arith.addf %add3A_244, %get3A_257 : vector<16xf32>
        %add3A_264 = arith.addf %add3A_245, %get3A_262 : vector<16xf32>
        %max3A_265 = arith.maximumf %get3A_257, %get3A_262 : vector<16xf32>
        %gt3A_266 = arith.constant 0.000000e+00 : f32
        %gt3A_267 = vector.broadcast %gt3A_266 : f32 to vector<16xf32>
        %gt3A_268 = arith.cmpf ogt, %max3A_265, %gt3A_267 : vector<16xf32>
        %all_reduce_population_count3A_269 = tpu.all_reduce %gt3A_268 {dim = 0 : i64, kind = #tpu.reduction_kind<sum>} : vector<16xi1> -> vector<16xi32>
        %min3A_270 = arith.minsi %all_reduce_population_count3A_269, %broadcast_in_dim3A_3 : vector<16xi32>
        %add3A_271 = arith.addi %add3A_252, %min3A_270 : vector<16xi32>
        %add3A_272 = arith.constant 5 : i32
        %add3A_273 = arith.addi %mul3A_183, %add3A_272 : i32
        %get3A_274 = arith.index_cast %add3A_273 : i32 to index
        %get3A_275 = arith.constant 0 : index
        %get3A_276 = tpu.vector_load %arg7[%get3A_274, %get3A_275] {strides = array<i32>} : memref<1600x32xf32, #tpu.memory_space<vmem>>, vector<16xf32>,
        %add3A_277 = arith.constant 5 : i32
        %add3A_278 = arith.addi %mul3A_183, %add3A_277 : i32
        %get3A_279 = arith.index_cast %add3A_278 : i32 to index
        %get3A_280 = arith.constant 16 : index
        %get3A_281 = tpu.vector_load %arg7[%get3A_279, %get3A_280] {strides = array<i32>} : memref<1600x32xf32, #tpu.memory_space<vmem>>, vector<16xf32>,
        %add3A_282 = arith.addf %add3A_263, %get3A_276 : vector<16xf32>
        %add3A_283 = arith.addf %add3A_264, %get3A_281 : vector<16xf32>
        %max3A_284 = arith.maximumf %get3A_276, %get3A_281 : vector<16xf32>
        %gt3A_285 = arith.constant 0.000000e+00 : f32
        %gt3A_286 = vector.broadcast %gt3A_285 : f32 to vector<16xf32>
        %gt3A_287 = arith.cmpf ogt, %max3A_284, %gt3A_286 : vector<16xf32>
        %all_reduce_population_count3A_288 = tpu.all_reduce %gt3A_287 {dim = 0 : i64, kind = #tpu.reduction_kind<sum>} : vector<16xi1> -> vector<16xi32>
        %min3A_289 = arith.minsi %all_reduce_population_count3A_288, %broadcast_in_dim3A_3 : vector<16xi32>
        %add3A_290 = arith.addi %add3A_271, %min3A_289 : vector<16xi32>
        %add3A_291 = arith.constant 6 : i32
        %add3A_292 = arith.addi %mul3A_183, %add3A_291 : i32
        %get3A_293 = arith.index_cast %add3A_292 : i32 to index
        %get3A_294 = arith.constant 0 : index
        %get3A_295 = tpu.vector_load %arg7[%get3A_293, %get3A_294] {strides = array<i32>} : memref<1600x32xf32, #tpu.memory_space<vmem>>, vector<16xf32>,
        %add3A_296 = arith.constant 6 : i32
        %add3A_297 = arith.addi %mul3A_183, %add3A_296 : i32
        %get3A_298 = arith.index_cast %add3A_297 : i32 to index
        %get3A_299 = arith.constant 16 : index
        %get3A_300 = tpu.vector_load %arg7[%get3A_298, %get3A_299] {strides = array<i32>} : memref<1600x32xf32, #tpu.memory_space<vmem>>, vector<16xf32>,
        %add3A_301 = arith.addf %add3A_282, %get3A_295 : vector<16xf32>
        %add3A_302 = arith.addf %add3A_283, %get3A_300 : vector<16xf32>
        %max3A_303 = arith.maximumf %get3A_295, %get3A_300 : vector<16xf32>
        %gt3A_304 = arith.constant 0.000000e+00 : f32
        %gt3A_305 = vector.broadcast %gt3A_304 : f32 to vector<16xf32>
        %gt3A_306 = arith.cmpf ogt, %max3A_303, %gt3A_305 : vector<16xf32>
        %all_reduce_population_count3A_307 = tpu.all_reduce %gt3A_306 {dim = 0 : i64, kind = #tpu.reduction_kind<sum>} : vector<16xi1> -> vector<16xi32>
        %min3A_308 = arith.minsi %all_reduce_population_count3A_307, %broadcast_in_dim3A_3 : vector<16xi32>
        %add3A_309 = arith.addi %add3A_290, %min3A_308 : vector<16xi32>
        %add3A_310 = arith.constant 7 : i32
        %add3A_311 = arith.addi %mul3A_183, %add3A_310 : i32
        %get3A_312 = arith.index_cast %add3A_311 : i32 to index
        %get3A_313 = arith.constant 0 : index
        %get3A_314 = tpu.vector_load %arg7[%get3A_312, %get3A_313] {strides = array<i32>} : memref<1600x32xf32, #tpu.memory_space<vmem>>, vector<16xf32>,
        %add3A_315 = arith.constant 7 : i32
        %add3A_316 = arith.addi %mul3A_183, %add3A_315 : i32
        %get3A_317 = arith.index_cast %add3A_316 : i32 to index
        %get3A_318 = arith.constant 16 : index
        %get3A_319 = tpu.vector_load %arg7[%get3A_317, %get3A_318] {strides = array<i32>} : memref<1600x32xf32, #tpu.memory_space<vmem>>, vector<16xf32>,
        %add3A_320 = arith.addf %add3A_301, %get3A_314 : vector<16xf32>
        %add3A_321 = arith.addf %add3A_302, %get3A_319 : vector<16xf32>
        %max3A_322 = arith.maximumf %get3A_314, %get3A_319 : vector<16xf32>
        %gt3A_323 = arith.constant 0.000000e+00 : f32
        %gt3A_324 = vector.broadcast %gt3A_323 : f32 to vector<16xf32>
        %gt3A_325 = arith.cmpf ogt, %max3A_322, %gt3A_324 : vector<16xf32>
        %all_reduce_population_count3A_326 = tpu.all_reduce %gt3A_325 {dim = 0 : i64, kind = #tpu.reduction_kind<sum>} : vector<16xi1> -> vector<16xi32>
        %min3A_327 = arith.minsi %all_reduce_population_count3A_326, %broadcast_in_dim3A_3 : vector<16xi32>
        %add3A_328 = arith.addi %add3A_309, %min3A_327 : vector<16xi32>
        %add3A_329 = arith.constant 8 : i32
        %add3A_330 = arith.addi %mul3A_183, %add3A_329 : i32
        %get3A_331 = arith.index_cast %add3A_330 : i32 to index
        %get3A_332 = arith.constant 0 : index
        %get3A_333 = tpu.vector_load %arg7[%get3A_331, %get3A_332] {strides = array<i32>} : memref<1600x32xf32, #tpu.memory_space<vmem>>, vector<16xf32>,
        %add3A_334 = arith.constant 8 : i32
        %add3A_335 = arith.addi %mul3A_183, %add3A_334 : i32
        %get3A_336 = arith.index_cast %add3A_335 : i32 to index
        %get3A_337 = arith.constant 16 : index
        %get3A_338 = tpu.vector_load %arg7[%get3A_336, %get3A_337] {strides = array<i32>} : memref<1600x32xf32, #tpu.memory_space<vmem>>, vector<16xf32>,
        %add3A_339 = arith.addf %add3A_320, %get3A_333 : vector<16xf32>
        %add3A_340 = arith.addf %add3A_321, %get3A_338 : vector<16xf32>
        %max3A_341 = arith.maximumf %get3A_333, %get3A_338 : vector<16xf32>
        %gt3A_342 = arith.constant 0.000000e+00 : f32
        %gt3A_343 = vector.broadcast %gt3A_342 : f32 to vector<16xf32>
        %gt3A_344 = arith.cmpf ogt, %max3A_341, %gt3A_343 : vector<16xf32>
        %all_reduce_population_count3A_345 = tpu.all_reduce %gt3A_344 {dim = 0 : i64, kind = #tpu.reduction_kind<sum>} : vector<16xi1> -> vector<16xi32>
        %min3A_346 = arith.minsi %all_reduce_population_count3A_345, %broadcast_in_dim3A_3 : vector<16xi32>
        %add3A_347 = arith.addi %add3A_328, %min3A_346 : vector<16xi32>
        %add3A_348 = arith.constant 9 : i32
        %add3A_349 = arith.addi %mul3A_183, %add3A_348 : i32
        %get3A_350 = arith.index_cast %add3A_349 : i32 to index
        %get3A_351 = arith.constant 0 : index
        %get3A_352 = tpu.vector_load %arg7[%get3A_350, %get3A_351] {strides = array<i32>} : memref<1600x32xf32, #tpu.memory_space<vmem>>, vector<16xf32>,
        %add3A_353 = arith.constant 9 : i32
        %add3A_354 = arith.addi %mul3A_183, %add3A_353 : i32
        %get3A_355 = arith.index_cast %add3A_354 : i32 to index
        %get3A_356 = arith.constant 16 : index
        %get3A_357 = tpu.vector_load %arg7[%get3A_355, %get3A_356] {strides = array<i32>} : memref<1600x32xf32, #tpu.memory_space<vmem>>, vector<16xf32>,
        %add3A_358 = arith.addf %add3A_339, %get3A_352 : vector<16xf32>
        %add3A_359 = arith.addf %add3A_340, %get3A_357 : vector<16xf32>
        %max3A_360 = arith.maximumf %get3A_352, %get3A_357 : vector<16xf32>
        %gt3A_361 = arith.constant 0.000000e+00 : f32
        %gt3A_362 = vector.broadcast %gt3A_361 : f32 to vector<16xf32>
        %gt3A_363 = arith.cmpf ogt, %max3A_360, %gt3A_362 : vector<16xf32>
        %all_reduce_population_count3A_364 = tpu.all_reduce %gt3A_363 {dim = 0 : i64, kind = #tpu.reduction_kind<sum>} : vector<16xi1> -> vector<16xi32>
        %min3A_365 = arith.minsi %all_reduce_population_count3A_364, %broadcast_in_dim3A_3 : vector<16xi32>
        %add3A_366 = arith.addi %add3A_347, %min3A_365 : vector<16xi32>
        %add3A_367 = arith.constant 10 : i32
        %add3A_368 = arith.addi %mul3A_183, %add3A_367 : i32
        %get3A_369 = arith.index_cast %add3A_368 : i32 to index
        %get3A_370 = arith.constant 0 : index
        %get3A_371 = tpu.vector_load %arg7[%get3A_369, %get3A_370] {strides = array<i32>} : memref<1600x32xf32, #tpu.memory_space<vmem>>, vector<16xf32>,
        %add3A_372 = arith.constant 10 : i32
        %add3A_373 = arith.addi %mul3A_183, %add3A_372 : i32
        %get3A_374 = arith.index_cast %add3A_373 : i32 to index
        %get3A_375 = arith.constant 16 : index
        %get3A_376 = tpu.vector_load %arg7[%get3A_374, %get3A_375] {strides = array<i32>} : memref<1600x32xf32, #tpu.memory_space<vmem>>, vector<16xf32>,
        %add3A_377 = arith.addf %add3A_358, %get3A_371 : vector<16xf32>
        %add3A_378 = arith.addf %add3A_359, %get3A_376 : vector<16xf32>
        %max3A_379 = arith.maximumf %get3A_371, %get3A_376 : vector<16xf32>
        %gt3A_380 = arith.constant 0.000000e+00 : f32
        %gt3A_381 = vector.broadcast %gt3A_380 : f32 to vector<16xf32>
        %gt3A_382 = arith.cmpf ogt, %max3A_379, %gt3A_381 : vector<16xf32>
        %all_reduce_population_count3A_383 = tpu.all_reduce %gt3A_382 {dim = 0 : i64, kind = #tpu.reduction_kind<sum>} : vector<16xi1> -> vector<16xi32>
        %min3A_384 = arith.minsi %all_reduce_population_count3A_383, %broadcast_in_dim3A_3 : vector<16xi32>
        %add3A_385 = arith.addi %add3A_366, %min3A_384 : vector<16xi32>
        %add3A_386 = arith.constant 11 : i32
        %add3A_387 = arith.addi %mul3A_183, %add3A_386 : i32
        %get3A_388 = arith.index_cast %add3A_387 : i32 to index
        %get3A_389 = arith.constant 0 : index
        %get3A_390 = tpu.vector_load %arg7[%get3A_388, %get3A_389] {strides = array<i32>} : memref<1600x32xf32, #tpu.memory_space<vmem>>, vector<16xf32>,
        %add3A_391 = arith.constant 11 : i32
        %add3A_392 = arith.addi %mul3A_183, %add3A_391 : i32
        %get3A_393 = arith.index_cast %add3A_392 : i32 to index
        %get3A_394 = arith.constant 16 : index
        %get3A_395 = tpu.vector_load %arg7[%get3A_393, %get3A_394] {strides = array<i32>} : memref<1600x32xf32, #tpu.memory_space<vmem>>, vector<16xf32>,
        %add3A_396 = arith.addf %add3A_377, %get3A_390 : vector<16xf32>
        %add3A_397 = arith.addf %add3A_378, %get3A_395 : vector<16xf32>
        %max3A_398 = arith.maximumf %get3A_390, %get3A_395 : vector<16xf32>
        %gt3A_399 = arith.constant 0.000000e+00 : f32
        %gt3A_400 = vector.broadcast %gt3A_399 : f32 to vector<16xf32>
        %gt3A_401 = arith.cmpf ogt, %max3A_398, %gt3A_400 : vector<16xf32>
        %all_reduce_population_count3A_402 = tpu.all_reduce %gt3A_401 {dim = 0 : i64, kind = #tpu.reduction_kind<sum>} : vector<16xi1> -> vector<16xi32>
        %min3A_403 = arith.minsi %all_reduce_population_count3A_402, %broadcast_in_dim3A_3 : vector<16xi32>
        %add3A_404 = arith.addi %add3A_385, %min3A_403 : vector<16xi32>
        %add3A_405 = arith.constant 12 : i32
        %add3A_406 = arith.addi %mul3A_183, %add3A_405 : i32
        %get3A_407 = arith.index_cast %add3A_406 : i32 to index
        %get3A_408 = arith.constant 0 : index
        %get3A_409 = tpu.vector_load %arg7[%get3A_407, %get3A_408] {strides = array<i32>} : memref<1600x32xf32, #tpu.memory_space<vmem>>, vector<16xf32>,
        %add3A_410 = arith.constant 12 : i32
        %add3A_411 = arith.addi %mul3A_183, %add3A_410 : i32
        %get3A_412 = arith.index_cast %add3A_411 : i32 to index
        %get3A_413 = arith.constant 16 : index
        %get3A_414 = tpu.vector_load %arg7[%get3A_412, %get3A_413] {strides = array<i32>} : memref<1600x32xf32, #tpu.memory_space<vmem>>, vector<16xf32>,
        %add3A_415 = arith.addf %add3A_396, %get3A_409 : vector<16xf32>
        %add3A_416 = arith.addf %add3A_397, %get3A_414 : vector<16xf32>
        %max3A_417 = arith.maximumf %get3A_409, %get3A_414 : vector<16xf32>
        %gt3A_418 = arith.constant 0.000000e+00 : f32
        %gt3A_419 = vector.broadcast %gt3A_418 : f32 to vector<16xf32>
        %gt3A_420 = arith.cmpf ogt, %max3A_417, %gt3A_419 : vector<16xf32>
        %all_reduce_population_count3A_421 = tpu.all_reduce %gt3A_420 {dim = 0 : i64, kind = #tpu.reduction_kind<sum>} : vector<16xi1> -> vector<16xi32>
        %min3A_422 = arith.minsi %all_reduce_population_count3A_421, %broadcast_in_dim3A_3 : vector<16xi32>
        %add3A_423 = arith.addi %add3A_404, %min3A_422 : vector<16xi32>
        %add3A_424 = arith.constant 13 : i32
        %add3A_425 = arith.addi %mul3A_183, %add3A_424 : i32
        %get3A_426 = arith.index_cast %add3A_425 : i32 to index
        %get3A_427 = arith.constant 0 : index
        %get3A_428 = tpu.vector_load %arg7[%get3A_426, %get3A_427] {strides = array<i32>} : memref<1600x32xf32, #tpu.memory_space<vmem>>, vector<16xf32>,
        %add3A_429 = arith.constant 13 : i32
        %add3A_430 = arith.addi %mul3A_183, %add3A_429 : i32
        %get3A_431 = arith.index_cast %add3A_430 : i32 to index
        %get3A_432 = arith.constant 16 : index
        %get3A_433 = tpu.vector_load %arg7[%get3A_431, %get3A_432] {strides = array<i32>} : memref<1600x32xf32, #tpu.memory_space<vmem>>, vector<16xf32>,
        %add3A_434 = arith.addf %add3A_415, %get3A_428 : vector<16xf32>
        %add3A_435 = arith.addf %add3A_416, %get3A_433 : vector<16xf32>
        %max3A_436 = arith.maximumf %get3A_428, %get3A_433 : vector<16xf32>
        %gt3A_437 = arith.constant 0.000000e+00 : f32
        %gt3A_438 = vector.broadcast %gt3A_437 : f32 to vector<16xf32>
        %gt3A_439 = arith.cmpf ogt, %max3A_436, %gt3A_438 : vector<16xf32>
        %all_reduce_population_count3A_440 = tpu.all_reduce %gt3A_439 {dim = 0 : i64, kind = #tpu.reduction_kind<sum>} : vector<16xi1> -> vector<16xi32>
        %min3A_441 = arith.minsi %all_reduce_population_count3A_440, %broadcast_in_dim3A_3 : vector<16xi32>
        %add3A_442 = arith.addi %add3A_423, %min3A_441 : vector<16xi32>
        %add3A_443 = arith.constant 14 : i32
        %add3A_444 = arith.addi %mul3A_183, %add3A_443 : i32
        %get3A_445 = arith.index_cast %add3A_444 : i32 to index
        %get3A_446 = arith.constant 0 : index
        %get3A_447 = tpu.vector_load %arg7[%get3A_445, %get3A_446] {strides = array<i32>} : memref<1600x32xf32, #tpu.memory_space<vmem>>, vector<16xf32>,
        %add3A_448 = arith.constant 14 : i32
        %add3A_449 = arith.addi %mul3A_183, %add3A_448 : i32
        %get3A_450 = arith.index_cast %add3A_449 : i32 to index
        %get3A_451 = arith.constant 16 : index
        %get3A_452 = tpu.vector_load %arg7[%get3A_450, %get3A_451] {strides = array<i32>} : memref<1600x32xf32, #tpu.memory_space<vmem>>, vector<16xf32>,
        %add3A_453 = arith.addf %add3A_434, %get3A_447 : vector<16xf32>
        %add3A_454 = arith.addf %add3A_435, %get3A_452 : vector<16xf32>
        %max3A_455 = arith.maximumf %get3A_447, %get3A_452 : vector<16xf32>
        %gt3A_456 = arith.constant 0.000000e+00 : f32
        %gt3A_457 = vector.broadcast %gt3A_456 : f32 to vector<16xf32>
        %gt3A_458 = arith.cmpf ogt, %max3A_455, %gt3A_457 : vector<16xf32>
        %all_reduce_population_count3A_459 = tpu.all_reduce %gt3A_458 {dim = 0 : i64, kind = #tpu.reduction_kind<sum>} : vector<16xi1> -> vector<16xi32>
        %min3A_460 = arith.minsi %all_reduce_population_count3A_459, %broadcast_in_dim3A_3 : vector<16xi32>
        %add3A_461 = arith.addi %add3A_442, %min3A_460 : vector<16xi32>
        %add3A_462 = arith.constant 15 : i32
        %add3A_463 = arith.addi %mul3A_183, %add3A_462 : i32
        %get3A_464 = arith.index_cast %add3A_463 : i32 to index
        %get3A_465 = arith.constant 0 : index
        %get3A_466 = tpu.vector_load %arg7[%get3A_464, %get3A_465] {strides = array<i32>} : memref<1600x32xf32, #tpu.memory_space<vmem>>, vector<16xf32>,
        %add3A_467 = arith.constant 15 : i32
        %add3A_468 = arith.addi %mul3A_183, %add3A_467 : i32
        %get3A_469 = arith.index_cast %add3A_468 : i32 to index
        %get3A_470 = arith.constant 16 : index
        %get3A_471 = tpu.vector_load %arg7[%get3A_469, %get3A_470] {strides = array<i32>} : memref<1600x32xf32, #tpu.memory_space<vmem>>, vector<16xf32>,
        %add3A_472 = arith.addf %add3A_453, %get3A_466 : vector<16xf32>
        %add3A_473 = arith.addf %add3A_454, %get3A_471 : vector<16xf32>
        %max3A_474 = arith.maximumf %get3A_466, %get3A_471 : vector<16xf32>
        %gt3A_475 = arith.constant 0.000000e+00 : f32
        %gt3A_476 = vector.broadcast %gt3A_475 : f32 to vector<16xf32>
        %gt3A_477 = arith.cmpf ogt, %max3A_474, %gt3A_476 : vector<16xf32>
        %all_reduce_population_count3A_478 = tpu.all_reduce %gt3A_477 {dim = 0 : i64, kind = #tpu.reduction_kind<sum>} : vector<16xi1> -> vector<16xi32>
        %min3A_479 = arith.minsi %all_reduce_population_count3A_478, %broadcast_in_dim3A_3 : vector<16xi32>
        %add3A_480 = arith.addi %add3A_461, %min3A_479 : vector<16xi32>
        %add3A_481 = arith.constant 16 : i32
        %add3A_482 = arith.addi %mul3A_183, %add3A_481 : i32
        %get3A_483 = arith.index_cast %add3A_482 : i32 to index
        %get3A_484 = arith.constant 0 : index
        %get3A_485 = tpu.vector_load %arg7[%get3A_483, %get3A_484] {strides = array<i32>} : memref<1600x32xf32, #tpu.memory_space<vmem>>, vector<16xf32>,
        %add3A_486 = arith.constant 16 : i32
        %add3A_487 = arith.addi %mul3A_183, %add3A_486 : i32
        %get3A_488 = arith.index_cast %add3A_487 : i32 to index
        %get3A_489 = arith.constant 16 : index
        %get3A_490 = tpu.vector_load %arg7[%get3A_488, %get3A_489] {strides = array<i32>} : memref<1600x32xf32, #tpu.memory_space<vmem>>, vector<16xf32>,
        %add3A_491 = arith.addf %add3A_472, %get3A_485 : vector<16xf32>
        %add3A_492 = arith.addf %add3A_473, %get3A_490 : vector<16xf32>
        %max3A_493 = arith.maximumf %get3A_485, %get3A_490 : vector<16xf32>
        %gt3A_494 = arith.constant 0.000000e+00 : f32
        %gt3A_495 = vector.broadcast %gt3A_494 : f32 to vector<16xf32>
        %gt3A_496 = arith.cmpf ogt, %max3A_493, %gt3A_495 : vector<16xf32>
        %all_reduce_population_count3A_497 = tpu.all_reduce %gt3A_496 {dim = 0 : i64, kind = #tpu.reduction_kind<sum>} : vector<16xi1> -> vector<16xi32>
        %min3A_498 = arith.minsi %all_reduce_population_count3A_497, %broadcast_in_dim3A_3 : vector<16xi32>
        %add3A_499 = arith.addi %add3A_480, %min3A_498 : vector<16xi32>
        %add3A_500 = arith.constant 17 : i32
        %add3A_501 = arith.addi %mul3A_183, %add3A_500 : i32
        %get3A_502 = arith.index_cast %add3A_501 : i32 to index
        %get3A_503 = arith.constant 0 : index
        %get3A_504 = tpu.vector_load %arg7[%get3A_502, %get3A_503] {strides = array<i32>} : memref<1600x32xf32, #tpu.memory_space<vmem>>, vector<16xf32>,
        %add3A_505 = arith.constant 17 : i32
        %add3A_506 = arith.addi %mul3A_183, %add3A_505 : i32
        %get3A_507 = arith.index_cast %add3A_506 : i32 to index
        %get3A_508 = arith.constant 16 : index
        %get3A_509 = tpu.vector_load %arg7[%get3A_507, %get3A_508] {strides = array<i32>} : memref<1600x32xf32, #tpu.memory_space<vmem>>, vector<16xf32>,
        %add3A_510 = arith.addf %add3A_491, %get3A_504 : vector<16xf32>
        %add3A_511 = arith.addf %add3A_492, %get3A_509 : vector<16xf32>
        %max3A_512 = arith.maximumf %get3A_504, %get3A_509 : vector<16xf32>
        %gt3A_513 = arith.constant 0.000000e+00 : f32
        %gt3A_514 = vector.broadcast %gt3A_513 : f32 to vector<16xf32>
        %gt3A_515 = arith.cmpf ogt, %max3A_512, %gt3A_514 : vector<16xf32>
        %all_reduce_population_count3A_516 = tpu.all_reduce %gt3A_515 {dim = 0 : i64, kind = #tpu.reduction_kind<sum>} : vector<16xi1> -> vector<16xi32>
        %min3A_517 = arith.minsi %all_reduce_population_count3A_516, %broadcast_in_dim3A_3 : vector<16xi32>
        %add3A_518 = arith.addi %add3A_499, %min3A_517 : vector<16xi32>
        %add3A_519 = arith.constant 18 : i32
        %add3A_520 = arith.addi %mul3A_183, %add3A_519 : i32
        %get3A_521 = arith.index_cast %add3A_520 : i32 to index
        %get3A_522 = arith.constant 0 : index
        %get3A_523 = tpu.vector_load %arg7[%get3A_521, %get3A_522] {strides = array<i32>} : memref<1600x32xf32, #tpu.memory_space<vmem>>, vector<16xf32>,
        %add3A_524 = arith.constant 18 : i32
        %add3A_525 = arith.addi %mul3A_183, %add3A_524 : i32
        %get3A_526 = arith.index_cast %add3A_525 : i32 to index
        %get3A_527 = arith.constant 16 : index
        %get3A_528 = tpu.vector_load %arg7[%get3A_526, %get3A_527] {strides = array<i32>} : memref<1600x32xf32, #tpu.memory_space<vmem>>, vector<16xf32>,
        %add3A_529 = arith.addf %add3A_510, %get3A_523 : vector<16xf32>
        %add3A_530 = arith.addf %add3A_511, %get3A_528 : vector<16xf32>
        %max3A_531 = arith.maximumf %get3A_523, %get3A_528 : vector<16xf32>
        %gt3A_532 = arith.constant 0.000000e+00 : f32
        %gt3A_533 = vector.broadcast %gt3A_532 : f32 to vector<16xf32>
        %gt3A_534 = arith.cmpf ogt, %max3A_531, %gt3A_533 : vector<16xf32>
        %all_reduce_population_count3A_535 = tpu.all_reduce %gt3A_534 {dim = 0 : i64, kind = #tpu.reduction_kind<sum>} : vector<16xi1> -> vector<16xi32>
        %min3A_536 = arith.minsi %all_reduce_population_count3A_535, %broadcast_in_dim3A_3 : vector<16xi32>
        %add3A_537 = arith.addi %add3A_518, %min3A_536 : vector<16xi32>
        %add3A_538 = arith.constant 19 : i32
        %add3A_539 = arith.addi %mul3A_183, %add3A_538 : i32
        %get3A_540 = arith.index_cast %add3A_539 : i32 to index
        %get3A_541 = arith.constant 0 : index
        %get3A_542 = tpu.vector_load %arg7[%get3A_540, %get3A_541] {strides = array<i32>} : memref<1600x32xf32, #tpu.memory_space<vmem>>, vector<16xf32>,
        %add3A_543 = arith.constant 19 : i32
        %add3A_544 = arith.addi %mul3A_183, %add3A_543 : i32
        %get3A_545 = arith.index_cast %add3A_544 : i32 to index
        %get3A_546 = arith.constant 16 : index
        %get3A_547 = tpu.vector_load %arg7[%get3A_545, %get3A_546] {strides = array<i32>} : memref<1600x32xf32, #tpu.memory_space<vmem>>, vector<16xf32>,
        %add3A_548 = arith.addf %add3A_529, %get3A_542 : vector<16xf32>
        %add3A_549 = arith.addf %add3A_530, %get3A_547 : vector<16xf32>
        %max3A_550 = arith.maximumf %get3A_542, %get3A_547 : vector<16xf32>
        %gt3A_551 = arith.constant 0.000000e+00 : f32
        %gt3A_552 = vector.broadcast %gt3A_551 : f32 to vector<16xf32>
        %gt3A_553 = arith.cmpf ogt, %max3A_550, %gt3A_552 : vector<16xf32>
        %all_reduce_population_count3A_554 = tpu.all_reduce %gt3A_553 {dim = 0 : i64, kind = #tpu.reduction_kind<sum>} : vector<16xi1> -> vector<16xi32>
        %min3A_555 = arith.minsi %all_reduce_population_count3A_554, %broadcast_in_dim3A_3 : vector<16xi32>
        %add3A_556 = arith.addi %add3A_537, %min3A_555 : vector<16xi32>
        %add3A_557 = arith.constant 20 : i32
        %add3A_558 = arith.addi %mul3A_183, %add3A_557 : i32
        %get3A_559 = arith.index_cast %add3A_558 : i32 to index
        %get3A_560 = arith.constant 0 : index
        %get3A_561 = tpu.vector_load %arg7[%get3A_559, %get3A_560] {strides = array<i32>} : memref<1600x32xf32, #tpu.memory_space<vmem>>, vector<16xf32>,
        %add3A_562 = arith.constant 20 : i32
        %add3A_563 = arith.addi %mul3A_183, %add3A_562 : i32
        %get3A_564 = arith.index_cast %add3A_563 : i32 to index
        %get3A_565 = arith.constant 16 : index
        %get3A_566 = tpu.vector_load %arg7[%get3A_564, %get3A_565] {strides = array<i32>} : memref<1600x32xf32, #tpu.memory_space<vmem>>, vector<16xf32>,
        %add3A_567 = arith.addf %add3A_548, %get3A_561 : vector<16xf32>
        %add3A_568 = arith.addf %add3A_549, %get3A_566 : vector<16xf32>
        %max3A_569 = arith.maximumf %get3A_561, %get3A_566 : vector<16xf32>
        %gt3A_570 = arith.constant 0.000000e+00 : f32
        %gt3A_571 = vector.broadcast %gt3A_570 : f32 to vector<16xf32>
        %gt3A_572 = arith.cmpf ogt, %max3A_569, %gt3A_571 : vector<16xf32>
        %all_reduce_population_count3A_573 = tpu.all_reduce %gt3A_572 {dim = 0 : i64, kind = #tpu.reduction_kind<sum>} : vector<16xi1> -> vector<16xi32>
        %min3A_574 = arith.minsi %all_reduce_population_count3A_573, %broadcast_in_dim3A_3 : vector<16xi32>
        %add3A_575 = arith.addi %add3A_556, %min3A_574 : vector<16xi32>
        %add3A_576 = arith.constant 21 : i32
        %add3A_577 = arith.addi %mul3A_183, %add3A_576 : i32
        %get3A_578 = arith.index_cast %add3A_577 : i32 to index
        %get3A_579 = arith.constant 0 : index
        %get3A_580 = tpu.vector_load %arg7[%get3A_578, %get3A_579] {strides = array<i32>} : memref<1600x32xf32, #tpu.memory_space<vmem>>, vector<16xf32>,
        %add3A_581 = arith.constant 21 : i32
        %add3A_582 = arith.addi %mul3A_183, %add3A_581 : i32
        %get3A_583 = arith.index_cast %add3A_582 : i32 to index
        %get3A_584 = arith.constant 16 : index
        %get3A_585 = tpu.vector_load %arg7[%get3A_583, %get3A_584] {strides = array<i32>} : memref<1600x32xf32, #tpu.memory_space<vmem>>, vector<16xf32>,
        %add3A_586 = arith.addf %add3A_567, %get3A_580 : vector<16xf32>
        %add3A_587 = arith.addf %add3A_568, %get3A_585 : vector<16xf32>
        %max3A_588 = arith.maximumf %get3A_580, %get3A_585 : vector<16xf32>
        %gt3A_589 = arith.constant 0.000000e+00 : f32
        %gt3A_590 = vector.broadcast %gt3A_589 : f32 to vector<16xf32>
        %gt3A_591 = arith.cmpf ogt, %max3A_588, %gt3A_590 : vector<16xf32>
        %all_reduce_population_count3A_592 = tpu.all_reduce %gt3A_591 {dim = 0 : i64, kind = #tpu.reduction_kind<sum>} : vector<16xi1> -> vector<16xi32>
        %min3A_593 = arith.minsi %all_reduce_population_count3A_592, %broadcast_in_dim3A_3 : vector<16xi32>
        %add3A_594 = arith.addi %add3A_575, %min3A_593 : vector<16xi32>
        %add3A_595 = arith.constant 22 : i32
        %add3A_596 = arith.addi %mul3A_183, %add3A_595 : i32
        %get3A_597 = arith.index_cast %add3A_596 : i32 to index
        %get3A_598 = arith.constant 0 : index
        %get3A_599 = tpu.vector_load %arg7[%get3A_597, %get3A_598] {strides = array<i32>} : memref<1600x32xf32, #tpu.memory_space<vmem>>, vector<16xf32>,
        %add3A_600 = arith.constant 22 : i32
        %add3A_601 = arith.addi %mul3A_183, %add3A_600 : i32
        %get3A_602 = arith.index_cast %add3A_601 : i32 to index
        %get3A_603 = arith.constant 16 : index
        %get3A_604 = tpu.vector_load %arg7[%get3A_602, %get3A_603] {strides = array<i32>} : memref<1600x32xf32, #tpu.memory_space<vmem>>, vector<16xf32>,
        %add3A_605 = arith.addf %add3A_586, %get3A_599 : vector<16xf32>
        %add3A_606 = arith.addf %add3A_587, %get3A_604 : vector<16xf32>
        %max3A_607 = arith.maximumf %get3A_599, %get3A_604 : vector<16xf32>
        %gt3A_608 = arith.constant 0.000000e+00 : f32
        %gt3A_609 = vector.broadcast %gt3A_608 : f32 to vector<16xf32>
        %gt3A_610 = arith.cmpf ogt, %max3A_607, %gt3A_609 : vector<16xf32>
        %all_reduce_population_count3A_611 = tpu.all_reduce %gt3A_610 {dim = 0 : i64, kind = #tpu.reduction_kind<sum>} : vector<16xi1> -> vector<16xi32>
        %min3A_612 = arith.minsi %all_reduce_population_count3A_611, %broadcast_in_dim3A_3 : vector<16xi32>
        %add3A_613 = arith.addi %add3A_594, %min3A_612 : vector<16xi32>
        %add3A_614 = arith.constant 23 : i32
        %add3A_615 = arith.addi %mul3A_183, %add3A_614 : i32
        %get3A_616 = arith.index_cast %add3A_615 : i32 to index
        %get3A_617 = arith.constant 0 : index
        %get3A_618 = tpu.vector_load %arg7[%get3A_616, %get3A_617] {strides = array<i32>} : memref<1600x32xf32, #tpu.memory_space<vmem>>, vector<16xf32>,
        %add3A_619 = arith.constant 23 : i32
        %add3A_620 = arith.addi %mul3A_183, %add3A_619 : i32
        %get3A_621 = arith.index_cast %add3A_620 : i32 to index
        %get3A_622 = arith.constant 16 : index
        %get3A_623 = tpu.vector_load %arg7[%get3A_621, %get3A_622] {strides = array<i32>} : memref<1600x32xf32, #tpu.memory_space<vmem>>, vector<16xf32>,
        %add3A_624 = arith.addf %add3A_605, %get3A_618 : vector<16xf32>
        %add3A_625 = arith.addf %add3A_606, %get3A_623 : vector<16xf32>
        %max3A_626 = arith.maximumf %get3A_618, %get3A_623 : vector<16xf32>
        %gt3A_627 = arith.constant 0.000000e+00 : f32
        %gt3A_628 = vector.broadcast %gt3A_627 : f32 to vector<16xf32>
        %gt3A_629 = arith.cmpf ogt, %max3A_626, %gt3A_628 : vector<16xf32>
        %all_reduce_population_count3A_630 = tpu.all_reduce %gt3A_629 {dim = 0 : i64, kind = #tpu.reduction_kind<sum>} : vector<16xi1> -> vector<16xi32>
        %min3A_631 = arith.minsi %all_reduce_population_count3A_630, %broadcast_in_dim3A_3 : vector<16xi32>
        %add3A_632 = arith.addi %add3A_613, %min3A_631 : vector<16xi32>
        %add3A_633 = arith.constant 24 : i32
        %add3A_634 = arith.addi %mul3A_183, %add3A_633 : i32
        %get3A_635 = arith.index_cast %add3A_634 : i32 to index
        %get3A_636 = arith.constant 0 : index
        %get3A_637 = tpu.vector_load %arg7[%get3A_635, %get3A_636] {strides = array<i32>} : memref<1600x32xf32, #tpu.memory_space<vmem>>, vector<16xf32>,
        %add3A_638 = arith.constant 24 : i32
        %add3A_639 = arith.addi %mul3A_183, %add3A_638 : i32
        %get3A_640 = arith.index_cast %add3A_639 : i32 to index
        %get3A_641 = arith.constant 16 : index
        %get3A_642 = tpu.vector_load %arg7[%get3A_640, %get3A_641] {strides = array<i32>} : memref<1600x32xf32, #tpu.memory_space<vmem>>, vector<16xf32>,
        %add3A_643 = arith.addf %add3A_624, %get3A_637 : vector<16xf32>
        %add3A_644 = arith.addf %add3A_625, %get3A_642 : vector<16xf32>
        %max3A_645 = arith.maximumf %get3A_637, %get3A_642 : vector<16xf32>
        %gt3A_646 = arith.constant 0.000000e+00 : f32
        %gt3A_647 = vector.broadcast %gt3A_646 : f32 to vector<16xf32>
        %gt3A_648 = arith.cmpf ogt, %max3A_645, %gt3A_647 : vector<16xf32>
        %all_reduce_population_count3A_649 = tpu.all_reduce %gt3A_648 {dim = 0 : i64, kind = #tpu.reduction_kind<sum>} : vector<16xi1> -> vector<16xi32>
        %min3A_650 = arith.minsi %all_reduce_population_count3A_649, %broadcast_in_dim3A_3 : vector<16xi32>
        %add3A_651 = arith.addi %add3A_632, %min3A_650 : vector<16xi32>
        %add3A_652 = arith.constant 25 : i32
        %add3A_653 = arith.addi %mul3A_183, %add3A_652 : i32
        %get3A_654 = arith.index_cast %add3A_653 : i32 to index
        %get3A_655 = arith.constant 0 : index
        %get3A_656 = tpu.vector_load %arg7[%get3A_654, %get3A_655] {strides = array<i32>} : memref<1600x32xf32, #tpu.memory_space<vmem>>, vector<16xf32>,
        %add3A_657 = arith.constant 25 : i32
        %add3A_658 = arith.addi %mul3A_183, %add3A_657 : i32
        %get3A_659 = arith.index_cast %add3A_658 : i32 to index
        %get3A_660 = arith.constant 16 : index
        %get3A_661 = tpu.vector_load %arg7[%get3A_659, %get3A_660] {strides = array<i32>} : memref<1600x32xf32, #tpu.memory_space<vmem>>, vector<16xf32>,
        %add3A_662 = arith.addf %add3A_643, %get3A_656 : vector<16xf32>
        %add3A_663 = arith.addf %add3A_644, %get3A_661 : vector<16xf32>
        %max3A_664 = arith.maximumf %get3A_656, %get3A_661 : vector<16xf32>
        %gt3A_665 = arith.constant 0.000000e+00 : f32
        %gt3A_666 = vector.broadcast %gt3A_665 : f32 to vector<16xf32>
        %gt3A_667 = arith.cmpf ogt, %max3A_664, %gt3A_666 : vector<16xf32>
        %all_reduce_population_count3A_668 = tpu.all_reduce %gt3A_667 {dim = 0 : i64, kind = #tpu.reduction_kind<sum>} : vector<16xi1> -> vector<16xi32>
        %min3A_669 = arith.minsi %all_reduce_population_count3A_668, %broadcast_in_dim3A_3 : vector<16xi32>
        %add3A_670 = arith.addi %add3A_651, %min3A_669 : vector<16xi32>
        %add3A_671 = arith.constant 26 : i32
        %add3A_672 = arith.addi %mul3A_183, %add3A_671 : i32
        %get3A_673 = arith.index_cast %add3A_672 : i32 to index
        %get3A_674 = arith.constant 0 : index
        %get3A_675 = tpu.vector_load %arg7[%get3A_673, %get3A_674] {strides = array<i32>} : memref<1600x32xf32, #tpu.memory_space<vmem>>, vector<16xf32>,
        %add3A_676 = arith.constant 26 : i32
        %add3A_677 = arith.addi %mul3A_183, %add3A_676 : i32
        %get3A_678 = arith.index_cast %add3A_677 : i32 to index
        %get3A_679 = arith.constant 16 : index
        %get3A_680 = tpu.vector_load %arg7[%get3A_678, %get3A_679] {strides = array<i32>} : memref<1600x32xf32, #tpu.memory_space<vmem>>, vector<16xf32>,
        %add3A_681 = arith.addf %add3A_662, %get3A_675 : vector<16xf32>
        %add3A_682 = arith.addf %add3A_663, %get3A_680 : vector<16xf32>
        %max3A_683 = arith.maximumf %get3A_675, %get3A_680 : vector<16xf32>
        %gt3A_684 = arith.constant 0.000000e+00 : f32
        %gt3A_685 = vector.broadcast %gt3A_684 : f32 to vector<16xf32>
        %gt3A_686 = arith.cmpf ogt, %max3A_683, %gt3A_685 : vector<16xf32>
        %all_reduce_population_count3A_687 = tpu.all_reduce %gt3A_686 {dim = 0 : i64, kind = #tpu.reduction_kind<sum>} : vector<16xi1> -> vector<16xi32>
        %min3A_688 = arith.minsi %all_reduce_population_count3A_687, %broadcast_in_dim3A_3 : vector<16xi32>
        %add3A_689 = arith.addi %add3A_670, %min3A_688 : vector<16xi32>
        %add3A_690 = arith.constant 27 : i32
        %add3A_691 = arith.addi %mul3A_183, %add3A_690 : i32
        %get3A_692 = arith.index_cast %add3A_691 : i32 to index
        %get3A_693 = arith.constant 0 : index
        %get3A_694 = tpu.vector_load %arg7[%get3A_692, %get3A_693] {strides = array<i32>} : memref<1600x32xf32, #tpu.memory_space<vmem>>, vector<16xf32>,
        %add3A_695 = arith.constant 27 : i32
        %add3A_696 = arith.addi %mul3A_183, %add3A_695 : i32
        %get3A_697 = arith.index_cast %add3A_696 : i32 to index
        %get3A_698 = arith.constant 16 : index
        %get3A_699 = tpu.vector_load %arg7[%get3A_697, %get3A_698] {strides = array<i32>} : memref<1600x32xf32, #tpu.memory_space<vmem>>, vector<16xf32>,
        %add3A_700 = arith.addf %add3A_681, %get3A_694 : vector<16xf32>
        %add3A_701 = arith.addf %add3A_682, %get3A_699 : vector<16xf32>
        %max3A_702 = arith.maximumf %get3A_694, %get3A_699 : vector<16xf32>
        %gt3A_703 = arith.constant 0.000000e+00 : f32
        %gt3A_704 = vector.broadcast %gt3A_703 : f32 to vector<16xf32>
        %gt3A_705 = arith.cmpf ogt, %max3A_702, %gt3A_704 : vector<16xf32>
        %all_reduce_population_count3A_706 = tpu.all_reduce %gt3A_705 {dim = 0 : i64, kind = #tpu.reduction_kind<sum>} : vector<16xi1> -> vector<16xi32>
        %min3A_707 = arith.minsi %all_reduce_population_count3A_706, %broadcast_in_dim3A_3 : vector<16xi32>
        %add3A_708 = arith.addi %add3A_689, %min3A_707 : vector<16xi32>
        %add3A_709 = arith.constant 28 : i32
        %add3A_710 = arith.addi %mul3A_183, %add3A_709 : i32
        %get3A_711 = arith.index_cast %add3A_710 : i32 to index
        %get3A_712 = arith.constant 0 : index
        %get3A_713 = tpu.vector_load %arg7[%get3A_711, %get3A_712] {strides = array<i32>} : memref<1600x32xf32, #tpu.memory_space<vmem>>, vector<16xf32>,
        %add3A_714 = arith.constant 28 : i32
        %add3A_715 = arith.addi %mul3A_183, %add3A_714 : i32
        %get3A_716 = arith.index_cast %add3A_715 : i32 to index
        %get3A_717 = arith.constant 16 : index
        %get3A_718 = tpu.vector_load %arg7[%get3A_716, %get3A_717] {strides = array<i32>} : memref<1600x32xf32, #tpu.memory_space<vmem>>, vector<16xf32>,
        %add3A_719 = arith.addf %add3A_700, %get3A_713 : vector<16xf32>
        %add3A_720 = arith.addf %add3A_701, %get3A_718 : vector<16xf32>
        %max3A_721 = arith.maximumf %get3A_713, %get3A_718 : vector<16xf32>
        %gt3A_722 = arith.constant 0.000000e+00 : f32
        %gt3A_723 = vector.broadcast %gt3A_722 : f32 to vector<16xf32>
        %gt3A_724 = arith.cmpf ogt, %max3A_721, %gt3A_723 : vector<16xf32>
        %all_reduce_population_count3A_725 = tpu.all_reduce %gt3A_724 {dim = 0 : i64, kind = #tpu.reduction_kind<sum>} : vector<16xi1> -> vector<16xi32>
        %min3A_726 = arith.minsi %all_reduce_population_count3A_725, %broadcast_in_dim3A_3 : vector<16xi32>
        %add3A_727 = arith.addi %add3A_708, %min3A_726 : vector<16xi32>
        %add3A_728 = arith.constant 29 : i32
        %add3A_729 = arith.addi %mul3A_183, %add3A_728 : i32
        %get3A_730 = arith.index_cast %add3A_729 : i32 to index
        %get3A_731 = arith.constant 0 : index
        %get3A_732 = tpu.vector_load %arg7[%get3A_730, %get3A_731] {strides = array<i32>} : memref<1600x32xf32, #tpu.memory_space<vmem>>, vector<16xf32>,
        %add3A_733 = arith.constant 29 : i32
        %add3A_734 = arith.addi %mul3A_183, %add3A_733 : i32
        %get3A_735 = arith.index_cast %add3A_734 : i32 to index
        %get3A_736 = arith.constant 16 : index
        %get3A_737 = tpu.vector_load %arg7[%get3A_735, %get3A_736] {strides = array<i32>} : memref<1600x32xf32, #tpu.memory_space<vmem>>, vector<16xf32>,
        %add3A_738 = arith.addf %add3A_719, %get3A_732 : vector<16xf32>
        %add3A_739 = arith.addf %add3A_720, %get3A_737 : vector<16xf32>
        %max3A_740 = arith.maximumf %get3A_732, %get3A_737 : vector<16xf32>
        %gt3A_741 = arith.constant 0.000000e+00 : f32
        %gt3A_742 = vector.broadcast %gt3A_741 : f32 to vector<16xf32>
        %gt3A_743 = arith.cmpf ogt, %max3A_740, %gt3A_742 : vector<16xf32>
        %all_reduce_population_count3A_744 = tpu.all_reduce %gt3A_743 {dim = 0 : i64, kind = #tpu.reduction_kind<sum>} : vector<16xi1> -> vector<16xi32>
        %min3A_745 = arith.minsi %all_reduce_population_count3A_744, %broadcast_in_dim3A_3 : vector<16xi32>
        %add3A_746 = arith.addi %add3A_727, %min3A_745 : vector<16xi32>
        %add3A_747 = arith.constant 30 : i32
        %add3A_748 = arith.addi %mul3A_183, %add3A_747 : i32
        %get3A_749 = arith.index_cast %add3A_748 : i32 to index
        %get3A_750 = arith.constant 0 : index
        %get3A_751 = tpu.vector_load %arg7[%get3A_749, %get3A_750] {strides = array<i32>} : memref<1600x32xf32, #tpu.memory_space<vmem>>, vector<16xf32>,
        %add3A_752 = arith.constant 30 : i32
        %add3A_753 = arith.addi %mul3A_183, %add3A_752 : i32
        %get3A_754 = arith.index_cast %add3A_753 : i32 to index
        %get3A_755 = arith.constant 16 : index
        %get3A_756 = tpu.vector_load %arg7[%get3A_754, %get3A_755] {strides = array<i32>} : memref<1600x32xf32, #tpu.memory_space<vmem>>, vector<16xf32>,
        %add3A_757 = arith.addf %add3A_738, %get3A_751 : vector<16xf32>
        %add3A_758 = arith.addf %add3A_739, %get3A_756 : vector<16xf32>
        %max3A_759 = arith.maximumf %get3A_751, %get3A_756 : vector<16xf32>
        %gt3A_760 = arith.constant 0.000000e+00 : f32
        %gt3A_761 = vector.broadcast %gt3A_760 : f32 to vector<16xf32>
        %gt3A_762 = arith.cmpf ogt, %max3A_759, %gt3A_761 : vector<16xf32>
        %all_reduce_population_count3A_763 = tpu.all_reduce %gt3A_762 {dim = 0 : i64, kind = #tpu.reduction_kind<sum>} : vector<16xi1> -> vector<16xi32>
        %min3A_764 = arith.minsi %all_reduce_population_count3A_763, %broadcast_in_dim3A_3 : vector<16xi32>
        %add3A_765 = arith.addi %add3A_746, %min3A_764 : vector<16xi32>
        %add3A_766 = arith.constant 31 : i32
        %add3A_767 = arith.addi %mul3A_183, %add3A_766 : i32
        %get3A_768 = arith.index_cast %add3A_767 : i32 to index
        %get3A_769 = arith.constant 0 : index
        %get3A_770 = tpu.vector_load %arg7[%get3A_768, %get3A_769] {strides = array<i32>} : memref<1600x32xf32, #tpu.memory_space<vmem>>, vector<16xf32>,
        %add3A_771 = arith.constant 31 : i32
        %add3A_772 = arith.addi %mul3A_183, %add3A_771 : i32
        %get3A_773 = arith.index_cast %add3A_772 : i32 to index
        %get3A_774 = arith.constant 16 : index
        %get3A_775 = tpu.vector_load %arg7[%get3A_773, %get3A_774] {strides = array<i32>} : memref<1600x32xf32, #tpu.memory_space<vmem>>, vector<16xf32>,
        %add3A_776 = arith.addf %add3A_757, %get3A_770 : vector<16xf32>
        %add3A_777 = arith.addf %add3A_758, %get3A_775 : vector<16xf32>
        %max3A_778 = arith.maximumf %get3A_770, %get3A_775 : vector<16xf32>
        %gt3A_779 = arith.constant 0.000000e+00 : f32
        %gt3A_780 = vector.broadcast %gt3A_779 : f32 to vector<16xf32>
        %gt3A_781 = arith.cmpf ogt, %max3A_778, %gt3A_780 : vector<16xf32>
        %all_reduce_population_count3A_782 = tpu.all_reduce %gt3A_781 {dim = 0 : i64, kind = #tpu.reduction_kind<sum>} : vector<16xi1> -> vector<16xi32>
        %min3A_783 = arith.minsi %all_reduce_population_count3A_782, %broadcast_in_dim3A_3 : vector<16xi32>
        %add3A_784 = arith.addi %add3A_765, %min3A_783 : vector<16xi32>
        %add3A_785 = arith.constant 32 : i32
        %add3A_786 = arith.addi %mul3A_183, %add3A_785 : i32
        %get3A_787 = arith.index_cast %add3A_786 : i32 to index
        %get3A_788 = arith.constant 0 : index
        %get3A_789 = tpu.vector_load %arg7[%get3A_787, %get3A_788] {strides = array<i32>} : memref<1600x32xf32, #tpu.memory_space<vmem>>, vector<16xf32>,
        %add3A_790 = arith.constant 32 : i32
        %add3A_791 = arith.addi %mul3A_183, %add3A_790 : i32
        %get3A_792 = arith.index_cast %add3A_791 : i32 to index
        %get3A_793 = arith.constant 16 : index
        %get3A_794 = tpu.vector_load %arg7[%get3A_792, %get3A_793] {strides = array<i32>} : memref<1600x32xf32, #tpu.memory_space<vmem>>, vector<16xf32>,
        %add3A_795 = arith.addf %add3A_776, %get3A_789 : vector<16xf32>
        %add3A_796 = arith.addf %add3A_777, %get3A_794 : vector<16xf32>
        %max3A_797 = arith.maximumf %get3A_789, %get3A_794 : vector<16xf32>
        %gt3A_798 = arith.constant 0.000000e+00 : f32
        %gt3A_799 = vector.broadcast %gt3A_798 : f32 to vector<16xf32>
        %gt3A_800 = arith.cmpf ogt, %max3A_797, %gt3A_799 : vector<16xf32>
        %all_reduce_population_count3A_801 = tpu.all_reduce %gt3A_800 {dim = 0 : i64, kind = #tpu.reduction_kind<sum>} : vector<16xi1> -> vector<16xi32>
        %min3A_802 = arith.minsi %all_reduce_population_count3A_801, %broadcast_in_dim3A_3 : vector<16xi32>
        %add3A_803 = arith.addi %add3A_784, %min3A_802 : vector<16xi32>
        %add3A_804 = arith.constant 33 : i32
        %add3A_805 = arith.addi %mul3A_183, %add3A_804 : i32
        %get3A_806 = arith.index_cast %add3A_805 : i32 to index
        %get3A_807 = arith.constant 0 : index
        %get3A_808 = tpu.vector_load %arg7[%get3A_806, %get3A_807] {strides = array<i32>} : memref<1600x32xf32, #tpu.memory_space<vmem>>, vector<16xf32>,
        %add3A_809 = arith.constant 33 : i32
        %add3A_810 = arith.addi %mul3A_183, %add3A_809 : i32
        %get3A_811 = arith.index_cast %add3A_810 : i32 to index
        %get3A_812 = arith.constant 16 : index
        %get3A_813 = tpu.vector_load %arg7[%get3A_811, %get3A_812] {strides = array<i32>} : memref<1600x32xf32, #tpu.memory_space<vmem>>, vector<16xf32>,
        %add3A_814 = arith.addf %add3A_795, %get3A_808 : vector<16xf32>
        %add3A_815 = arith.addf %add3A_796, %get3A_813 : vector<16xf32>
        %max3A_816 = arith.maximumf %get3A_808, %get3A_813 : vector<16xf32>
        %gt3A_817 = arith.constant 0.000000e+00 : f32
        %gt3A_818 = vector.broadcast %gt3A_817 : f32 to vector<16xf32>
        %gt3A_819 = arith.cmpf ogt, %max3A_816, %gt3A_818 : vector<16xf32>
        %all_reduce_population_count3A_820 = tpu.all_reduce %gt3A_819 {dim = 0 : i64, kind = #tpu.reduction_kind<sum>} : vector<16xi1> -> vector<16xi32>
        %min3A_821 = arith.minsi %all_reduce_population_count3A_820, %broadcast_in_dim3A_3 : vector<16xi32>
        %add3A_822 = arith.addi %add3A_803, %min3A_821 : vector<16xi32>
        %add3A_823 = arith.constant 34 : i32
        %add3A_824 = arith.addi %mul3A_183, %add3A_823 : i32
        %get3A_825 = arith.index_cast %add3A_824 : i32 to index
        %get3A_826 = arith.constant 0 : index
        %get3A_827 = tpu.vector_load %arg7[%get3A_825, %get3A_826] {strides = array<i32>} : memref<1600x32xf32, #tpu.memory_space<vmem>>, vector<16xf32>,
        %add3A_828 = arith.constant 34 : i32
        %add3A_829 = arith.addi %mul3A_183, %add3A_828 : i32
        %get3A_830 = arith.index_cast %add3A_829 : i32 to index
        %get3A_831 = arith.constant 16 : index
        %get3A_832 = tpu.vector_load %arg7[%get3A_830, %get3A_831] {strides = array<i32>} : memref<1600x32xf32, #tpu.memory_space<vmem>>, vector<16xf32>,
        %add3A_833 = arith.addf %add3A_814, %get3A_827 : vector<16xf32>
        %add3A_834 = arith.addf %add3A_815, %get3A_832 : vector<16xf32>
        %max3A_835 = arith.maximumf %get3A_827, %get3A_832 : vector<16xf32>
        %gt3A_836 = arith.constant 0.000000e+00 : f32
        %gt3A_837 = vector.broadcast %gt3A_836 : f32 to vector<16xf32>
        %gt3A_838 = arith.cmpf ogt, %max3A_835, %gt3A_837 : vector<16xf32>
        %all_reduce_population_count3A_839 = tpu.all_reduce %gt3A_838 {dim = 0 : i64, kind = #tpu.reduction_kind<sum>} : vector<16xi1> -> vector<16xi32>
        %min3A_840 = arith.minsi %all_reduce_population_count3A_839, %broadcast_in_dim3A_3 : vector<16xi32>
        %add3A_841 = arith.addi %add3A_822, %min3A_840 : vector<16xi32>
        %add3A_842 = arith.constant 35 : i32
        %add3A_843 = arith.addi %mul3A_183, %add3A_842 : i32
        %get3A_844 = arith.index_cast %add3A_843 : i32 to index
        %get3A_845 = arith.constant 0 : index
        %get3A_846 = tpu.vector_load %arg7[%get3A_844, %get3A_845] {strides = array<i32>} : memref<1600x32xf32, #tpu.memory_space<vmem>>, vector<16xf32>,
        %add3A_847 = arith.constant 35 : i32
        %add3A_848 = arith.addi %mul3A_183, %add3A_847 : i32
        %get3A_849 = arith.index_cast %add3A_848 : i32 to index
        %get3A_850 = arith.constant 16 : index
        %get3A_851 = tpu.vector_load %arg7[%get3A_849, %get3A_850] {strides = array<i32>} : memref<1600x32xf32, #tpu.memory_space<vmem>>, vector<16xf32>,
        %add3A_852 = arith.addf %add3A_833, %get3A_846 : vector<16xf32>
        %add3A_853 = arith.addf %add3A_834, %get3A_851 : vector<16xf32>
        %max3A_854 = arith.maximumf %get3A_846, %get3A_851 : vector<16xf32>
        %gt3A_855 = arith.constant 0.000000e+00 : f32
        %gt3A_856 = vector.broadcast %gt3A_855 : f32 to vector<16xf32>
        %gt3A_857 = arith.cmpf ogt, %max3A_854, %gt3A_856 : vector<16xf32>
        %all_reduce_population_count3A_858 = tpu.all_reduce %gt3A_857 {dim = 0 : i64, kind = #tpu.reduction_kind<sum>} : vector<16xi1> -> vector<16xi32>
        %min3A_859 = arith.minsi %all_reduce_population_count3A_858, %broadcast_in_dim3A_3 : vector<16xi32>
        %add3A_860 = arith.addi %add3A_841, %min3A_859 : vector<16xi32>
        %add3A_861 = arith.constant 36 : i32
        %add3A_862 = arith.addi %mul3A_183, %add3A_861 : i32
        %get3A_863 = arith.index_cast %add3A_862 : i32 to index
        %get3A_864 = arith.constant 0 : index
        %get3A_865 = tpu.vector_load %arg7[%get3A_863, %get3A_864] {strides = array<i32>} : memref<1600x32xf32, #tpu.memory_space<vmem>>, vector<16xf32>,
        %add3A_866 = arith.constant 36 : i32
        %add3A_867 = arith.addi %mul3A_183, %add3A_866 : i32
        %get3A_868 = arith.index_cast %add3A_867 : i32 to index
        %get3A_869 = arith.constant 16 : index
        %get3A_870 = tpu.vector_load %arg7[%get3A_868, %get3A_869] {strides = array<i32>} : memref<1600x32xf32, #tpu.memory_space<vmem>>, vector<16xf32>,
        %add3A_871 = arith.addf %add3A_852, %get3A_865 : vector<16xf32>
        %add3A_872 = arith.addf %add3A_853, %get3A_870 : vector<16xf32>
        %max3A_873 = arith.maximumf %get3A_865, %get3A_870 : vector<16xf32>
        %gt3A_874 = arith.constant 0.000000e+00 : f32
        %gt3A_875 = vector.broadcast %gt3A_874 : f32 to vector<16xf32>
        %gt3A_876 = arith.cmpf ogt, %max3A_873, %gt3A_875 : vector<16xf32>
        %all_reduce_population_count3A_877 = tpu.all_reduce %gt3A_876 {dim = 0 : i64, kind = #tpu.reduction_kind<sum>} : vector<16xi1> -> vector<16xi32>
        %min3A_878 = arith.minsi %all_reduce_population_count3A_877, %broadcast_in_dim3A_3 : vector<16xi32>
        %add3A_879 = arith.addi %add3A_860, %min3A_878 : vector<16xi32>
        %add3A_880 = arith.constant 37 : i32
        %add3A_881 = arith.addi %mul3A_183, %add3A_880 : i32
        %get3A_882 = arith.index_cast %add3A_881 : i32 to index
        %get3A_883 = arith.constant 0 : index
        %get3A_884 = tpu.vector_load %arg7[%get3A_882, %get3A_883] {strides = array<i32>} : memref<1600x32xf32, #tpu.memory_space<vmem>>, vector<16xf32>,
        %add3A_885 = arith.constant 37 : i32
        %add3A_886 = arith.addi %mul3A_183, %add3A_885 : i32
        %get3A_887 = arith.index_cast %add3A_886 : i32 to index
        %get3A_888 = arith.constant 16 : index
        %get3A_889 = tpu.vector_load %arg7[%get3A_887, %get3A_888] {strides = array<i32>} : memref<1600x32xf32, #tpu.memory_space<vmem>>, vector<16xf32>,
        %add3A_890 = arith.addf %add3A_871, %get3A_884 : vector<16xf32>
        %add3A_891 = arith.addf %add3A_872, %get3A_889 : vector<16xf32>
        %max3A_892 = arith.maximumf %get3A_884, %get3A_889 : vector<16xf32>
        %gt3A_893 = arith.constant 0.000000e+00 : f32
        %gt3A_894 = vector.broadcast %gt3A_893 : f32 to vector<16xf32>
        %gt3A_895 = arith.cmpf ogt, %max3A_892, %gt3A_894 : vector<16xf32>
        %all_reduce_population_count3A_896 = tpu.all_reduce %gt3A_895 {dim = 0 : i64, kind = #tpu.reduction_kind<sum>} : vector<16xi1> -> vector<16xi32>
        %min3A_897 = arith.minsi %all_reduce_population_count3A_896, %broadcast_in_dim3A_3 : vector<16xi32>
        %add3A_898 = arith.addi %add3A_879, %min3A_897 : vector<16xi32>
        %add3A_899 = arith.constant 38 : i32
        %add3A_900 = arith.addi %mul3A_183, %add3A_899 : i32
        %get3A_901 = arith.index_cast %add3A_900 : i32 to index
        %get3A_902 = arith.constant 0 : index
        %get3A_903 = tpu.vector_load %arg7[%get3A_901, %get3A_902] {strides = array<i32>} : memref<1600x32xf32, #tpu.memory_space<vmem>>, vector<16xf32>,
        %add3A_904 = arith.constant 38 : i32
        %add3A_905 = arith.addi %mul3A_183, %add3A_904 : i32
        %get3A_906 = arith.index_cast %add3A_905 : i32 to index
        %get3A_907 = arith.constant 16 : index
        %get3A_908 = tpu.vector_load %arg7[%get3A_906, %get3A_907] {strides = array<i32>} : memref<1600x32xf32, #tpu.memory_space<vmem>>, vector<16xf32>,
        %add3A_909 = arith.addf %add3A_890, %get3A_903 : vector<16xf32>
        %add3A_910 = arith.addf %add3A_891, %get3A_908 : vector<16xf32>
        %max3A_911 = arith.maximumf %get3A_903, %get3A_908 : vector<16xf32>
        %gt3A_912 = arith.constant 0.000000e+00 : f32
        %gt3A_913 = vector.broadcast %gt3A_912 : f32 to vector<16xf32>
        %gt3A_914 = arith.cmpf ogt, %max3A_911, %gt3A_913 : vector<16xf32>
        %all_reduce_population_count3A_915 = tpu.all_reduce %gt3A_914 {dim = 0 : i64, kind = #tpu.reduction_kind<sum>} : vector<16xi1> -> vector<16xi32>
        %min3A_916 = arith.minsi %all_reduce_population_count3A_915, %broadcast_in_dim3A_3 : vector<16xi32>
        %add3A_917 = arith.addi %add3A_898, %min3A_916 : vector<16xi32>
        %add3A_918 = arith.constant 39 : i32
        %add3A_919 = arith.addi %mul3A_183, %add3A_918 : i32
        %get3A_920 = arith.index_cast %add3A_919 : i32 to index
        %get3A_921 = arith.constant 0 : index
        %get3A_922 = tpu.vector_load %arg7[%get3A_920, %get3A_921] {strides = array<i32>} : memref<1600x32xf32, #tpu.memory_space<vmem>>, vector<16xf32>,
        %add3A_923 = arith.constant 39 : i32
        %add3A_924 = arith.addi %mul3A_183, %add3A_923 : i32
        %get3A_925 = arith.index_cast %add3A_924 : i32 to index
        %get3A_926 = arith.constant 16 : index
        %get3A_927 = tpu.vector_load %arg7[%get3A_925, %get3A_926] {strides = array<i32>} : memref<1600x32xf32, #tpu.memory_space<vmem>>, vector<16xf32>,
        %add3A_928 = arith.addf %add3A_909, %get3A_922 : vector<16xf32>
        %add3A_929 = arith.addf %add3A_910, %get3A_927 : vector<16xf32>
        %max3A_930 = arith.maximumf %get3A_922, %get3A_927 : vector<16xf32>
        %gt3A_931 = arith.constant 0.000000e+00 : f32
        %gt3A_932 = vector.broadcast %gt3A_931 : f32 to vector<16xf32>
        %gt3A_933 = arith.cmpf ogt, %max3A_930, %gt3A_932 : vector<16xf32>
        %all_reduce_population_count3A_934 = tpu.all_reduce %gt3A_933 {dim = 0 : i64, kind = #tpu.reduction_kind<sum>} : vector<16xi1> -> vector<16xi32>
        %min3A_935 = arith.minsi %all_reduce_population_count3A_934, %broadcast_in_dim3A_3 : vector<16xi32>
        %add3A_936 = arith.addi %add3A_917, %min3A_935 : vector<16xi32>
        %add3A_937 = arith.constant 40 : i32
        %add3A_938 = arith.addi %mul3A_183, %add3A_937 : i32
        %get3A_939 = arith.index_cast %add3A_938 : i32 to index
        %get3A_940 = arith.constant 0 : index
        %get3A_941 = tpu.vector_load %arg7[%get3A_939, %get3A_940] {strides = array<i32>} : memref<1600x32xf32, #tpu.memory_space<vmem>>, vector<16xf32>,
        %add3A_942 = arith.constant 40 : i32
        %add3A_943 = arith.addi %mul3A_183, %add3A_942 : i32
        %get3A_944 = arith.index_cast %add3A_943 : i32 to index
        %get3A_945 = arith.constant 16 : index
        %get3A_946 = tpu.vector_load %arg7[%get3A_944, %get3A_945] {strides = array<i32>} : memref<1600x32xf32, #tpu.memory_space<vmem>>, vector<16xf32>,
        %add3A_947 = arith.addf %add3A_928, %get3A_941 : vector<16xf32>
        %add3A_948 = arith.addf %add3A_929, %get3A_946 : vector<16xf32>
        %max3A_949 = arith.maximumf %get3A_941, %get3A_946 : vector<16xf32>
        %gt3A_950 = arith.constant 0.000000e+00 : f32
        %gt3A_951 = vector.broadcast %gt3A_950 : f32 to vector<16xf32>
        %gt3A_952 = arith.cmpf ogt, %max3A_949, %gt3A_951 : vector<16xf32>
        %all_reduce_population_count3A_953 = tpu.all_reduce %gt3A_952 {dim = 0 : i64, kind = #tpu.reduction_kind<sum>} : vector<16xi1> -> vector<16xi32>
        %min3A_954 = arith.minsi %all_reduce_population_count3A_953, %broadcast_in_dim3A_3 : vector<16xi32>
        %add3A_955 = arith.addi %add3A_936, %min3A_954 : vector<16xi32>
        %add3A_956 = arith.constant 41 : i32
        %add3A_957 = arith.addi %mul3A_183, %add3A_956 : i32
        %get3A_958 = arith.index_cast %add3A_957 : i32 to index
        %get3A_959 = arith.constant 0 : index
        %get3A_960 = tpu.vector_load %arg7[%get3A_958, %get3A_959] {strides = array<i32>} : memref<1600x32xf32, #tpu.memory_space<vmem>>, vector<16xf32>,
        %add3A_961 = arith.constant 41 : i32
        %add3A_962 = arith.addi %mul3A_183, %add3A_961 : i32
        %get3A_963 = arith.index_cast %add3A_962 : i32 to index
        %get3A_964 = arith.constant 16 : index
        %get3A_965 = tpu.vector_load %arg7[%get3A_963, %get3A_964] {strides = array<i32>} : memref<1600x32xf32, #tpu.memory_space<vmem>>, vector<16xf32>,
        %add3A_966 = arith.addf %add3A_947, %get3A_960 : vector<16xf32>
        %add3A_967 = arith.addf %add3A_948, %get3A_965 : vector<16xf32>
        %max3A_968 = arith.maximumf %get3A_960, %get3A_965 : vector<16xf32>
        %gt3A_969 = arith.constant 0.000000e+00 : f32
        %gt3A_970 = vector.broadcast %gt3A_969 : f32 to vector<16xf32>
        %gt3A_971 = arith.cmpf ogt, %max3A_968, %gt3A_970 : vector<16xf32>
        %all_reduce_population_count3A_972 = tpu.all_reduce %gt3A_971 {dim = 0 : i64, kind = #tpu.reduction_kind<sum>} : vector<16xi1> -> vector<16xi32>
        %min3A_973 = arith.minsi %all_reduce_population_count3A_972, %broadcast_in_dim3A_3 : vector<16xi32>
        %add3A_974 = arith.addi %add3A_955, %min3A_973 : vector<16xi32>
        %add3A_975 = arith.constant 42 : i32
        %add3A_976 = arith.addi %mul3A_183, %add3A_975 : i32
        %get3A_977 = arith.index_cast %add3A_976 : i32 to index
        %get3A_978 = arith.constant 0 : index
        %get3A_979 = tpu.vector_load %arg7[%get3A_977, %get3A_978] {strides = array<i32>} : memref<1600x32xf32, #tpu.memory_space<vmem>>, vector<16xf32>,
        %add3A_980 = arith.constant 42 : i32
        %add3A_981 = arith.addi %mul3A_183, %add3A_980 : i32
        %get3A_982 = arith.index_cast %add3A_981 : i32 to index
        %get3A_983 = arith.constant 16 : index
        %get3A_984 = tpu.vector_load %arg7[%get3A_982, %get3A_983] {strides = array<i32>} : memref<1600x32xf32, #tpu.memory_space<vmem>>, vector<16xf32>,
        %add3A_985 = arith.addf %add3A_966, %get3A_979 : vector<16xf32>
        %add3A_986 = arith.addf %add3A_967, %get3A_984 : vector<16xf32>
        %max3A_987 = arith.maximumf %get3A_979, %get3A_984 : vector<16xf32>
        %gt3A_988 = arith.constant 0.000000e+00 : f32
        %gt3A_989 = vector.broadcast %gt3A_988 : f32 to vector<16xf32>
        %gt3A_990 = arith.cmpf ogt, %max3A_987, %gt3A_989 : vector<16xf32>
        %all_reduce_population_count3A_991 = tpu.all_reduce %gt3A_990 {dim = 0 : i64, kind = #tpu.reduction_kind<sum>} : vector<16xi1> -> vector<16xi32>
        %min3A_992 = arith.minsi %all_reduce_population_count3A_991, %broadcast_in_dim3A_3 : vector<16xi32>
        %add3A_993 = arith.addi %add3A_974, %min3A_992 : vector<16xi32>
        %add3A_994 = arith.constant 43 : i32
        %add3A_995 = arith.addi %mul3A_183, %add3A_994 : i32
        %get3A_996 = arith.index_cast %add3A_995 : i32 to index
        %get3A_997 = arith.constant 0 : index
        %get3A_998 = tpu.vector_load %arg7[%get3A_996, %get3A_997] {strides = array<i32>} : memref<1600x32xf32, #tpu.memory_space<vmem>>, vector<16xf32>,
        %add3A_999 = arith.constant 43 : i32
        %add3A_1000 = arith.addi %mul3A_183, %add3A_999 : i32
        %get3A_1001 = arith.index_cast %add3A_1000 : i32 to index
        %get3A_1002 = arith.constant 16 : index
        %get3A_1003 = tpu.vector_load %arg7[%get3A_1001, %get3A_1002] {strides = array<i32>} : memref<1600x32xf32, #tpu.memory_space<vmem>>, vector<16xf32>,
        %add3A_1004 = arith.addf %add3A_985, %get3A_998 : vector<16xf32>
        %add3A_1005 = arith.addf %add3A_986, %get3A_1003 : vector<16xf32>
        %max3A_1006 = arith.maximumf %get3A_998, %get3A_1003 : vector<16xf32>
        %gt3A_1007 = arith.constant 0.000000e+00 : f32
        %gt3A_1008 = vector.broadcast %gt3A_1007 : f32 to vector<16xf32>
        %gt3A_1009 = arith.cmpf ogt, %max3A_1006, %gt3A_1008 : vector<16xf32>
        %all_reduce_population_count3A_1010 = tpu.all_reduce %gt3A_1009 {dim = 0 : i64, kind = #tpu.reduction_kind<sum>} : vector<16xi1> -> vector<16xi32>
        %min3A_1011 = arith.minsi %all_reduce_population_count3A_1010, %broadcast_in_dim3A_3 : vector<16xi32>
        %add3A_1012 = arith.addi %add3A_993, %min3A_1011 : vector<16xi32>
        %add3A_1013 = arith.constant 44 : i32
        %add3A_1014 = arith.addi %mul3A_183, %add3A_1013 : i32
        %get3A_1015 = arith.index_cast %add3A_1014 : i32 to index
        %get3A_1016 = arith.constant 0 : index
        %get3A_1017 = tpu.vector_load %arg7[%get3A_1015, %get3A_1016] {strides = array<i32>} : memref<1600x32xf32, #tpu.memory_space<vmem>>, vector<16xf32>,
        %add3A_1018 = arith.constant 44 : i32
        %add3A_1019 = arith.addi %mul3A_183, %add3A_1018 : i32
        %get3A_1020 = arith.index_cast %add3A_1019 : i32 to index
        %get3A_1021 = arith.constant 16 : index
        %get3A_1022 = tpu.vector_load %arg7[%get3A_1020, %get3A_1021] {strides = array<i32>} : memref<1600x32xf32, #tpu.memory_space<vmem>>, vector<16xf32>,
        %add3A_1023 = arith.addf %add3A_1004, %get3A_1017 : vector<16xf32>
        %add3A_1024 = arith.addf %add3A_1005, %get3A_1022 : vector<16xf32>
        %max3A_1025 = arith.maximumf %get3A_1017, %get3A_1022 : vector<16xf32>
        %gt3A_1026 = arith.constant 0.000000e+00 : f32
        %gt3A_1027 = vector.broadcast %gt3A_1026 : f32 to vector<16xf32>
        %gt3A_1028 = arith.cmpf ogt, %max3A_1025, %gt3A_1027 : vector<16xf32>
        %all_reduce_population_count3A_1029 = tpu.all_reduce %gt3A_1028 {dim = 0 : i64, kind = #tpu.reduction_kind<sum>} : vector<16xi1> -> vector<16xi32>
        %min3A_1030 = arith.minsi %all_reduce_population_count3A_1029, %broadcast_in_dim3A_3 : vector<16xi32>
        %add3A_1031 = arith.addi %add3A_1012, %min3A_1030 : vector<16xi32>
        %add3A_1032 = arith.constant 45 : i32
        %add3A_1033 = arith.addi %mul3A_183, %add3A_1032 : i32
        %get3A_1034 = arith.index_cast %add3A_1033 : i32 to index
        %get3A_1035 = arith.constant 0 : index
        %get3A_1036 = tpu.vector_load %arg7[%get3A_1034, %get3A_1035] {strides = array<i32>} : memref<1600x32xf32, #tpu.memory_space<vmem>>, vector<16xf32>,
        %add3A_1037 = arith.constant 45 : i32
        %add3A_1038 = arith.addi %mul3A_183, %add3A_1037 : i32
        %get3A_1039 = arith.index_cast %add3A_1038 : i32 to index
        %get3A_1040 = arith.constant 16 : index
        %get3A_1041 = tpu.vector_load %arg7[%get3A_1039, %get3A_1040] {strides = array<i32>} : memref<1600x32xf32, #tpu.memory_space<vmem>>, vector<16xf32>,
        %add3A_1042 = arith.addf %add3A_1023, %get3A_1036 : vector<16xf32>
        %add3A_1043 = arith.addf %add3A_1024, %get3A_1041 : vector<16xf32>
        %max3A_1044 = arith.maximumf %get3A_1036, %get3A_1041 : vector<16xf32>
        %gt3A_1045 = arith.constant 0.000000e+00 : f32
        %gt3A_1046 = vector.broadcast %gt3A_1045 : f32 to vector<16xf32>
        %gt3A_1047 = arith.cmpf ogt, %max3A_1044, %gt3A_1046 : vector<16xf32>
        %all_reduce_population_count3A_1048 = tpu.all_reduce %gt3A_1047 {dim = 0 : i64, kind = #tpu.reduction_kind<sum>} : vector<16xi1> -> vector<16xi32>
        %min3A_1049 = arith.minsi %all_reduce_population_count3A_1048, %broadcast_in_dim3A_3 : vector<16xi32>
        %add3A_1050 = arith.addi %add3A_1031, %min3A_1049 : vector<16xi32>
        %add3A_1051 = arith.constant 46 : i32
        %add3A_1052 = arith.addi %mul3A_183, %add3A_1051 : i32
        %get3A_1053 = arith.index_cast %add3A_1052 : i32 to index
        %get3A_1054 = arith.constant 0 : index
        %get3A_1055 = tpu.vector_load %arg7[%get3A_1053, %get3A_1054] {strides = array<i32>} : memref<1600x32xf32, #tpu.memory_space<vmem>>, vector<16xf32>,
        %add3A_1056 = arith.constant 46 : i32
        %add3A_1057 = arith.addi %mul3A_183, %add3A_1056 : i32
        %get3A_1058 = arith.index_cast %add3A_1057 : i32 to index
        %get3A_1059 = arith.constant 16 : index
        %get3A_1060 = tpu.vector_load %arg7[%get3A_1058, %get3A_1059] {strides = array<i32>} : memref<1600x32xf32, #tpu.memory_space<vmem>>, vector<16xf32>,
        %add3A_1061 = arith.addf %add3A_1042, %get3A_1055 : vector<16xf32>
        %add3A_1062 = arith.addf %add3A_1043, %get3A_1060 : vector<16xf32>
        %max3A_1063 = arith.maximumf %get3A_1055, %get3A_1060 : vector<16xf32>
        %gt3A_1064 = arith.constant 0.000000e+00 : f32
        %gt3A_1065 = vector.broadcast %gt3A_1064 : f32 to vector<16xf32>
        %gt3A_1066 = arith.cmpf ogt, %max3A_1063, %gt3A_1065 : vector<16xf32>
        %all_reduce_population_count3A_1067 = tpu.all_reduce %gt3A_1066 {dim = 0 : i64, kind = #tpu.reduction_kind<sum>} : vector<16xi1> -> vector<16xi32>
        %min3A_1068 = arith.minsi %all_reduce_population_count3A_1067, %broadcast_in_dim3A_3 : vector<16xi32>
        %add3A_1069 = arith.addi %add3A_1050, %min3A_1068 : vector<16xi32>
        %add3A_1070 = arith.constant 47 : i32
        %add3A_1071 = arith.addi %mul3A_183, %add3A_1070 : i32
        %get3A_1072 = arith.index_cast %add3A_1071 : i32 to index
        %get3A_1073 = arith.constant 0 : index
        %get3A_1074 = tpu.vector_load %arg7[%get3A_1072, %get3A_1073] {strides = array<i32>} : memref<1600x32xf32, #tpu.memory_space<vmem>>, vector<16xf32>,
        %add3A_1075 = arith.constant 47 : i32
        %add3A_1076 = arith.addi %mul3A_183, %add3A_1075 : i32
        %get3A_1077 = arith.index_cast %add3A_1076 : i32 to index
        %get3A_1078 = arith.constant 16 : index
        %get3A_1079 = tpu.vector_load %arg7[%get3A_1077, %get3A_1078] {strides = array<i32>} : memref<1600x32xf32, #tpu.memory_space<vmem>>, vector<16xf32>,
        %add3A_1080 = arith.addf %add3A_1061, %get3A_1074 : vector<16xf32>
        %add3A_1081 = arith.addf %add3A_1062, %get3A_1079 : vector<16xf32>
        %max3A_1082 = arith.maximumf %get3A_1074, %get3A_1079 : vector<16xf32>
        %gt3A_1083 = arith.constant 0.000000e+00 : f32
        %gt3A_1084 = vector.broadcast %gt3A_1083 : f32 to vector<16xf32>
        %gt3A_1085 = arith.cmpf ogt, %max3A_1082, %gt3A_1084 : vector<16xf32>
        %all_reduce_population_count3A_1086 = tpu.all_reduce %gt3A_1085 {dim = 0 : i64, kind = #tpu.reduction_kind<sum>} : vector<16xi1> -> vector<16xi32>
        %min3A_1087 = arith.minsi %all_reduce_population_count3A_1086, %broadcast_in_dim3A_3 : vector<16xi32>
        %add3A_1088 = arith.addi %add3A_1069, %min3A_1087 : vector<16xi32>
        %add3A_1089 = arith.constant 48 : i32
        %add3A_1090 = arith.addi %mul3A_183, %add3A_1089 : i32
        %get3A_1091 = arith.index_cast %add3A_1090 : i32 to index
        %get3A_1092 = arith.constant 0 : index
        %get3A_1093 = tpu.vector_load %arg7[%get3A_1091, %get3A_1092] {strides = array<i32>} : memref<1600x32xf32, #tpu.memory_space<vmem>>, vector<16xf32>,
        %add3A_1094 = arith.constant 48 : i32
        %add3A_1095 = arith.addi %mul3A_183, %add3A_1094 : i32
        %get3A_1096 = arith.index_cast %add3A_1095 : i32 to index
        %get3A_1097 = arith.constant 16 : index
        %get3A_1098 = tpu.vector_load %arg7[%get3A_1096, %get3A_1097] {strides = array<i32>} : memref<1600x32xf32, #tpu.memory_space<vmem>>, vector<16xf32>,
        %add3A_1099 = arith.addf %add3A_1080, %get3A_1093 : vector<16xf32>
        %add3A_1100 = arith.addf %add3A_1081, %get3A_1098 : vector<16xf32>
        %max3A_1101 = arith.maximumf %get3A_1093, %get3A_1098 : vector<16xf32>
        %gt3A_1102 = arith.constant 0.000000e+00 : f32
        %gt3A_1103 = vector.broadcast %gt3A_1102 : f32 to vector<16xf32>
        %gt3A_1104 = arith.cmpf ogt, %max3A_1101, %gt3A_1103 : vector<16xf32>
        %all_reduce_population_count3A_1105 = tpu.all_reduce %gt3A_1104 {dim = 0 : i64, kind = #tpu.reduction_kind<sum>} : vector<16xi1> -> vector<16xi32>
        %min3A_1106 = arith.minsi %all_reduce_population_count3A_1105, %broadcast_in_dim3A_3 : vector<16xi32>
        %add3A_1107 = arith.addi %add3A_1088, %min3A_1106 : vector<16xi32>
        %add3A_1108 = arith.constant 49 : i32
        %add3A_1109 = arith.addi %mul3A_183, %add3A_1108 : i32
        %get3A_1110 = arith.index_cast %add3A_1109 : i32 to index
        %get3A_1111 = arith.constant 0 : index
        %get3A_1112 = tpu.vector_load %arg7[%get3A_1110, %get3A_1111] {strides = array<i32>} : memref<1600x32xf32, #tpu.memory_space<vmem>>, vector<16xf32>,
        %add3A_1113 = arith.constant 49 : i32
        %add3A_1114 = arith.addi %mul3A_183, %add3A_1113 : i32
        %get3A_1115 = arith.index_cast %add3A_1114 : i32 to index
        %get3A_1116 = arith.constant 16 : index
        %get3A_1117 = tpu.vector_load %arg7[%get3A_1115, %get3A_1116] {strides = array<i32>} : memref<1600x32xf32, #tpu.memory_space<vmem>>, vector<16xf32>,
        %add3A_1118 = arith.addf %add3A_1099, %get3A_1112 : vector<16xf32>
        %add3A_1119 = arith.addf %add3A_1100, %get3A_1117 : vector<16xf32>
        %max3A_1120 = arith.maximumf %get3A_1112, %get3A_1117 : vector<16xf32>
        %gt3A_1121 = arith.constant 0.000000e+00 : f32
        %gt3A_1122 = vector.broadcast %gt3A_1121 : f32 to vector<16xf32>
        %gt3A_1123 = arith.cmpf ogt, %max3A_1120, %gt3A_1122 : vector<16xf32>
        %all_reduce_population_count3A_1124 = tpu.all_reduce %gt3A_1123 {dim = 0 : i64, kind = #tpu.reduction_kind<sum>} : vector<16xi1> -> vector<16xi32>
        %min3A_1125 = arith.minsi %all_reduce_population_count3A_1124, %broadcast_in_dim3A_3 : vector<16xi32>
        %add3A_1126 = arith.addi %add3A_1107, %min3A_1125 : vector<16xi32>
        %sub3A = arith.constant 50 : i32
        %sub3A_1127 = vector.broadcast %sub3A : i32 to vector<16xi32>
        %sub3A_1128 = arith.subi %sub3A_1127, %add3A_181 : vector<16xi32>
        %mul3A_1129 = arith.muli %sub3A_1128, %min3A_61 : vector<16xi32>
        %sub3A_1130 = arith.subi %add3A_1126, %mul3A_1129 : vector<16xi32>
        %convert_element_type3A_1131 = arith.sitofp %sub3A_1128 : vector<16xi32> to vector<16xf32>
        %convert_element_type3A_1132 = arith.sitofp %sub3A_1130 : vector<16xi32> to vector<16xf32>
        %max3A_1133 = arith.constant 1.000000e+00 : f32
        %max3A_1134 = vector.broadcast %max3A_1133 : f32 to vector<16xf32>
        %max3A_1135 = arith.maximumf %convert_element_type3A_1132, %max3A_1134 : vector<16xf32>
        %div3A = arith.constant 1.000000e+00 : f32
        %div3A_1136 = vector.broadcast %div3A : f32 to vector<16xf32>
        %div3A_1137 = arith.divf %div3A_1136, %max3A_1135 : vector<16xf32>
        %mul3A_1138 = arith.mulf %convert_element_type3A_1131, %get3A_54 : vector<16xf32>
        %sub3A_1139 = arith.subf %add3A_1118, %mul3A_1138 : vector<16xf32>
        %mul3A_1140 = arith.mulf %sub3A_1139, %div3A_1137 : vector<16xf32>
        %swap3A = arith.index_cast %add3A_156 : i32 to index
        %swap3A_1141 = arith.constant 0 : index
        %swap3A_1142 = tpu.vector_load %arg9[%swap3A, %swap3A_1141] {strides = array<i32>} : memref<32x32xf32, #tpu.memory_space<vmem>>, vector<16xf32>,
        tpu.vector_store %arg9[%swap3A, %swap3A_1141], %mul3A_1140 {strides = array<i32>} : memref<32x32xf32, #tpu.memory_space<vmem>>, vector<16xf32>,
        %mul3A_1143 = arith.mulf %convert_element_type3A_1131, %get3A_58 : vector<16xf32>
        %sub3A_1144 = arith.subf %add3A_1119, %mul3A_1143 : vector<16xf32>
        %mul3A_1145 = arith.mulf %sub3A_1144, %div3A_1137 : vector<16xf32>
        %swap3A_1146 = arith.index_cast %add3A_156 : i32 to index
        %swap3A_1147 = arith.constant 16 : index
        %swap3A_1148 = tpu.vector_load %arg9[%swap3A_1146, %swap3A_1147] {strides = array<i32>} : memref<32x32xf32, #tpu.memory_space<vmem>>, vector<16xf32>,
        tpu.vector_store %arg9[%swap3A_1146, %swap3A_1147], %mul3A_1145 {strides = array<i32>} : memref<32x32xf32, #tpu.memory_space<vmem>>, vector<16xf32>,
      }
      %scan3A_113 = arith.constant 32 : i32
      %mul3A_114 = arith.constant 512 : i32
      %mul3A_115 = arith.muli %add3A, %mul3A_114 : i32
      %mul3A_116 = arith.constant 32 : i32
      %mul3A_117 = arith.muli %mul3A_93, %mul3A_116 : i32
      %add3A_118 = arith.addi %mul3A_115, %mul3A_117 : i32
      %dma_start3A_119 = arith.constant 0 : i32
      %dma_start3A_120 = tpu.memref_slice %arg4[%add3A_118, %dma_start3A_119] : memref<16384x32xf32, #tpu.memory_space<hbm>> -> memref<32x32xf32, #tpu.memory_space<hbm>>
      %dma_start3A_121 = arith.constant 0 : i32
      %dma_start3A_122 = tpu.memref_slice %arg4[%add3A_118, %dma_start3A_121] : memref<16384x32xf32, #tpu.memory_space<hbm>> -> memref<32x32xf32, #tpu.memory_space<hbm>>
      tpu.enqueue_dma source(%arg9 : memref<32x32xf32, #tpu.memory_space<vmem>>) target(%dma_start3A_122 : memref<32x32xf32, #tpu.memory_space<hbm>>) target_semaphore(%arg14 : memref<!tpu.dma_semaphore, #tpu.memory_space<semaphore_mem>>)
      %lt3A_123 = arith.constant 7 : i32
      %lt3A_124 = arith.cmpi slt, %add3A_91, %lt3A_123 : i32
      %convert_element_type3A_125 = arith.extui %lt3A_124 : i1 to i32
      %cond3A_126 = arith.constant 0 : i32
      %cond3A_127 = arith.cmpi ne, %convert_element_type3A_125, %cond3A_126 : i32
      scf.if %cond3A_127 {
        %add3A_152 = arith.constant 2 : i32
        %add3A_153 = arith.addi %mul3A_93, %add3A_152 : i32
        %mul3A_154 = arith.constant 25600 : i32
        %mul3A_155 = arith.muli %add3A, %mul3A_154 : i32
        %mul3A_156 = arith.constant 1600 : i32
        %mul3A_157 = arith.muli %add3A_153, %mul3A_156 : i32
        %add3A_158 = arith.addi %mul3A_155, %mul3A_157 : i32
        "tpu.region"() ({
          %run_scoped3A = tpu.sem_alloc : memref<!tpu.dma_semaphore, #tpu.memory_space<semaphore_mem>>
          %dma_start3A_162 = tpu.memref_slice %arg2[%add3A_158] : memref<819200xi32, #tpu.memory_space<hbm>> -> memref<1600xi32, #tpu.memory_space<hbm>>
          %dma_start3A_163 = tpu.memref_slice %arg2[%add3A_158] : memref<819200xi32, #tpu.memory_space<hbm>> -> memref<1600xi32, #tpu.memory_space<hbm>>
          tpu.enqueue_dma source(%dma_start3A_163 : memref<1600xi32, #tpu.memory_space<hbm>>) target(%arg5 : memref<1600xi32, #tpu.memory_space<vmem>>) target_semaphore(%run_scoped3A : memref<!tpu.dma_semaphore, #tpu.memory_space<semaphore_mem>>)
          %dma_wait3A_164 = tpu.memref_slice %arg2[%add3A_158] : memref<819200xi32, #tpu.memory_space<hbm>> -> memref<1600xi32, #tpu.memory_space<hbm>>
          %dma_wait3A_165 = tpu.memref_slice %arg2[%add3A_158] : memref<819200xi32, #tpu.memory_space<hbm>> -> memref<1600xi32, #tpu.memory_space<hbm>>
          tpu.wait_dma2 semaphore(%run_scoped3A : memref<!tpu.dma_semaphore, #tpu.memory_space<semaphore_mem>>) src(%dma_wait3A_165 : memref<1600xi32, #tpu.memory_space<hbm>>) dst(%arg5 : memref<1600xi32, #tpu.memory_space<vmem>>)
          tpu.yield
        }) : () -> ()
        %dma_start3A_159 = arith.constant 0 : i32
        %dma_start3A_160 = arith.constant 0 : i32
        %dma_start3A_161 = tpu.memref_slice %arg3[%dma_start3A_159, %dma_start3A_160] : memref<1000001x32xf32, #tpu.memory_space<hbm>> -> memref<1000001x32xf32, #tpu.memory_space<hbm>>
        tpu.enqueue_indirect_dma source(%dma_start3A_161 : memref<1000001x32xf32, #tpu.memory_space<hbm>>) target(%arg7 : memref<1600x32xf32, #tpu.memory_space<vmem>>) offsets(%arg5 : memref<1600xi32, #tpu.memory_space<vmem>>) semaphore(%arg12 : memref<!tpu.dma_semaphore, #tpu.memory_space<semaphore_mem>>)
      } else {
      }
      %add3A_128 = arith.constant 1 : i32
      %add3A_129 = arith.addi %mul3A_93, %add3A_128 : i32
      %ge3A_130 = arith.constant 2 : i32
      %ge3A_131 = arith.cmpi sge, %add3A_129, %ge3A_130 : i32
      %convert_element_type3A_132 = arith.extui %ge3A_131 : i1 to i32
      %cond3A_133 = arith.constant 0 : i32
      %cond3A_134 = arith.cmpi ne, %convert_element_type3A_132, %cond3A_133 : i32
      scf.if %cond3A_134 {
        %mul3A_152 = arith.constant 512 : i32
        %mul3A_153 = arith.muli %add3A, %mul3A_152 : i32
        %sub3A = arith.constant 2 : i32
        %sub3A_154 = arith.subi %add3A_129, %sub3A : i32
        %mul3A_155 = arith.constant 32 : i32
        %mul3A_156 = arith.muli %sub3A_154, %mul3A_155 : i32
        %add3A_157 = arith.addi %mul3A_153, %mul3A_156 : i32
        %dma_wait3A_158 = arith.constant 0 : i32
        %dma_wait3A_159 = tpu.memref_slice %arg4[%add3A_157, %dma_wait3A_158] : memref<16384x32xf32, #tpu.memory_space<hbm>> -> memref<32x32xf32, #tpu.memory_space<hbm>>
        %dma_wait3A_160 = arith.constant 0 : i32
        %dma_wait3A_161 = tpu.memref_slice %arg4[%add3A_157, %dma_wait3A_160] : memref<16384x32xf32, #tpu.memory_space<hbm>> -> memref<32x32xf32, #tpu.memory_space<hbm>>
        tpu.wait_dma2 semaphore(%arg15 : memref<!tpu.dma_semaphore, #tpu.memory_space<semaphore_mem>>) src(%arg10 : memref<32x32xf32, #tpu.memory_space<vmem>>) dst(%dma_wait3A_161 : memref<32x32xf32, #tpu.memory_space<hbm>>)
      } else {
      }
      %dma_wait3A_135 = arith.constant 0 : i32
      %dma_wait3A_136 = arith.constant 0 : i32
      %dma_wait3A_137 = tpu.memref_slice %arg3[%dma_wait3A_135, %dma_wait3A_136] : memref<1000001x32xf32, #tpu.memory_space<hbm>> -> memref<1000001x32xf32, #tpu.memory_space<hbm>>
      tpu.wait_indirect_dma semaphore(%arg13 : memref<!tpu.dma_semaphore, #tpu.memory_space<semaphore_mem>>) src(%dma_wait3A_137 : memref<1000001x32xf32, #tpu.memory_space<hbm>>) dst(%arg8 : memref<1600x32xf32, #tpu.memory_space<vmem>>)
      %scan3A_138 = arith.constant 0 : i32
      %scan3A_139 = arith.constant 32 : i32
      %scan3A_140 = arith.addi %scan3A_138, %scan3A_139 : i32
      %scan3A_141 = arith.constant 1 : i32
      scf.for %scan3A_152 = %scan3A_138 to %scan3A_140 step %scan3A_141  : i32 {
        %mul3A_153 = arith.constant 1 : i32
        %mul3A_154 = arith.muli %scan3A_152, %mul3A_153 : i32
        %add3A_155 = arith.constant 0 : i32
        %add3A_156 = arith.addi %add3A_155, %mul3A_154 : i32
        %mul3A_157 = arith.constant 50 : i32
        %mul3A_158 = arith.muli %add3A_156, %mul3A_157 : i32
        %broadcast_in_dim3A_159 = vector.broadcast %mul3A_158 : i32 to vector<16xi32>
        %add3A_160 = arith.addi %broadcast_in_dim3A_159, %min3A_10 : vector<16xi32>
        %gather3A = tpu.vector_load_idx %arg6[%add3A_160] : memref<1600xi32, #tpu.memory_space<vmem>>[vector<16xi32>], vector<16xi32>,
        %lt3A_161 = arith.cmpi slt, %gather3A, %broadcast_in_dim3A_5 : vector<16xi32>
        %and3A = arith.andi %lt3A_161, %lt3A_33 : vector<16xi1>
        %all_reduce_population_count3A_162 = tpu.all_reduce %and3A {dim = 0 : i64, kind = #tpu.reduction_kind<sum>} : vector<16xi1> -> vector<16xi32>
        %add3A_163 = arith.addi %broadcast_in_dim3A_1, %all_reduce_population_count3A_162 : vector<16xi32>
        %add3A_164 = arith.addi %broadcast_in_dim3A_159, %min3A_16 : vector<16xi32>
        %gather3A_165 = tpu.vector_load_idx %arg6[%add3A_164] : memref<1600xi32, #tpu.memory_space<vmem>>[vector<16xi32>], vector<16xi32>,
        %lt3A_166 = arith.cmpi slt, %gather3A_165, %broadcast_in_dim3A_5 : vector<16xi32>
        %and3A_167 = arith.andi %lt3A_166, %lt3A_39 : vector<16xi1>
        %all_reduce_population_count3A_168 = tpu.all_reduce %and3A_167 {dim = 0 : i64, kind = #tpu.reduction_kind<sum>} : vector<16xi1> -> vector<16xi32>
        %add3A_169 = arith.addi %add3A_163, %all_reduce_population_count3A_168 : vector<16xi32>
        %add3A_170 = arith.addi %broadcast_in_dim3A_159, %min3A_22 : vector<16xi32>
        %gather3A_171 = tpu.vector_load_idx %arg6[%add3A_170] : memref<1600xi32, #tpu.memory_space<vmem>>[vector<16xi32>], vector<16xi32>,
        %lt3A_172 = arith.cmpi slt, %gather3A_171, %broadcast_in_dim3A_5 : vector<16xi32>
        %and3A_173 = arith.andi %lt3A_172, %lt3A_45 : vector<16xi1>
        %all_reduce_population_count3A_174 = tpu.all_reduce %and3A_173 {dim = 0 : i64, kind = #tpu.reduction_kind<sum>} : vector<16xi1> -> vector<16xi32>
        %add3A_175 = arith.addi %add3A_169, %all_reduce_population_count3A_174 : vector<16xi32>
        %add3A_176 = arith.addi %broadcast_in_dim3A_159, %min3A_28 : vector<16xi32>
        %gather3A_177 = tpu.vector_load_idx %arg6[%add3A_176] : memref<1600xi32, #tpu.memory_space<vmem>>[vector<16xi32>], vector<16xi32>,
        %lt3A_178 = arith.cmpi slt, %gather3A_177, %broadcast_in_dim3A_5 : vector<16xi32>
        %and3A_179 = arith.andi %lt3A_178, %lt3A_51 : vector<16xi1>
        %all_reduce_population_count3A_180 = tpu.all_reduce %and3A_179 {dim = 0 : i64, kind = #tpu.reduction_kind<sum>} : vector<16xi1> -> vector<16xi32>
        %add3A_181 = arith.addi %add3A_175, %all_reduce_population_count3A_180 : vector<16xi32>
        %mul3A_182 = arith.constant 50 : i32
        %mul3A_183 = arith.muli %add3A_156, %mul3A_182 : i32
        %get3A_184 = arith.index_cast %mul3A_183 : i32 to index
        %get3A_185 = arith.constant 0 : index
        %get3A_186 = tpu.vector_load %arg8[%get3A_184, %get3A_185] {strides = array<i32>} : memref<1600x32xf32, #tpu.memory_space<vmem>>, vector<16xf32>,
        %get3A_187 = arith.index_cast %mul3A_183 : i32 to index
        %get3A_188 = arith.constant 16 : index
        %get3A_189 = tpu.vector_load %arg8[%get3A_187, %get3A_188] {strides = array<i32>} : memref<1600x32xf32, #tpu.memory_space<vmem>>, vector<16xf32>,
        %max3A_190 = arith.maximumf %get3A_186, %get3A_189 : vector<16xf32>
        %gt3A_191 = arith.constant 0.000000e+00 : f32
        %gt3A_192 = vector.broadcast %gt3A_191 : f32 to vector<16xf32>
        %gt3A_193 = arith.cmpf ogt, %max3A_190, %gt3A_192 : vector<16xf32>
        %all_reduce_population_count3A_194 = tpu.all_reduce %gt3A_193 {dim = 0 : i64, kind = #tpu.reduction_kind<sum>} : vector<16xi1> -> vector<16xi32>
        %min3A_195 = arith.minsi %all_reduce_population_count3A_194, %broadcast_in_dim3A_3 : vector<16xi32>
        %add3A_196 = arith.constant 1 : i32
        %add3A_197 = arith.addi %mul3A_183, %add3A_196 : i32
        %get3A_198 = arith.index_cast %add3A_197 : i32 to index
        %get3A_199 = arith.constant 0 : index
        %get3A_200 = tpu.vector_load %arg8[%get3A_198, %get3A_199] {strides = array<i32>} : memref<1600x32xf32, #tpu.memory_space<vmem>>, vector<16xf32>,
        %add3A_201 = arith.constant 1 : i32
        %add3A_202 = arith.addi %mul3A_183, %add3A_201 : i32
        %get3A_203 = arith.index_cast %add3A_202 : i32 to index
        %get3A_204 = arith.constant 16 : index
        %get3A_205 = tpu.vector_load %arg8[%get3A_203, %get3A_204] {strides = array<i32>} : memref<1600x32xf32, #tpu.memory_space<vmem>>, vector<16xf32>,
        %add3A_206 = arith.addf %get3A_186, %get3A_200 : vector<16xf32>
        %add3A_207 = arith.addf %get3A_189, %get3A_205 : vector<16xf32>
        %max3A_208 = arith.maximumf %get3A_200, %get3A_205 : vector<16xf32>
        %gt3A_209 = arith.constant 0.000000e+00 : f32
        %gt3A_210 = vector.broadcast %gt3A_209 : f32 to vector<16xf32>
        %gt3A_211 = arith.cmpf ogt, %max3A_208, %gt3A_210 : vector<16xf32>
        %all_reduce_population_count3A_212 = tpu.all_reduce %gt3A_211 {dim = 0 : i64, kind = #tpu.reduction_kind<sum>} : vector<16xi1> -> vector<16xi32>
        %min3A_213 = arith.minsi %all_reduce_population_count3A_212, %broadcast_in_dim3A_3 : vector<16xi32>
        %add3A_214 = arith.addi %min3A_195, %min3A_213 : vector<16xi32>
        %add3A_215 = arith.constant 2 : i32
        %add3A_216 = arith.addi %mul3A_183, %add3A_215 : i32
        %get3A_217 = arith.index_cast %add3A_216 : i32 to index
        %get3A_218 = arith.constant 0 : index
        %get3A_219 = tpu.vector_load %arg8[%get3A_217, %get3A_218] {strides = array<i32>} : memref<1600x32xf32, #tpu.memory_space<vmem>>, vector<16xf32>,
        %add3A_220 = arith.constant 2 : i32
        %add3A_221 = arith.addi %mul3A_183, %add3A_220 : i32
        %get3A_222 = arith.index_cast %add3A_221 : i32 to index
        %get3A_223 = arith.constant 16 : index
        %get3A_224 = tpu.vector_load %arg8[%get3A_222, %get3A_223] {strides = array<i32>} : memref<1600x32xf32, #tpu.memory_space<vmem>>, vector<16xf32>,
        %add3A_225 = arith.addf %add3A_206, %get3A_219 : vector<16xf32>
        %add3A_226 = arith.addf %add3A_207, %get3A_224 : vector<16xf32>
        %max3A_227 = arith.maximumf %get3A_219, %get3A_224 : vector<16xf32>
        %gt3A_228 = arith.constant 0.000000e+00 : f32
        %gt3A_229 = vector.broadcast %gt3A_228 : f32 to vector<16xf32>
        %gt3A_230 = arith.cmpf ogt, %max3A_227, %gt3A_229 : vector<16xf32>
        %all_reduce_population_count3A_231 = tpu.all_reduce %gt3A_230 {dim = 0 : i64, kind = #tpu.reduction_kind<sum>} : vector<16xi1> -> vector<16xi32>
        %min3A_232 = arith.minsi %all_reduce_population_count3A_231, %broadcast_in_dim3A_3 : vector<16xi32>
        %add3A_233 = arith.addi %add3A_214, %min3A_232 : vector<16xi32>
        %add3A_234 = arith.constant 3 : i32
        %add3A_235 = arith.addi %mul3A_183, %add3A_234 : i32
        %get3A_236 = arith.index_cast %add3A_235 : i32 to index
        %get3A_237 = arith.constant 0 : index
        %get3A_238 = tpu.vector_load %arg8[%get3A_236, %get3A_237] {strides = array<i32>} : memref<1600x32xf32, #tpu.memory_space<vmem>>, vector<16xf32>,
        %add3A_239 = arith.constant 3 : i32
        %add3A_240 = arith.addi %mul3A_183, %add3A_239 : i32
        %get3A_241 = arith.index_cast %add3A_240 : i32 to index
        %get3A_242 = arith.constant 16 : index
        %get3A_243 = tpu.vector_load %arg8[%get3A_241, %get3A_242] {strides = array<i32>} : memref<1600x32xf32, #tpu.memory_space<vmem>>, vector<16xf32>,
        %add3A_244 = arith.addf %add3A_225, %get3A_238 : vector<16xf32>
        %add3A_245 = arith.addf %add3A_226, %get3A_243 : vector<16xf32>
        %max3A_246 = arith.maximumf %get3A_238, %get3A_243 : vector<16xf32>
        %gt3A_247 = arith.constant 0.000000e+00 : f32
        %gt3A_248 = vector.broadcast %gt3A_247 : f32 to vector<16xf32>
        %gt3A_249 = arith.cmpf ogt, %max3A_246, %gt3A_248 : vector<16xf32>
        %all_reduce_population_count3A_250 = tpu.all_reduce %gt3A_249 {dim = 0 : i64, kind = #tpu.reduction_kind<sum>} : vector<16xi1> -> vector<16xi32>
        %min3A_251 = arith.minsi %all_reduce_population_count3A_250, %broadcast_in_dim3A_3 : vector<16xi32>
        %add3A_252 = arith.addi %add3A_233, %min3A_251 : vector<16xi32>
        %add3A_253 = arith.constant 4 : i32
        %add3A_254 = arith.addi %mul3A_183, %add3A_253 : i32
        %get3A_255 = arith.index_cast %add3A_254 : i32 to index
        %get3A_256 = arith.constant 0 : index
        %get3A_257 = tpu.vector_load %arg8[%get3A_255, %get3A_256] {strides = array<i32>} : memref<1600x32xf32, #tpu.memory_space<vmem>>, vector<16xf32>,
        %add3A_258 = arith.constant 4 : i32
        %add3A_259 = arith.addi %mul3A_183, %add3A_258 : i32
        %get3A_260 = arith.index_cast %add3A_259 : i32 to index
        %get3A_261 = arith.constant 16 : index
        %get3A_262 = tpu.vector_load %arg8[%get3A_260, %get3A_261] {strides = array<i32>} : memref<1600x32xf32, #tpu.memory_space<vmem>>, vector<16xf32>,
        %add3A_263 = arith.addf %add3A_244, %get3A_257 : vector<16xf32>
        %add3A_264 = arith.addf %add3A_245, %get3A_262 : vector<16xf32>
        %max3A_265 = arith.maximumf %get3A_257, %get3A_262 : vector<16xf32>
        %gt3A_266 = arith.constant 0.000000e+00 : f32
        %gt3A_267 = vector.broadcast %gt3A_266 : f32 to vector<16xf32>
        %gt3A_268 = arith.cmpf ogt, %max3A_265, %gt3A_267 : vector<16xf32>
        %all_reduce_population_count3A_269 = tpu.all_reduce %gt3A_268 {dim = 0 : i64, kind = #tpu.reduction_kind<sum>} : vector<16xi1> -> vector<16xi32>
        %min3A_270 = arith.minsi %all_reduce_population_count3A_269, %broadcast_in_dim3A_3 : vector<16xi32>
        %add3A_271 = arith.addi %add3A_252, %min3A_270 : vector<16xi32>
        %add3A_272 = arith.constant 5 : i32
        %add3A_273 = arith.addi %mul3A_183, %add3A_272 : i32
        %get3A_274 = arith.index_cast %add3A_273 : i32 to index
        %get3A_275 = arith.constant 0 : index
        %get3A_276 = tpu.vector_load %arg8[%get3A_274, %get3A_275] {strides = array<i32>} : memref<1600x32xf32, #tpu.memory_space<vmem>>, vector<16xf32>,
        %add3A_277 = arith.constant 5 : i32
        %add3A_278 = arith.addi %mul3A_183, %add3A_277 : i32
        %get3A_279 = arith.index_cast %add3A_278 : i32 to index
        %get3A_280 = arith.constant 16 : index
        %get3A_281 = tpu.vector_load %arg8[%get3A_279, %get3A_280] {strides = array<i32>} : memref<1600x32xf32, #tpu.memory_space<vmem>>, vector<16xf32>,
        %add3A_282 = arith.addf %add3A_263, %get3A_276 : vector<16xf32>
        %add3A_283 = arith.addf %add3A_264, %get3A_281 : vector<16xf32>
        %max3A_284 = arith.maximumf %get3A_276, %get3A_281 : vector<16xf32>
        %gt3A_285 = arith.constant 0.000000e+00 : f32
        %gt3A_286 = vector.broadcast %gt3A_285 : f32 to vector<16xf32>
        %gt3A_287 = arith.cmpf ogt, %max3A_284, %gt3A_286 : vector<16xf32>
        %all_reduce_population_count3A_288 = tpu.all_reduce %gt3A_287 {dim = 0 : i64, kind = #tpu.reduction_kind<sum>} : vector<16xi1> -> vector<16xi32>
        %min3A_289 = arith.minsi %all_reduce_population_count3A_288, %broadcast_in_dim3A_3 : vector<16xi32>
        %add3A_290 = arith.addi %add3A_271, %min3A_289 : vector<16xi32>
        %add3A_291 = arith.constant 6 : i32
        %add3A_292 = arith.addi %mul3A_183, %add3A_291 : i32
        %get3A_293 = arith.index_cast %add3A_292 : i32 to index
        %get3A_294 = arith.constant 0 : index
        %get3A_295 = tpu.vector_load %arg8[%get3A_293, %get3A_294] {strides = array<i32>} : memref<1600x32xf32, #tpu.memory_space<vmem>>, vector<16xf32>,
        %add3A_296 = arith.constant 6 : i32
        %add3A_297 = arith.addi %mul3A_183, %add3A_296 : i32
        %get3A_298 = arith.index_cast %add3A_297 : i32 to index
        %get3A_299 = arith.constant 16 : index
        %get3A_300 = tpu.vector_load %arg8[%get3A_298, %get3A_299] {strides = array<i32>} : memref<1600x32xf32, #tpu.memory_space<vmem>>, vector<16xf32>,
        %add3A_301 = arith.addf %add3A_282, %get3A_295 : vector<16xf32>
        %add3A_302 = arith.addf %add3A_283, %get3A_300 : vector<16xf32>
        %max3A_303 = arith.maximumf %get3A_295, %get3A_300 : vector<16xf32>
        %gt3A_304 = arith.constant 0.000000e+00 : f32
        %gt3A_305 = vector.broadcast %gt3A_304 : f32 to vector<16xf32>
        %gt3A_306 = arith.cmpf ogt, %max3A_303, %gt3A_305 : vector<16xf32>
        %all_reduce_population_count3A_307 = tpu.all_reduce %gt3A_306 {dim = 0 : i64, kind = #tpu.reduction_kind<sum>} : vector<16xi1> -> vector<16xi32>
        %min3A_308 = arith.minsi %all_reduce_population_count3A_307, %broadcast_in_dim3A_3 : vector<16xi32>
        %add3A_309 = arith.addi %add3A_290, %min3A_308 : vector<16xi32>
        %add3A_310 = arith.constant 7 : i32
        %add3A_311 = arith.addi %mul3A_183, %add3A_310 : i32
        %get3A_312 = arith.index_cast %add3A_311 : i32 to index
        %get3A_313 = arith.constant 0 : index
        %get3A_314 = tpu.vector_load %arg8[%get3A_312, %get3A_313] {strides = array<i32>} : memref<1600x32xf32, #tpu.memory_space<vmem>>, vector<16xf32>,
        %add3A_315 = arith.constant 7 : i32
        %add3A_316 = arith.addi %mul3A_183, %add3A_315 : i32
        %get3A_317 = arith.index_cast %add3A_316 : i32 to index
        %get3A_318 = arith.constant 16 : index
        %get3A_319 = tpu.vector_load %arg8[%get3A_317, %get3A_318] {strides = array<i32>} : memref<1600x32xf32, #tpu.memory_space<vmem>>, vector<16xf32>,
        %add3A_320 = arith.addf %add3A_301, %get3A_314 : vector<16xf32>
        %add3A_321 = arith.addf %add3A_302, %get3A_319 : vector<16xf32>
        %max3A_322 = arith.maximumf %get3A_314, %get3A_319 : vector<16xf32>
        %gt3A_323 = arith.constant 0.000000e+00 : f32
        %gt3A_324 = vector.broadcast %gt3A_323 : f32 to vector<16xf32>
        %gt3A_325 = arith.cmpf ogt, %max3A_322, %gt3A_324 : vector<16xf32>
        %all_reduce_population_count3A_326 = tpu.all_reduce %gt3A_325 {dim = 0 : i64, kind = #tpu.reduction_kind<sum>} : vector<16xi1> -> vector<16xi32>
        %min3A_327 = arith.minsi %all_reduce_population_count3A_326, %broadcast_in_dim3A_3 : vector<16xi32>
        %add3A_328 = arith.addi %add3A_309, %min3A_327 : vector<16xi32>
        %add3A_329 = arith.constant 8 : i32
        %add3A_330 = arith.addi %mul3A_183, %add3A_329 : i32
        %get3A_331 = arith.index_cast %add3A_330 : i32 to index
        %get3A_332 = arith.constant 0 : index
        %get3A_333 = tpu.vector_load %arg8[%get3A_331, %get3A_332] {strides = array<i32>} : memref<1600x32xf32, #tpu.memory_space<vmem>>, vector<16xf32>,
        %add3A_334 = arith.constant 8 : i32
        %add3A_335 = arith.addi %mul3A_183, %add3A_334 : i32
        %get3A_336 = arith.index_cast %add3A_335 : i32 to index
        %get3A_337 = arith.constant 16 : index
        %get3A_338 = tpu.vector_load %arg8[%get3A_336, %get3A_337] {strides = array<i32>} : memref<1600x32xf32, #tpu.memory_space<vmem>>, vector<16xf32>,
        %add3A_339 = arith.addf %add3A_320, %get3A_333 : vector<16xf32>
        %add3A_340 = arith.addf %add3A_321, %get3A_338 : vector<16xf32>
        %max3A_341 = arith.maximumf %get3A_333, %get3A_338 : vector<16xf32>
        %gt3A_342 = arith.constant 0.000000e+00 : f32
        %gt3A_343 = vector.broadcast %gt3A_342 : f32 to vector<16xf32>
        %gt3A_344 = arith.cmpf ogt, %max3A_341, %gt3A_343 : vector<16xf32>
        %all_reduce_population_count3A_345 = tpu.all_reduce %gt3A_344 {dim = 0 : i64, kind = #tpu.reduction_kind<sum>} : vector<16xi1> -> vector<16xi32>
        %min3A_346 = arith.minsi %all_reduce_population_count3A_345, %broadcast_in_dim3A_3 : vector<16xi32>
        %add3A_347 = arith.addi %add3A_328, %min3A_346 : vector<16xi32>
        %add3A_348 = arith.constant 9 : i32
        %add3A_349 = arith.addi %mul3A_183, %add3A_348 : i32
        %get3A_350 = arith.index_cast %add3A_349 : i32 to index
        %get3A_351 = arith.constant 0 : index
        %get3A_352 = tpu.vector_load %arg8[%get3A_350, %get3A_351] {strides = array<i32>} : memref<1600x32xf32, #tpu.memory_space<vmem>>, vector<16xf32>,
        %add3A_353 = arith.constant 9 : i32
        %add3A_354 = arith.addi %mul3A_183, %add3A_353 : i32
        %get3A_355 = arith.index_cast %add3A_354 : i32 to index
        %get3A_356 = arith.constant 16 : index
        %get3A_357 = tpu.vector_load %arg8[%get3A_355, %get3A_356] {strides = array<i32>} : memref<1600x32xf32, #tpu.memory_space<vmem>>, vector<16xf32>,
        %add3A_358 = arith.addf %add3A_339, %get3A_352 : vector<16xf32>
        %add3A_359 = arith.addf %add3A_340, %get3A_357 : vector<16xf32>
        %max3A_360 = arith.maximumf %get3A_352, %get3A_357 : vector<16xf32>
        %gt3A_361 = arith.constant 0.000000e+00 : f32
        %gt3A_362 = vector.broadcast %gt3A_361 : f32 to vector<16xf32>
        %gt3A_363 = arith.cmpf ogt, %max3A_360, %gt3A_362 : vector<16xf32>
        %all_reduce_population_count3A_364 = tpu.all_reduce %gt3A_363 {dim = 0 : i64, kind = #tpu.reduction_kind<sum>} : vector<16xi1> -> vector<16xi32>
        %min3A_365 = arith.minsi %all_reduce_population_count3A_364, %broadcast_in_dim3A_3 : vector<16xi32>
        %add3A_366 = arith.addi %add3A_347, %min3A_365 : vector<16xi32>
        %add3A_367 = arith.constant 10 : i32
        %add3A_368 = arith.addi %mul3A_183, %add3A_367 : i32
        %get3A_369 = arith.index_cast %add3A_368 : i32 to index
        %get3A_370 = arith.constant 0 : index
        %get3A_371 = tpu.vector_load %arg8[%get3A_369, %get3A_370] {strides = array<i32>} : memref<1600x32xf32, #tpu.memory_space<vmem>>, vector<16xf32>,
        %add3A_372 = arith.constant 10 : i32
        %add3A_373 = arith.addi %mul3A_183, %add3A_372 : i32
        %get3A_374 = arith.index_cast %add3A_373 : i32 to index
        %get3A_375 = arith.constant 16 : index
        %get3A_376 = tpu.vector_load %arg8[%get3A_374, %get3A_375] {strides = array<i32>} : memref<1600x32xf32, #tpu.memory_space<vmem>>, vector<16xf32>,
        %add3A_377 = arith.addf %add3A_358, %get3A_371 : vector<16xf32>
        %add3A_378 = arith.addf %add3A_359, %get3A_376 : vector<16xf32>
        %max3A_379 = arith.maximumf %get3A_371, %get3A_376 : vector<16xf32>
        %gt3A_380 = arith.constant 0.000000e+00 : f32
        %gt3A_381 = vector.broadcast %gt3A_380 : f32 to vector<16xf32>
        %gt3A_382 = arith.cmpf ogt, %max3A_379, %gt3A_381 : vector<16xf32>
        %all_reduce_population_count3A_383 = tpu.all_reduce %gt3A_382 {dim = 0 : i64, kind = #tpu.reduction_kind<sum>} : vector<16xi1> -> vector<16xi32>
        %min3A_384 = arith.minsi %all_reduce_population_count3A_383, %broadcast_in_dim3A_3 : vector<16xi32>
        %add3A_385 = arith.addi %add3A_366, %min3A_384 : vector<16xi32>
        %add3A_386 = arith.constant 11 : i32
        %add3A_387 = arith.addi %mul3A_183, %add3A_386 : i32
        %get3A_388 = arith.index_cast %add3A_387 : i32 to index
        %get3A_389 = arith.constant 0 : index
        %get3A_390 = tpu.vector_load %arg8[%get3A_388, %get3A_389] {strides = array<i32>} : memref<1600x32xf32, #tpu.memory_space<vmem>>, vector<16xf32>,
        %add3A_391 = arith.constant 11 : i32
        %add3A_392 = arith.addi %mul3A_183, %add3A_391 : i32
        %get3A_393 = arith.index_cast %add3A_392 : i32 to index
        %get3A_394 = arith.constant 16 : index
        %get3A_395 = tpu.vector_load %arg8[%get3A_393, %get3A_394] {strides = array<i32>} : memref<1600x32xf32, #tpu.memory_space<vmem>>, vector<16xf32>,
        %add3A_396 = arith.addf %add3A_377, %get3A_390 : vector<16xf32>
        %add3A_397 = arith.addf %add3A_378, %get3A_395 : vector<16xf32>
        %max3A_398 = arith.maximumf %get3A_390, %get3A_395 : vector<16xf32>
        %gt3A_399 = arith.constant 0.000000e+00 : f32
        %gt3A_400 = vector.broadcast %gt3A_399 : f32 to vector<16xf32>
        %gt3A_401 = arith.cmpf ogt, %max3A_398, %gt3A_400 : vector<16xf32>
        %all_reduce_population_count3A_402 = tpu.all_reduce %gt3A_401 {dim = 0 : i64, kind = #tpu.reduction_kind<sum>} : vector<16xi1> -> vector<16xi32>
        %min3A_403 = arith.minsi %all_reduce_population_count3A_402, %broadcast_in_dim3A_3 : vector<16xi32>
        %add3A_404 = arith.addi %add3A_385, %min3A_403 : vector<16xi32>
        %add3A_405 = arith.constant 12 : i32
        %add3A_406 = arith.addi %mul3A_183, %add3A_405 : i32
        %get3A_407 = arith.index_cast %add3A_406 : i32 to index
        %get3A_408 = arith.constant 0 : index
        %get3A_409 = tpu.vector_load %arg8[%get3A_407, %get3A_408] {strides = array<i32>} : memref<1600x32xf32, #tpu.memory_space<vmem>>, vector<16xf32>,
        %add3A_410 = arith.constant 12 : i32
        %add3A_411 = arith.addi %mul3A_183, %add3A_410 : i32
        %get3A_412 = arith.index_cast %add3A_411 : i32 to index
        %get3A_413 = arith.constant 16 : index
        %get3A_414 = tpu.vector_load %arg8[%get3A_412, %get3A_413] {strides = array<i32>} : memref<1600x32xf32, #tpu.memory_space<vmem>>, vector<16xf32>,
        %add3A_415 = arith.addf %add3A_396, %get3A_409 : vector<16xf32>
        %add3A_416 = arith.addf %add3A_397, %get3A_414 : vector<16xf32>
        %max3A_417 = arith.maximumf %get3A_409, %get3A_414 : vector<16xf32>
        %gt3A_418 = arith.constant 0.000000e+00 : f32
        %gt3A_419 = vector.broadcast %gt3A_418 : f32 to vector<16xf32>
        %gt3A_420 = arith.cmpf ogt, %max3A_417, %gt3A_419 : vector<16xf32>
        %all_reduce_population_count3A_421 = tpu.all_reduce %gt3A_420 {dim = 0 : i64, kind = #tpu.reduction_kind<sum>} : vector<16xi1> -> vector<16xi32>
        %min3A_422 = arith.minsi %all_reduce_population_count3A_421, %broadcast_in_dim3A_3 : vector<16xi32>
        %add3A_423 = arith.addi %add3A_404, %min3A_422 : vector<16xi32>
        %add3A_424 = arith.constant 13 : i32
        %add3A_425 = arith.addi %mul3A_183, %add3A_424 : i32
        %get3A_426 = arith.index_cast %add3A_425 : i32 to index
        %get3A_427 = arith.constant 0 : index
        %get3A_428 = tpu.vector_load %arg8[%get3A_426, %get3A_427] {strides = array<i32>} : memref<1600x32xf32, #tpu.memory_space<vmem>>, vector<16xf32>,
        %add3A_429 = arith.constant 13 : i32
        %add3A_430 = arith.addi %mul3A_183, %add3A_429 : i32
        %get3A_431 = arith.index_cast %add3A_430 : i32 to index
        %get3A_432 = arith.constant 16 : index
        %get3A_433 = tpu.vector_load %arg8[%get3A_431, %get3A_432] {strides = array<i32>} : memref<1600x32xf32, #tpu.memory_space<vmem>>, vector<16xf32>,
        %add3A_434 = arith.addf %add3A_415, %get3A_428 : vector<16xf32>
        %add3A_435 = arith.addf %add3A_416, %get3A_433 : vector<16xf32>
        %max3A_436 = arith.maximumf %get3A_428, %get3A_433 : vector<16xf32>
        %gt3A_437 = arith.constant 0.000000e+00 : f32
        %gt3A_438 = vector.broadcast %gt3A_437 : f32 to vector<16xf32>
        %gt3A_439 = arith.cmpf ogt, %max3A_436, %gt3A_438 : vector<16xf32>
        %all_reduce_population_count3A_440 = tpu.all_reduce %gt3A_439 {dim = 0 : i64, kind = #tpu.reduction_kind<sum>} : vector<16xi1> -> vector<16xi32>
        %min3A_441 = arith.minsi %all_reduce_population_count3A_440, %broadcast_in_dim3A_3 : vector<16xi32>
        %add3A_442 = arith.addi %add3A_423, %min3A_441 : vector<16xi32>
        %add3A_443 = arith.constant 14 : i32
        %add3A_444 = arith.addi %mul3A_183, %add3A_443 : i32
        %get3A_445 = arith.index_cast %add3A_444 : i32 to index
        %get3A_446 = arith.constant 0 : index
        %get3A_447 = tpu.vector_load %arg8[%get3A_445, %get3A_446] {strides = array<i32>} : memref<1600x32xf32, #tpu.memory_space<vmem>>, vector<16xf32>,
        %add3A_448 = arith.constant 14 : i32
        %add3A_449 = arith.addi %mul3A_183, %add3A_448 : i32
        %get3A_450 = arith.index_cast %add3A_449 : i32 to index
        %get3A_451 = arith.constant 16 : index
        %get3A_452 = tpu.vector_load %arg8[%get3A_450, %get3A_451] {strides = array<i32>} : memref<1600x32xf32, #tpu.memory_space<vmem>>, vector<16xf32>,
        %add3A_453 = arith.addf %add3A_434, %get3A_447 : vector<16xf32>
        %add3A_454 = arith.addf %add3A_435, %get3A_452 : vector<16xf32>
        %max3A_455 = arith.maximumf %get3A_447, %get3A_452 : vector<16xf32>
        %gt3A_456 = arith.constant 0.000000e+00 : f32
        %gt3A_457 = vector.broadcast %gt3A_456 : f32 to vector<16xf32>
        %gt3A_458 = arith.cmpf ogt, %max3A_455, %gt3A_457 : vector<16xf32>
        %all_reduce_population_count3A_459 = tpu.all_reduce %gt3A_458 {dim = 0 : i64, kind = #tpu.reduction_kind<sum>} : vector<16xi1> -> vector<16xi32>
        %min3A_460 = arith.minsi %all_reduce_population_count3A_459, %broadcast_in_dim3A_3 : vector<16xi32>
        %add3A_461 = arith.addi %add3A_442, %min3A_460 : vector<16xi32>
        %add3A_462 = arith.constant 15 : i32
        %add3A_463 = arith.addi %mul3A_183, %add3A_462 : i32
        %get3A_464 = arith.index_cast %add3A_463 : i32 to index
        %get3A_465 = arith.constant 0 : index
        %get3A_466 = tpu.vector_load %arg8[%get3A_464, %get3A_465] {strides = array<i32>} : memref<1600x32xf32, #tpu.memory_space<vmem>>, vector<16xf32>,
        %add3A_467 = arith.constant 15 : i32
        %add3A_468 = arith.addi %mul3A_183, %add3A_467 : i32
        %get3A_469 = arith.index_cast %add3A_468 : i32 to index
        %get3A_470 = arith.constant 16 : index
        %get3A_471 = tpu.vector_load %arg8[%get3A_469, %get3A_470] {strides = array<i32>} : memref<1600x32xf32, #tpu.memory_space<vmem>>, vector<16xf32>,
        %add3A_472 = arith.addf %add3A_453, %get3A_466 : vector<16xf32>
        %add3A_473 = arith.addf %add3A_454, %get3A_471 : vector<16xf32>
        %max3A_474 = arith.maximumf %get3A_466, %get3A_471 : vector<16xf32>
        %gt3A_475 = arith.constant 0.000000e+00 : f32
        %gt3A_476 = vector.broadcast %gt3A_475 : f32 to vector<16xf32>
        %gt3A_477 = arith.cmpf ogt, %max3A_474, %gt3A_476 : vector<16xf32>
        %all_reduce_population_count3A_478 = tpu.all_reduce %gt3A_477 {dim = 0 : i64, kind = #tpu.reduction_kind<sum>} : vector<16xi1> -> vector<16xi32>
        %min3A_479 = arith.minsi %all_reduce_population_count3A_478, %broadcast_in_dim3A_3 : vector<16xi32>
        %add3A_480 = arith.addi %add3A_461, %min3A_479 : vector<16xi32>
        %add3A_481 = arith.constant 16 : i32
        %add3A_482 = arith.addi %mul3A_183, %add3A_481 : i32
        %get3A_483 = arith.index_cast %add3A_482 : i32 to index
        %get3A_484 = arith.constant 0 : index
        %get3A_485 = tpu.vector_load %arg8[%get3A_483, %get3A_484] {strides = array<i32>} : memref<1600x32xf32, #tpu.memory_space<vmem>>, vector<16xf32>,
        %add3A_486 = arith.constant 16 : i32
        %add3A_487 = arith.addi %mul3A_183, %add3A_486 : i32
        %get3A_488 = arith.index_cast %add3A_487 : i32 to index
        %get3A_489 = arith.constant 16 : index
        %get3A_490 = tpu.vector_load %arg8[%get3A_488, %get3A_489] {strides = array<i32>} : memref<1600x32xf32, #tpu.memory_space<vmem>>, vector<16xf32>,
        %add3A_491 = arith.addf %add3A_472, %get3A_485 : vector<16xf32>
        %add3A_492 = arith.addf %add3A_473, %get3A_490 : vector<16xf32>
        %max3A_493 = arith.maximumf %get3A_485, %get3A_490 : vector<16xf32>
        %gt3A_494 = arith.constant 0.000000e+00 : f32
        %gt3A_495 = vector.broadcast %gt3A_494 : f32 to vector<16xf32>
        %gt3A_496 = arith.cmpf ogt, %max3A_493, %gt3A_495 : vector<16xf32>
        %all_reduce_population_count3A_497 = tpu.all_reduce %gt3A_496 {dim = 0 : i64, kind = #tpu.reduction_kind<sum>} : vector<16xi1> -> vector<16xi32>
        %min3A_498 = arith.minsi %all_reduce_population_count3A_497, %broadcast_in_dim3A_3 : vector<16xi32>
        %add3A_499 = arith.addi %add3A_480, %min3A_498 : vector<16xi32>
        %add3A_500 = arith.constant 17 : i32
        %add3A_501 = arith.addi %mul3A_183, %add3A_500 : i32
        %get3A_502 = arith.index_cast %add3A_501 : i32 to index
        %get3A_503 = arith.constant 0 : index
        %get3A_504 = tpu.vector_load %arg8[%get3A_502, %get3A_503] {strides = array<i32>} : memref<1600x32xf32, #tpu.memory_space<vmem>>, vector<16xf32>,
        %add3A_505 = arith.constant 17 : i32
        %add3A_506 = arith.addi %mul3A_183, %add3A_505 : i32
        %get3A_507 = arith.index_cast %add3A_506 : i32 to index
        %get3A_508 = arith.constant 16 : index
        %get3A_509 = tpu.vector_load %arg8[%get3A_507, %get3A_508] {strides = array<i32>} : memref<1600x32xf32, #tpu.memory_space<vmem>>, vector<16xf32>,
        %add3A_510 = arith.addf %add3A_491, %get3A_504 : vector<16xf32>
        %add3A_511 = arith.addf %add3A_492, %get3A_509 : vector<16xf32>
        %max3A_512 = arith.maximumf %get3A_504, %get3A_509 : vector<16xf32>
        %gt3A_513 = arith.constant 0.000000e+00 : f32
        %gt3A_514 = vector.broadcast %gt3A_513 : f32 to vector<16xf32>
        %gt3A_515 = arith.cmpf ogt, %max3A_512, %gt3A_514 : vector<16xf32>
        %all_reduce_population_count3A_516 = tpu.all_reduce %gt3A_515 {dim = 0 : i64, kind = #tpu.reduction_kind<sum>} : vector<16xi1> -> vector<16xi32>
        %min3A_517 = arith.minsi %all_reduce_population_count3A_516, %broadcast_in_dim3A_3 : vector<16xi32>
        %add3A_518 = arith.addi %add3A_499, %min3A_517 : vector<16xi32>
        %add3A_519 = arith.constant 18 : i32
        %add3A_520 = arith.addi %mul3A_183, %add3A_519 : i32
        %get3A_521 = arith.index_cast %add3A_520 : i32 to index
        %get3A_522 = arith.constant 0 : index
        %get3A_523 = tpu.vector_load %arg8[%get3A_521, %get3A_522] {strides = array<i32>} : memref<1600x32xf32, #tpu.memory_space<vmem>>, vector<16xf32>,
        %add3A_524 = arith.constant 18 : i32
        %add3A_525 = arith.addi %mul3A_183, %add3A_524 : i32
        %get3A_526 = arith.index_cast %add3A_525 : i32 to index
        %get3A_527 = arith.constant 16 : index
        %get3A_528 = tpu.vector_load %arg8[%get3A_526, %get3A_527] {strides = array<i32>} : memref<1600x32xf32, #tpu.memory_space<vmem>>, vector<16xf32>,
        %add3A_529 = arith.addf %add3A_510, %get3A_523 : vector<16xf32>
        %add3A_530 = arith.addf %add3A_511, %get3A_528 : vector<16xf32>
        %max3A_531 = arith.maximumf %get3A_523, %get3A_528 : vector<16xf32>
        %gt3A_532 = arith.constant 0.000000e+00 : f32
        %gt3A_533 = vector.broadcast %gt3A_532 : f32 to vector<16xf32>
        %gt3A_534 = arith.cmpf ogt, %max3A_531, %gt3A_533 : vector<16xf32>
        %all_reduce_population_count3A_535 = tpu.all_reduce %gt3A_534 {dim = 0 : i64, kind = #tpu.reduction_kind<sum>} : vector<16xi1> -> vector<16xi32>
        %min3A_536 = arith.minsi %all_reduce_population_count3A_535, %broadcast_in_dim3A_3 : vector<16xi32>
        %add3A_537 = arith.addi %add3A_518, %min3A_536 : vector<16xi32>
        %add3A_538 = arith.constant 19 : i32
        %add3A_539 = arith.addi %mul3A_183, %add3A_538 : i32
        %get3A_540 = arith.index_cast %add3A_539 : i32 to index
        %get3A_541 = arith.constant 0 : index
        %get3A_542 = tpu.vector_load %arg8[%get3A_540, %get3A_541] {strides = array<i32>} : memref<1600x32xf32, #tpu.memory_space<vmem>>, vector<16xf32>,
        %add3A_543 = arith.constant 19 : i32
        %add3A_544 = arith.addi %mul3A_183, %add3A_543 : i32
        %get3A_545 = arith.index_cast %add3A_544 : i32 to index
        %get3A_546 = arith.constant 16 : index
        %get3A_547 = tpu.vector_load %arg8[%get3A_545, %get3A_546] {strides = array<i32>} : memref<1600x32xf32, #tpu.memory_space<vmem>>, vector<16xf32>,
        %add3A_548 = arith.addf %add3A_529, %get3A_542 : vector<16xf32>
        %add3A_549 = arith.addf %add3A_530, %get3A_547 : vector<16xf32>
        %max3A_550 = arith.maximumf %get3A_542, %get3A_547 : vector<16xf32>
        %gt3A_551 = arith.constant 0.000000e+00 : f32
        %gt3A_552 = vector.broadcast %gt3A_551 : f32 to vector<16xf32>
        %gt3A_553 = arith.cmpf ogt, %max3A_550, %gt3A_552 : vector<16xf32>
        %all_reduce_population_count3A_554 = tpu.all_reduce %gt3A_553 {dim = 0 : i64, kind = #tpu.reduction_kind<sum>} : vector<16xi1> -> vector<16xi32>
        %min3A_555 = arith.minsi %all_reduce_population_count3A_554, %broadcast_in_dim3A_3 : vector<16xi32>
        %add3A_556 = arith.addi %add3A_537, %min3A_555 : vector<16xi32>
        %add3A_557 = arith.constant 20 : i32
        %add3A_558 = arith.addi %mul3A_183, %add3A_557 : i32
        %get3A_559 = arith.index_cast %add3A_558 : i32 to index
        %get3A_560 = arith.constant 0 : index
        %get3A_561 = tpu.vector_load %arg8[%get3A_559, %get3A_560] {strides = array<i32>} : memref<1600x32xf32, #tpu.memory_space<vmem>>, vector<16xf32>,
        %add3A_562 = arith.constant 20 : i32
        %add3A_563 = arith.addi %mul3A_183, %add3A_562 : i32
        %get3A_564 = arith.index_cast %add3A_563 : i32 to index
        %get3A_565 = arith.constant 16 : index
        %get3A_566 = tpu.vector_load %arg8[%get3A_564, %get3A_565] {strides = array<i32>} : memref<1600x32xf32, #tpu.memory_space<vmem>>, vector<16xf32>,
        %add3A_567 = arith.addf %add3A_548, %get3A_561 : vector<16xf32>
        %add3A_568 = arith.addf %add3A_549, %get3A_566 : vector<16xf32>
        %max3A_569 = arith.maximumf %get3A_561, %get3A_566 : vector<16xf32>
        %gt3A_570 = arith.constant 0.000000e+00 : f32
        %gt3A_571 = vector.broadcast %gt3A_570 : f32 to vector<16xf32>
        %gt3A_572 = arith.cmpf ogt, %max3A_569, %gt3A_571 : vector<16xf32>
        %all_reduce_population_count3A_573 = tpu.all_reduce %gt3A_572 {dim = 0 : i64, kind = #tpu.reduction_kind<sum>} : vector<16xi1> -> vector<16xi32>
        %min3A_574 = arith.minsi %all_reduce_population_count3A_573, %broadcast_in_dim3A_3 : vector<16xi32>
        %add3A_575 = arith.addi %add3A_556, %min3A_574 : vector<16xi32>
        %add3A_576 = arith.constant 21 : i32
        %add3A_577 = arith.addi %mul3A_183, %add3A_576 : i32
        %get3A_578 = arith.index_cast %add3A_577 : i32 to index
        %get3A_579 = arith.constant 0 : index
        %get3A_580 = tpu.vector_load %arg8[%get3A_578, %get3A_579] {strides = array<i32>} : memref<1600x32xf32, #tpu.memory_space<vmem>>, vector<16xf32>,
        %add3A_581 = arith.constant 21 : i32
        %add3A_582 = arith.addi %mul3A_183, %add3A_581 : i32
        %get3A_583 = arith.index_cast %add3A_582 : i32 to index
        %get3A_584 = arith.constant 16 : index
        %get3A_585 = tpu.vector_load %arg8[%get3A_583, %get3A_584] {strides = array<i32>} : memref<1600x32xf32, #tpu.memory_space<vmem>>, vector<16xf32>,
        %add3A_586 = arith.addf %add3A_567, %get3A_580 : vector<16xf32>
        %add3A_587 = arith.addf %add3A_568, %get3A_585 : vector<16xf32>
        %max3A_588 = arith.maximumf %get3A_580, %get3A_585 : vector<16xf32>
        %gt3A_589 = arith.constant 0.000000e+00 : f32
        %gt3A_590 = vector.broadcast %gt3A_589 : f32 to vector<16xf32>
        %gt3A_591 = arith.cmpf ogt, %max3A_588, %gt3A_590 : vector<16xf32>
        %all_reduce_population_count3A_592 = tpu.all_reduce %gt3A_591 {dim = 0 : i64, kind = #tpu.reduction_kind<sum>} : vector<16xi1> -> vector<16xi32>
        %min3A_593 = arith.minsi %all_reduce_population_count3A_592, %broadcast_in_dim3A_3 : vector<16xi32>
        %add3A_594 = arith.addi %add3A_575, %min3A_593 : vector<16xi32>
        %add3A_595 = arith.constant 22 : i32
        %add3A_596 = arith.addi %mul3A_183, %add3A_595 : i32
        %get3A_597 = arith.index_cast %add3A_596 : i32 to index
        %get3A_598 = arith.constant 0 : index
        %get3A_599 = tpu.vector_load %arg8[%get3A_597, %get3A_598] {strides = array<i32>} : memref<1600x32xf32, #tpu.memory_space<vmem>>, vector<16xf32>,
        %add3A_600 = arith.constant 22 : i32
        %add3A_601 = arith.addi %mul3A_183, %add3A_600 : i32
        %get3A_602 = arith.index_cast %add3A_601 : i32 to index
        %get3A_603 = arith.constant 16 : index
        %get3A_604 = tpu.vector_load %arg8[%get3A_602, %get3A_603] {strides = array<i32>} : memref<1600x32xf32, #tpu.memory_space<vmem>>, vector<16xf32>,
        %add3A_605 = arith.addf %add3A_586, %get3A_599 : vector<16xf32>
        %add3A_606 = arith.addf %add3A_587, %get3A_604 : vector<16xf32>
        %max3A_607 = arith.maximumf %get3A_599, %get3A_604 : vector<16xf32>
        %gt3A_608 = arith.constant 0.000000e+00 : f32
        %gt3A_609 = vector.broadcast %gt3A_608 : f32 to vector<16xf32>
        %gt3A_610 = arith.cmpf ogt, %max3A_607, %gt3A_609 : vector<16xf32>
        %all_reduce_population_count3A_611 = tpu.all_reduce %gt3A_610 {dim = 0 : i64, kind = #tpu.reduction_kind<sum>} : vector<16xi1> -> vector<16xi32>
        %min3A_612 = arith.minsi %all_reduce_population_count3A_611, %broadcast_in_dim3A_3 : vector<16xi32>
        %add3A_613 = arith.addi %add3A_594, %min3A_612 : vector<16xi32>
        %add3A_614 = arith.constant 23 : i32
        %add3A_615 = arith.addi %mul3A_183, %add3A_614 : i32
        %get3A_616 = arith.index_cast %add3A_615 : i32 to index
        %get3A_617 = arith.constant 0 : index
        %get3A_618 = tpu.vector_load %arg8[%get3A_616, %get3A_617] {strides = array<i32>} : memref<1600x32xf32, #tpu.memory_space<vmem>>, vector<16xf32>,
        %add3A_619 = arith.constant 23 : i32
        %add3A_620 = arith.addi %mul3A_183, %add3A_619 : i32
        %get3A_621 = arith.index_cast %add3A_620 : i32 to index
        %get3A_622 = arith.constant 16 : index
        %get3A_623 = tpu.vector_load %arg8[%get3A_621, %get3A_622] {strides = array<i32>} : memref<1600x32xf32, #tpu.memory_space<vmem>>, vector<16xf32>,
        %add3A_624 = arith.addf %add3A_605, %get3A_618 : vector<16xf32>
        %add3A_625 = arith.addf %add3A_606, %get3A_623 : vector<16xf32>
        %max3A_626 = arith.maximumf %get3A_618, %get3A_623 : vector<16xf32>
        %gt3A_627 = arith.constant 0.000000e+00 : f32
        %gt3A_628 = vector.broadcast %gt3A_627 : f32 to vector<16xf32>
        %gt3A_629 = arith.cmpf ogt, %max3A_626, %gt3A_628 : vector<16xf32>
        %all_reduce_population_count3A_630 = tpu.all_reduce %gt3A_629 {dim = 0 : i64, kind = #tpu.reduction_kind<sum>} : vector<16xi1> -> vector<16xi32>
        %min3A_631 = arith.minsi %all_reduce_population_count3A_630, %broadcast_in_dim3A_3 : vector<16xi32>
        %add3A_632 = arith.addi %add3A_613, %min3A_631 : vector<16xi32>
        %add3A_633 = arith.constant 24 : i32
        %add3A_634 = arith.addi %mul3A_183, %add3A_633 : i32
        %get3A_635 = arith.index_cast %add3A_634 : i32 to index
        %get3A_636 = arith.constant 0 : index
        %get3A_637 = tpu.vector_load %arg8[%get3A_635, %get3A_636] {strides = array<i32>} : memref<1600x32xf32, #tpu.memory_space<vmem>>, vector<16xf32>,
        %add3A_638 = arith.constant 24 : i32
        %add3A_639 = arith.addi %mul3A_183, %add3A_638 : i32
        %get3A_640 = arith.index_cast %add3A_639 : i32 to index
        %get3A_641 = arith.constant 16 : index
        %get3A_642 = tpu.vector_load %arg8[%get3A_640, %get3A_641] {strides = array<i32>} : memref<1600x32xf32, #tpu.memory_space<vmem>>, vector<16xf32>,
        %add3A_643 = arith.addf %add3A_624, %get3A_637 : vector<16xf32>
        %add3A_644 = arith.addf %add3A_625, %get3A_642 : vector<16xf32>
        %max3A_645 = arith.maximumf %get3A_637, %get3A_642 : vector<16xf32>
        %gt3A_646 = arith.constant 0.000000e+00 : f32
        %gt3A_647 = vector.broadcast %gt3A_646 : f32 to vector<16xf32>
        %gt3A_648 = arith.cmpf ogt, %max3A_645, %gt3A_647 : vector<16xf32>
        %all_reduce_population_count3A_649 = tpu.all_reduce %gt3A_648 {dim = 0 : i64, kind = #tpu.reduction_kind<sum>} : vector<16xi1> -> vector<16xi32>
        %min3A_650 = arith.minsi %all_reduce_population_count3A_649, %broadcast_in_dim3A_3 : vector<16xi32>
        %add3A_651 = arith.addi %add3A_632, %min3A_650 : vector<16xi32>
        %add3A_652 = arith.constant 25 : i32
        %add3A_653 = arith.addi %mul3A_183, %add3A_652 : i32
        %get3A_654 = arith.index_cast %add3A_653 : i32 to index
        %get3A_655 = arith.constant 0 : index
        %get3A_656 = tpu.vector_load %arg8[%get3A_654, %get3A_655] {strides = array<i32>} : memref<1600x32xf32, #tpu.memory_space<vmem>>, vector<16xf32>,
        %add3A_657 = arith.constant 25 : i32
        %add3A_658 = arith.addi %mul3A_183, %add3A_657 : i32
        %get3A_659 = arith.index_cast %add3A_658 : i32 to index
        %get3A_660 = arith.constant 16 : index
        %get3A_661 = tpu.vector_load %arg8[%get3A_659, %get3A_660] {strides = array<i32>} : memref<1600x32xf32, #tpu.memory_space<vmem>>, vector<16xf32>,
        %add3A_662 = arith.addf %add3A_643, %get3A_656 : vector<16xf32>
        %add3A_663 = arith.addf %add3A_644, %get3A_661 : vector<16xf32>
        %max3A_664 = arith.maximumf %get3A_656, %get3A_661 : vector<16xf32>
        %gt3A_665 = arith.constant 0.000000e+00 : f32
        %gt3A_666 = vector.broadcast %gt3A_665 : f32 to vector<16xf32>
        %gt3A_667 = arith.cmpf ogt, %max3A_664, %gt3A_666 : vector<16xf32>
        %all_reduce_population_count3A_668 = tpu.all_reduce %gt3A_667 {dim = 0 : i64, kind = #tpu.reduction_kind<sum>} : vector<16xi1> -> vector<16xi32>
        %min3A_669 = arith.minsi %all_reduce_population_count3A_668, %broadcast_in_dim3A_3 : vector<16xi32>
        %add3A_670 = arith.addi %add3A_651, %min3A_669 : vector<16xi32>
        %add3A_671 = arith.constant 26 : i32
        %add3A_672 = arith.addi %mul3A_183, %add3A_671 : i32
        %get3A_673 = arith.index_cast %add3A_672 : i32 to index
        %get3A_674 = arith.constant 0 : index
        %get3A_675 = tpu.vector_load %arg8[%get3A_673, %get3A_674] {strides = array<i32>} : memref<1600x32xf32, #tpu.memory_space<vmem>>, vector<16xf32>,
        %add3A_676 = arith.constant 26 : i32
        %add3A_677 = arith.addi %mul3A_183, %add3A_676 : i32
        %get3A_678 = arith.index_cast %add3A_677 : i32 to index
        %get3A_679 = arith.constant 16 : index
        %get3A_680 = tpu.vector_load %arg8[%get3A_678, %get3A_679] {strides = array<i32>} : memref<1600x32xf32, #tpu.memory_space<vmem>>, vector<16xf32>,
        %add3A_681 = arith.addf %add3A_662, %get3A_675 : vector<16xf32>
        %add3A_682 = arith.addf %add3A_663, %get3A_680 : vector<16xf32>
        %max3A_683 = arith.maximumf %get3A_675, %get3A_680 : vector<16xf32>
        %gt3A_684 = arith.constant 0.000000e+00 : f32
        %gt3A_685 = vector.broadcast %gt3A_684 : f32 to vector<16xf32>
        %gt3A_686 = arith.cmpf ogt, %max3A_683, %gt3A_685 : vector<16xf32>
        %all_reduce_population_count3A_687 = tpu.all_reduce %gt3A_686 {dim = 0 : i64, kind = #tpu.reduction_kind<sum>} : vector<16xi1> -> vector<16xi32>
        %min3A_688 = arith.minsi %all_reduce_population_count3A_687, %broadcast_in_dim3A_3 : vector<16xi32>
        %add3A_689 = arith.addi %add3A_670, %min3A_688 : vector<16xi32>
        %add3A_690 = arith.constant 27 : i32
        %add3A_691 = arith.addi %mul3A_183, %add3A_690 : i32
        %get3A_692 = arith.index_cast %add3A_691 : i32 to index
        %get3A_693 = arith.constant 0 : index
        %get3A_694 = tpu.vector_load %arg8[%get3A_692, %get3A_693] {strides = array<i32>} : memref<1600x32xf32, #tpu.memory_space<vmem>>, vector<16xf32>,
        %add3A_695 = arith.constant 27 : i32
        %add3A_696 = arith.addi %mul3A_183, %add3A_695 : i32
        %get3A_697 = arith.index_cast %add3A_696 : i32 to index
        %get3A_698 = arith.constant 16 : index
        %get3A_699 = tpu.vector_load %arg8[%get3A_697, %get3A_698] {strides = array<i32>} : memref<1600x32xf32, #tpu.memory_space<vmem>>, vector<16xf32>,
        %add3A_700 = arith.addf %add3A_681, %get3A_694 : vector<16xf32>
        %add3A_701 = arith.addf %add3A_682, %get3A_699 : vector<16xf32>
        %max3A_702 = arith.maximumf %get3A_694, %get3A_699 : vector<16xf32>
        %gt3A_703 = arith.constant 0.000000e+00 : f32
        %gt3A_704 = vector.broadcast %gt3A_703 : f32 to vector<16xf32>
        %gt3A_705 = arith.cmpf ogt, %max3A_702, %gt3A_704 : vector<16xf32>
        %all_reduce_population_count3A_706 = tpu.all_reduce %gt3A_705 {dim = 0 : i64, kind = #tpu.reduction_kind<sum>} : vector<16xi1> -> vector<16xi32>
        %min3A_707 = arith.minsi %all_reduce_population_count3A_706, %broadcast_in_dim3A_3 : vector<16xi32>
        %add3A_708 = arith.addi %add3A_689, %min3A_707 : vector<16xi32>
        %add3A_709 = arith.constant 28 : i32
        %add3A_710 = arith.addi %mul3A_183, %add3A_709 : i32
        %get3A_711 = arith.index_cast %add3A_710 : i32 to index
        %get3A_712 = arith.constant 0 : index
        %get3A_713 = tpu.vector_load %arg8[%get3A_711, %get3A_712] {strides = array<i32>} : memref<1600x32xf32, #tpu.memory_space<vmem>>, vector<16xf32>,
        %add3A_714 = arith.constant 28 : i32
        %add3A_715 = arith.addi %mul3A_183, %add3A_714 : i32
        %get3A_716 = arith.index_cast %add3A_715 : i32 to index
        %get3A_717 = arith.constant 16 : index
        %get3A_718 = tpu.vector_load %arg8[%get3A_716, %get3A_717] {strides = array<i32>} : memref<1600x32xf32, #tpu.memory_space<vmem>>, vector<16xf32>,
        %add3A_719 = arith.addf %add3A_700, %get3A_713 : vector<16xf32>
        %add3A_720 = arith.addf %add3A_701, %get3A_718 : vector<16xf32>
        %max3A_721 = arith.maximumf %get3A_713, %get3A_718 : vector<16xf32>
        %gt3A_722 = arith.constant 0.000000e+00 : f32
        %gt3A_723 = vector.broadcast %gt3A_722 : f32 to vector<16xf32>
        %gt3A_724 = arith.cmpf ogt, %max3A_721, %gt3A_723 : vector<16xf32>
        %all_reduce_population_count3A_725 = tpu.all_reduce %gt3A_724 {dim = 0 : i64, kind = #tpu.reduction_kind<sum>} : vector<16xi1> -> vector<16xi32>
        %min3A_726 = arith.minsi %all_reduce_population_count3A_725, %broadcast_in_dim3A_3 : vector<16xi32>
        %add3A_727 = arith.addi %add3A_708, %min3A_726 : vector<16xi32>
        %add3A_728 = arith.constant 29 : i32
        %add3A_729 = arith.addi %mul3A_183, %add3A_728 : i32
        %get3A_730 = arith.index_cast %add3A_729 : i32 to index
        %get3A_731 = arith.constant 0 : index
        %get3A_732 = tpu.vector_load %arg8[%get3A_730, %get3A_731] {strides = array<i32>} : memref<1600x32xf32, #tpu.memory_space<vmem>>, vector<16xf32>,
        %add3A_733 = arith.constant 29 : i32
        %add3A_734 = arith.addi %mul3A_183, %add3A_733 : i32
        %get3A_735 = arith.index_cast %add3A_734 : i32 to index
        %get3A_736 = arith.constant 16 : index
        %get3A_737 = tpu.vector_load %arg8[%get3A_735, %get3A_736] {strides = array<i32>} : memref<1600x32xf32, #tpu.memory_space<vmem>>, vector<16xf32>,
        %add3A_738 = arith.addf %add3A_719, %get3A_732 : vector<16xf32>
        %add3A_739 = arith.addf %add3A_720, %get3A_737 : vector<16xf32>
        %max3A_740 = arith.maximumf %get3A_732, %get3A_737 : vector<16xf32>
        %gt3A_741 = arith.constant 0.000000e+00 : f32
        %gt3A_742 = vector.broadcast %gt3A_741 : f32 to vector<16xf32>
        %gt3A_743 = arith.cmpf ogt, %max3A_740, %gt3A_742 : vector<16xf32>
        %all_reduce_population_count3A_744 = tpu.all_reduce %gt3A_743 {dim = 0 : i64, kind = #tpu.reduction_kind<sum>} : vector<16xi1> -> vector<16xi32>
        %min3A_745 = arith.minsi %all_reduce_population_count3A_744, %broadcast_in_dim3A_3 : vector<16xi32>
        %add3A_746 = arith.addi %add3A_727, %min3A_745 : vector<16xi32>
        %add3A_747 = arith.constant 30 : i32
        %add3A_748 = arith.addi %mul3A_183, %add3A_747 : i32
        %get3A_749 = arith.index_cast %add3A_748 : i32 to index
        %get3A_750 = arith.constant 0 : index
        %get3A_751 = tpu.vector_load %arg8[%get3A_749, %get3A_750] {strides = array<i32>} : memref<1600x32xf32, #tpu.memory_space<vmem>>, vector<16xf32>,
        %add3A_752 = arith.constant 30 : i32
        %add3A_753 = arith.addi %mul3A_183, %add3A_752 : i32
        %get3A_754 = arith.index_cast %add3A_753 : i32 to index
        %get3A_755 = arith.constant 16 : index
        %get3A_756 = tpu.vector_load %arg8[%get3A_754, %get3A_755] {strides = array<i32>} : memref<1600x32xf32, #tpu.memory_space<vmem>>, vector<16xf32>,
        %add3A_757 = arith.addf %add3A_738, %get3A_751 : vector<16xf32>
        %add3A_758 = arith.addf %add3A_739, %get3A_756 : vector<16xf32>
        %max3A_759 = arith.maximumf %get3A_751, %get3A_756 : vector<16xf32>
        %gt3A_760 = arith.constant 0.000000e+00 : f32
        %gt3A_761 = vector.broadcast %gt3A_760 : f32 to vector<16xf32>
        %gt3A_762 = arith.cmpf ogt, %max3A_759, %gt3A_761 : vector<16xf32>
        %all_reduce_population_count3A_763 = tpu.all_reduce %gt3A_762 {dim = 0 : i64, kind = #tpu.reduction_kind<sum>} : vector<16xi1> -> vector<16xi32>
        %min3A_764 = arith.minsi %all_reduce_population_count3A_763, %broadcast_in_dim3A_3 : vector<16xi32>
        %add3A_765 = arith.addi %add3A_746, %min3A_764 : vector<16xi32>
        %add3A_766 = arith.constant 31 : i32
        %add3A_767 = arith.addi %mul3A_183, %add3A_766 : i32
        %get3A_768 = arith.index_cast %add3A_767 : i32 to index
        %get3A_769 = arith.constant 0 : index
        %get3A_770 = tpu.vector_load %arg8[%get3A_768, %get3A_769] {strides = array<i32>} : memref<1600x32xf32, #tpu.memory_space<vmem>>, vector<16xf32>,
        %add3A_771 = arith.constant 31 : i32
        %add3A_772 = arith.addi %mul3A_183, %add3A_771 : i32
        %get3A_773 = arith.index_cast %add3A_772 : i32 to index
        %get3A_774 = arith.constant 16 : index
        %get3A_775 = tpu.vector_load %arg8[%get3A_773, %get3A_774] {strides = array<i32>} : memref<1600x32xf32, #tpu.memory_space<vmem>>, vector<16xf32>,
        %add3A_776 = arith.addf %add3A_757, %get3A_770 : vector<16xf32>
        %add3A_777 = arith.addf %add3A_758, %get3A_775 : vector<16xf32>
        %max3A_778 = arith.maximumf %get3A_770, %get3A_775 : vector<16xf32>
        %gt3A_779 = arith.constant 0.000000e+00 : f32
        %gt3A_780 = vector.broadcast %gt3A_779 : f32 to vector<16xf32>
        %gt3A_781 = arith.cmpf ogt, %max3A_778, %gt3A_780 : vector<16xf32>
        %all_reduce_population_count3A_782 = tpu.all_reduce %gt3A_781 {dim = 0 : i64, kind = #tpu.reduction_kind<sum>} : vector<16xi1> -> vector<16xi32>
        %min3A_783 = arith.minsi %all_reduce_population_count3A_782, %broadcast_in_dim3A_3 : vector<16xi32>
        %add3A_784 = arith.addi %add3A_765, %min3A_783 : vector<16xi32>
        %add3A_785 = arith.constant 32 : i32
        %add3A_786 = arith.addi %mul3A_183, %add3A_785 : i32
        %get3A_787 = arith.index_cast %add3A_786 : i32 to index
        %get3A_788 = arith.constant 0 : index
        %get3A_789 = tpu.vector_load %arg8[%get3A_787, %get3A_788] {strides = array<i32>} : memref<1600x32xf32, #tpu.memory_space<vmem>>, vector<16xf32>,
        %add3A_790 = arith.constant 32 : i32
        %add3A_791 = arith.addi %mul3A_183, %add3A_790 : i32
        %get3A_792 = arith.index_cast %add3A_791 : i32 to index
        %get3A_793 = arith.constant 16 : index
        %get3A_794 = tpu.vector_load %arg8[%get3A_792, %get3A_793] {strides = array<i32>} : memref<1600x32xf32, #tpu.memory_space<vmem>>, vector<16xf32>,
        %add3A_795 = arith.addf %add3A_776, %get3A_789 : vector<16xf32>
        %add3A_796 = arith.addf %add3A_777, %get3A_794 : vector<16xf32>
        %max3A_797 = arith.maximumf %get3A_789, %get3A_794 : vector<16xf32>
        %gt3A_798 = arith.constant 0.000000e+00 : f32
        %gt3A_799 = vector.broadcast %gt3A_798 : f32 to vector<16xf32>
        %gt3A_800 = arith.cmpf ogt, %max3A_797, %gt3A_799 : vector<16xf32>
        %all_reduce_population_count3A_801 = tpu.all_reduce %gt3A_800 {dim = 0 : i64, kind = #tpu.reduction_kind<sum>} : vector<16xi1> -> vector<16xi32>
        %min3A_802 = arith.minsi %all_reduce_population_count3A_801, %broadcast_in_dim3A_3 : vector<16xi32>
        %add3A_803 = arith.addi %add3A_784, %min3A_802 : vector<16xi32>
        %add3A_804 = arith.constant 33 : i32
        %add3A_805 = arith.addi %mul3A_183, %add3A_804 : i32
        %get3A_806 = arith.index_cast %add3A_805 : i32 to index
        %get3A_807 = arith.constant 0 : index
        %get3A_808 = tpu.vector_load %arg8[%get3A_806, %get3A_807] {strides = array<i32>} : memref<1600x32xf32, #tpu.memory_space<vmem>>, vector<16xf32>,
        %add3A_809 = arith.constant 33 : i32
        %add3A_810 = arith.addi %mul3A_183, %add3A_809 : i32
        %get3A_811 = arith.index_cast %add3A_810 : i32 to index
        %get3A_812 = arith.constant 16 : index
        %get3A_813 = tpu.vector_load %arg8[%get3A_811, %get3A_812] {strides = array<i32>} : memref<1600x32xf32, #tpu.memory_space<vmem>>, vector<16xf32>,
        %add3A_814 = arith.addf %add3A_795, %get3A_808 : vector<16xf32>
        %add3A_815 = arith.addf %add3A_796, %get3A_813 : vector<16xf32>
        %max3A_816 = arith.maximumf %get3A_808, %get3A_813 : vector<16xf32>
        %gt3A_817 = arith.constant 0.000000e+00 : f32
        %gt3A_818 = vector.broadcast %gt3A_817 : f32 to vector<16xf32>
        %gt3A_819 = arith.cmpf ogt, %max3A_816, %gt3A_818 : vector<16xf32>
        %all_reduce_population_count3A_820 = tpu.all_reduce %gt3A_819 {dim = 0 : i64, kind = #tpu.reduction_kind<sum>} : vector<16xi1> -> vector<16xi32>
        %min3A_821 = arith.minsi %all_reduce_population_count3A_820, %broadcast_in_dim3A_3 : vector<16xi32>
        %add3A_822 = arith.addi %add3A_803, %min3A_821 : vector<16xi32>
        %add3A_823 = arith.constant 34 : i32
        %add3A_824 = arith.addi %mul3A_183, %add3A_823 : i32
        %get3A_825 = arith.index_cast %add3A_824 : i32 to index
        %get3A_826 = arith.constant 0 : index
        %get3A_827 = tpu.vector_load %arg8[%get3A_825, %get3A_826] {strides = array<i32>} : memref<1600x32xf32, #tpu.memory_space<vmem>>, vector<16xf32>,
        %add3A_828 = arith.constant 34 : i32
        %add3A_829 = arith.addi %mul3A_183, %add3A_828 : i32
        %get3A_830 = arith.index_cast %add3A_829 : i32 to index
        %get3A_831 = arith.constant 16 : index
        %get3A_832 = tpu.vector_load %arg8[%get3A_830, %get3A_831] {strides = array<i32>} : memref<1600x32xf32, #tpu.memory_space<vmem>>, vector<16xf32>,
        %add3A_833 = arith.addf %add3A_814, %get3A_827 : vector<16xf32>
        %add3A_834 = arith.addf %add3A_815, %get3A_832 : vector<16xf32>
        %max3A_835 = arith.maximumf %get3A_827, %get3A_832 : vector<16xf32>
        %gt3A_836 = arith.constant 0.000000e+00 : f32
        %gt3A_837 = vector.broadcast %gt3A_836 : f32 to vector<16xf32>
        %gt3A_838 = arith.cmpf ogt, %max3A_835, %gt3A_837 : vector<16xf32>
        %all_reduce_population_count3A_839 = tpu.all_reduce %gt3A_838 {dim = 0 : i64, kind = #tpu.reduction_kind<sum>} : vector<16xi1> -> vector<16xi32>
        %min3A_840 = arith.minsi %all_reduce_population_count3A_839, %broadcast_in_dim3A_3 : vector<16xi32>
        %add3A_841 = arith.addi %add3A_822, %min3A_840 : vector<16xi32>
        %add3A_842 = arith.constant 35 : i32
        %add3A_843 = arith.addi %mul3A_183, %add3A_842 : i32
        %get3A_844 = arith.index_cast %add3A_843 : i32 to index
        %get3A_845 = arith.constant 0 : index
        %get3A_846 = tpu.vector_load %arg8[%get3A_844, %get3A_845] {strides = array<i32>} : memref<1600x32xf32, #tpu.memory_space<vmem>>, vector<16xf32>,
        %add3A_847 = arith.constant 35 : i32
        %add3A_848 = arith.addi %mul3A_183, %add3A_847 : i32
        %get3A_849 = arith.index_cast %add3A_848 : i32 to index
        %get3A_850 = arith.constant 16 : index
        %get3A_851 = tpu.vector_load %arg8[%get3A_849, %get3A_850] {strides = array<i32>} : memref<1600x32xf32, #tpu.memory_space<vmem>>, vector<16xf32>,
        %add3A_852 = arith.addf %add3A_833, %get3A_846 : vector<16xf32>
        %add3A_853 = arith.addf %add3A_834, %get3A_851 : vector<16xf32>
        %max3A_854 = arith.maximumf %get3A_846, %get3A_851 : vector<16xf32>
        %gt3A_855 = arith.constant 0.000000e+00 : f32
        %gt3A_856 = vector.broadcast %gt3A_855 : f32 to vector<16xf32>
        %gt3A_857 = arith.cmpf ogt, %max3A_854, %gt3A_856 : vector<16xf32>
        %all_reduce_population_count3A_858 = tpu.all_reduce %gt3A_857 {dim = 0 : i64, kind = #tpu.reduction_kind<sum>} : vector<16xi1> -> vector<16xi32>
        %min3A_859 = arith.minsi %all_reduce_population_count3A_858, %broadcast_in_dim3A_3 : vector<16xi32>
        %add3A_860 = arith.addi %add3A_841, %min3A_859 : vector<16xi32>
        %add3A_861 = arith.constant 36 : i32
        %add3A_862 = arith.addi %mul3A_183, %add3A_861 : i32
        %get3A_863 = arith.index_cast %add3A_862 : i32 to index
        %get3A_864 = arith.constant 0 : index
        %get3A_865 = tpu.vector_load %arg8[%get3A_863, %get3A_864] {strides = array<i32>} : memref<1600x32xf32, #tpu.memory_space<vmem>>, vector<16xf32>,
        %add3A_866 = arith.constant 36 : i32
        %add3A_867 = arith.addi %mul3A_183, %add3A_866 : i32
        %get3A_868 = arith.index_cast %add3A_867 : i32 to index
        %get3A_869 = arith.constant 16 : index
        %get3A_870 = tpu.vector_load %arg8[%get3A_868, %get3A_869] {strides = array<i32>} : memref<1600x32xf32, #tpu.memory_space<vmem>>, vector<16xf32>,
        %add3A_871 = arith.addf %add3A_852, %get3A_865 : vector<16xf32>
        %add3A_872 = arith.addf %add3A_853, %get3A_870 : vector<16xf32>
        %max3A_873 = arith.maximumf %get3A_865, %get3A_870 : vector<16xf32>
        %gt3A_874 = arith.constant 0.000000e+00 : f32
        %gt3A_875 = vector.broadcast %gt3A_874 : f32 to vector<16xf32>
        %gt3A_876 = arith.cmpf ogt, %max3A_873, %gt3A_875 : vector<16xf32>
        %all_reduce_population_count3A_877 = tpu.all_reduce %gt3A_876 {dim = 0 : i64, kind = #tpu.reduction_kind<sum>} : vector<16xi1> -> vector<16xi32>
        %min3A_878 = arith.minsi %all_reduce_population_count3A_877, %broadcast_in_dim3A_3 : vector<16xi32>
        %add3A_879 = arith.addi %add3A_860, %min3A_878 : vector<16xi32>
        %add3A_880 = arith.constant 37 : i32
        %add3A_881 = arith.addi %mul3A_183, %add3A_880 : i32
        %get3A_882 = arith.index_cast %add3A_881 : i32 to index
        %get3A_883 = arith.constant 0 : index
        %get3A_884 = tpu.vector_load %arg8[%get3A_882, %get3A_883] {strides = array<i32>} : memref<1600x32xf32, #tpu.memory_space<vmem>>, vector<16xf32>,
        %add3A_885 = arith.constant 37 : i32
        %add3A_886 = arith.addi %mul3A_183, %add3A_885 : i32
        %get3A_887 = arith.index_cast %add3A_886 : i32 to index
        %get3A_888 = arith.constant 16 : index
        %get3A_889 = tpu.vector_load %arg8[%get3A_887, %get3A_888] {strides = array<i32>} : memref<1600x32xf32, #tpu.memory_space<vmem>>, vector<16xf32>,
        %add3A_890 = arith.addf %add3A_871, %get3A_884 : vector<16xf32>
        %add3A_891 = arith.addf %add3A_872, %get3A_889 : vector<16xf32>
        %max3A_892 = arith.maximumf %get3A_884, %get3A_889 : vector<16xf32>
        %gt3A_893 = arith.constant 0.000000e+00 : f32
        %gt3A_894 = vector.broadcast %gt3A_893 : f32 to vector<16xf32>
        %gt3A_895 = arith.cmpf ogt, %max3A_892, %gt3A_894 : vector<16xf32>
        %all_reduce_population_count3A_896 = tpu.all_reduce %gt3A_895 {dim = 0 : i64, kind = #tpu.reduction_kind<sum>} : vector<16xi1> -> vector<16xi32>
        %min3A_897 = arith.minsi %all_reduce_population_count3A_896, %broadcast_in_dim3A_3 : vector<16xi32>
        %add3A_898 = arith.addi %add3A_879, %min3A_897 : vector<16xi32>
        %add3A_899 = arith.constant 38 : i32
        %add3A_900 = arith.addi %mul3A_183, %add3A_899 : i32
        %get3A_901 = arith.index_cast %add3A_900 : i32 to index
        %get3A_902 = arith.constant 0 : index
        %get3A_903 = tpu.vector_load %arg8[%get3A_901, %get3A_902] {strides = array<i32>} : memref<1600x32xf32, #tpu.memory_space<vmem>>, vector<16xf32>,
        %add3A_904 = arith.constant 38 : i32
        %add3A_905 = arith.addi %mul3A_183, %add3A_904 : i32
        %get3A_906 = arith.index_cast %add3A_905 : i32 to index
        %get3A_907 = arith.constant 16 : index
        %get3A_908 = tpu.vector_load %arg8[%get3A_906, %get3A_907] {strides = array<i32>} : memref<1600x32xf32, #tpu.memory_space<vmem>>, vector<16xf32>,
        %add3A_909 = arith.addf %add3A_890, %get3A_903 : vector<16xf32>
        %add3A_910 = arith.addf %add3A_891, %get3A_908 : vector<16xf32>
        %max3A_911 = arith.maximumf %get3A_903, %get3A_908 : vector<16xf32>
        %gt3A_912 = arith.constant 0.000000e+00 : f32
        %gt3A_913 = vector.broadcast %gt3A_912 : f32 to vector<16xf32>
        %gt3A_914 = arith.cmpf ogt, %max3A_911, %gt3A_913 : vector<16xf32>
        %all_reduce_population_count3A_915 = tpu.all_reduce %gt3A_914 {dim = 0 : i64, kind = #tpu.reduction_kind<sum>} : vector<16xi1> -> vector<16xi32>
        %min3A_916 = arith.minsi %all_reduce_population_count3A_915, %broadcast_in_dim3A_3 : vector<16xi32>
        %add3A_917 = arith.addi %add3A_898, %min3A_916 : vector<16xi32>
        %add3A_918 = arith.constant 39 : i32
        %add3A_919 = arith.addi %mul3A_183, %add3A_918 : i32
        %get3A_920 = arith.index_cast %add3A_919 : i32 to index
        %get3A_921 = arith.constant 0 : index
        %get3A_922 = tpu.vector_load %arg8[%get3A_920, %get3A_921] {strides = array<i32>} : memref<1600x32xf32, #tpu.memory_space<vmem>>, vector<16xf32>,
        %add3A_923 = arith.constant 39 : i32
        %add3A_924 = arith.addi %mul3A_183, %add3A_923 : i32
        %get3A_925 = arith.index_cast %add3A_924 : i32 to index
        %get3A_926 = arith.constant 16 : index
        %get3A_927 = tpu.vector_load %arg8[%get3A_925, %get3A_926] {strides = array<i32>} : memref<1600x32xf32, #tpu.memory_space<vmem>>, vector<16xf32>,
        %add3A_928 = arith.addf %add3A_909, %get3A_922 : vector<16xf32>
        %add3A_929 = arith.addf %add3A_910, %get3A_927 : vector<16xf32>
        %max3A_930 = arith.maximumf %get3A_922, %get3A_927 : vector<16xf32>
        %gt3A_931 = arith.constant 0.000000e+00 : f32
        %gt3A_932 = vector.broadcast %gt3A_931 : f32 to vector<16xf32>
        %gt3A_933 = arith.cmpf ogt, %max3A_930, %gt3A_932 : vector<16xf32>
        %all_reduce_population_count3A_934 = tpu.all_reduce %gt3A_933 {dim = 0 : i64, kind = #tpu.reduction_kind<sum>} : vector<16xi1> -> vector<16xi32>
        %min3A_935 = arith.minsi %all_reduce_population_count3A_934, %broadcast_in_dim3A_3 : vector<16xi32>
        %add3A_936 = arith.addi %add3A_917, %min3A_935 : vector<16xi32>
        %add3A_937 = arith.constant 40 : i32
        %add3A_938 = arith.addi %mul3A_183, %add3A_937 : i32
        %get3A_939 = arith.index_cast %add3A_938 : i32 to index
        %get3A_940 = arith.constant 0 : index
        %get3A_941 = tpu.vector_load %arg8[%get3A_939, %get3A_940] {strides = array<i32>} : memref<1600x32xf32, #tpu.memory_space<vmem>>, vector<16xf32>,
        %add3A_942 = arith.constant 40 : i32
        %add3A_943 = arith.addi %mul3A_183, %add3A_942 : i32
        %get3A_944 = arith.index_cast %add3A_943 : i32 to index
        %get3A_945 = arith.constant 16 : index
        %get3A_946 = tpu.vector_load %arg8[%get3A_944, %get3A_945] {strides = array<i32>} : memref<1600x32xf32, #tpu.memory_space<vmem>>, vector<16xf32>,
        %add3A_947 = arith.addf %add3A_928, %get3A_941 : vector<16xf32>
        %add3A_948 = arith.addf %add3A_929, %get3A_946 : vector<16xf32>
        %max3A_949 = arith.maximumf %get3A_941, %get3A_946 : vector<16xf32>
        %gt3A_950 = arith.constant 0.000000e+00 : f32
        %gt3A_951 = vector.broadcast %gt3A_950 : f32 to vector<16xf32>
        %gt3A_952 = arith.cmpf ogt, %max3A_949, %gt3A_951 : vector<16xf32>
        %all_reduce_population_count3A_953 = tpu.all_reduce %gt3A_952 {dim = 0 : i64, kind = #tpu.reduction_kind<sum>} : vector<16xi1> -> vector<16xi32>
        %min3A_954 = arith.minsi %all_reduce_population_count3A_953, %broadcast_in_dim3A_3 : vector<16xi32>
        %add3A_955 = arith.addi %add3A_936, %min3A_954 : vector<16xi32>
        %add3A_956 = arith.constant 41 : i32
        %add3A_957 = arith.addi %mul3A_183, %add3A_956 : i32
        %get3A_958 = arith.index_cast %add3A_957 : i32 to index
        %get3A_959 = arith.constant 0 : index
        %get3A_960 = tpu.vector_load %arg8[%get3A_958, %get3A_959] {strides = array<i32>} : memref<1600x32xf32, #tpu.memory_space<vmem>>, vector<16xf32>,
        %add3A_961 = arith.constant 41 : i32
        %add3A_962 = arith.addi %mul3A_183, %add3A_961 : i32
        %get3A_963 = arith.index_cast %add3A_962 : i32 to index
        %get3A_964 = arith.constant 16 : index
        %get3A_965 = tpu.vector_load %arg8[%get3A_963, %get3A_964] {strides = array<i32>} : memref<1600x32xf32, #tpu.memory_space<vmem>>, vector<16xf32>,
        %add3A_966 = arith.addf %add3A_947, %get3A_960 : vector<16xf32>
        %add3A_967 = arith.addf %add3A_948, %get3A_965 : vector<16xf32>
        %max3A_968 = arith.maximumf %get3A_960, %get3A_965 : vector<16xf32>
        %gt3A_969 = arith.constant 0.000000e+00 : f32
        %gt3A_970 = vector.broadcast %gt3A_969 : f32 to vector<16xf32>
        %gt3A_971 = arith.cmpf ogt, %max3A_968, %gt3A_970 : vector<16xf32>
        %all_reduce_population_count3A_972 = tpu.all_reduce %gt3A_971 {dim = 0 : i64, kind = #tpu.reduction_kind<sum>} : vector<16xi1> -> vector<16xi32>
        %min3A_973 = arith.minsi %all_reduce_population_count3A_972, %broadcast_in_dim3A_3 : vector<16xi32>
        %add3A_974 = arith.addi %add3A_955, %min3A_973 : vector<16xi32>
        %add3A_975 = arith.constant 42 : i32
        %add3A_976 = arith.addi %mul3A_183, %add3A_975 : i32
        %get3A_977 = arith.index_cast %add3A_976 : i32 to index
        %get3A_978 = arith.constant 0 : index
        %get3A_979 = tpu.vector_load %arg8[%get3A_977, %get3A_978] {strides = array<i32>} : memref<1600x32xf32, #tpu.memory_space<vmem>>, vector<16xf32>,
        %add3A_980 = arith.constant 42 : i32
        %add3A_981 = arith.addi %mul3A_183, %add3A_980 : i32
        %get3A_982 = arith.index_cast %add3A_981 : i32 to index
        %get3A_983 = arith.constant 16 : index
        %get3A_984 = tpu.vector_load %arg8[%get3A_982, %get3A_983] {strides = array<i32>} : memref<1600x32xf32, #tpu.memory_space<vmem>>, vector<16xf32>,
        %add3A_985 = arith.addf %add3A_966, %get3A_979 : vector<16xf32>
        %add3A_986 = arith.addf %add3A_967, %get3A_984 : vector<16xf32>
        %max3A_987 = arith.maximumf %get3A_979, %get3A_984 : vector<16xf32>
        %gt3A_988 = arith.constant 0.000000e+00 : f32
        %gt3A_989 = vector.broadcast %gt3A_988 : f32 to vector<16xf32>
        %gt3A_990 = arith.cmpf ogt, %max3A_987, %gt3A_989 : vector<16xf32>
        %all_reduce_population_count3A_991 = tpu.all_reduce %gt3A_990 {dim = 0 : i64, kind = #tpu.reduction_kind<sum>} : vector<16xi1> -> vector<16xi32>
        %min3A_992 = arith.minsi %all_reduce_population_count3A_991, %broadcast_in_dim3A_3 : vector<16xi32>
        %add3A_993 = arith.addi %add3A_974, %min3A_992 : vector<16xi32>
        %add3A_994 = arith.constant 43 : i32
        %add3A_995 = arith.addi %mul3A_183, %add3A_994 : i32
        %get3A_996 = arith.index_cast %add3A_995 : i32 to index
        %get3A_997 = arith.constant 0 : index
        %get3A_998 = tpu.vector_load %arg8[%get3A_996, %get3A_997] {strides = array<i32>} : memref<1600x32xf32, #tpu.memory_space<vmem>>, vector<16xf32>,
        %add3A_999 = arith.constant 43 : i32
        %add3A_1000 = arith.addi %mul3A_183, %add3A_999 : i32
        %get3A_1001 = arith.index_cast %add3A_1000 : i32 to index
        %get3A_1002 = arith.constant 16 : index
        %get3A_1003 = tpu.vector_load %arg8[%get3A_1001, %get3A_1002] {strides = array<i32>} : memref<1600x32xf32, #tpu.memory_space<vmem>>, vector<16xf32>,
        %add3A_1004 = arith.addf %add3A_985, %get3A_998 : vector<16xf32>
        %add3A_1005 = arith.addf %add3A_986, %get3A_1003 : vector<16xf32>
        %max3A_1006 = arith.maximumf %get3A_998, %get3A_1003 : vector<16xf32>
        %gt3A_1007 = arith.constant 0.000000e+00 : f32
        %gt3A_1008 = vector.broadcast %gt3A_1007 : f32 to vector<16xf32>
        %gt3A_1009 = arith.cmpf ogt, %max3A_1006, %gt3A_1008 : vector<16xf32>
        %all_reduce_population_count3A_1010 = tpu.all_reduce %gt3A_1009 {dim = 0 : i64, kind = #tpu.reduction_kind<sum>} : vector<16xi1> -> vector<16xi32>
        %min3A_1011 = arith.minsi %all_reduce_population_count3A_1010, %broadcast_in_dim3A_3 : vector<16xi32>
        %add3A_1012 = arith.addi %add3A_993, %min3A_1011 : vector<16xi32>
        %add3A_1013 = arith.constant 44 : i32
        %add3A_1014 = arith.addi %mul3A_183, %add3A_1013 : i32
        %get3A_1015 = arith.index_cast %add3A_1014 : i32 to index
        %get3A_1016 = arith.constant 0 : index
        %get3A_1017 = tpu.vector_load %arg8[%get3A_1015, %get3A_1016] {strides = array<i32>} : memref<1600x32xf32, #tpu.memory_space<vmem>>, vector<16xf32>,
        %add3A_1018 = arith.constant 44 : i32
        %add3A_1019 = arith.addi %mul3A_183, %add3A_1018 : i32
        %get3A_1020 = arith.index_cast %add3A_1019 : i32 to index
        %get3A_1021 = arith.constant 16 : index
        %get3A_1022 = tpu.vector_load %arg8[%get3A_1020, %get3A_1021] {strides = array<i32>} : memref<1600x32xf32, #tpu.memory_space<vmem>>, vector<16xf32>,
        %add3A_1023 = arith.addf %add3A_1004, %get3A_1017 : vector<16xf32>
        %add3A_1024 = arith.addf %add3A_1005, %get3A_1022 : vector<16xf32>
        %max3A_1025 = arith.maximumf %get3A_1017, %get3A_1022 : vector<16xf32>
        %gt3A_1026 = arith.constant 0.000000e+00 : f32
        %gt3A_1027 = vector.broadcast %gt3A_1026 : f32 to vector<16xf32>
        %gt3A_1028 = arith.cmpf ogt, %max3A_1025, %gt3A_1027 : vector<16xf32>
        %all_reduce_population_count3A_1029 = tpu.all_reduce %gt3A_1028 {dim = 0 : i64, kind = #tpu.reduction_kind<sum>} : vector<16xi1> -> vector<16xi32>
        %min3A_1030 = arith.minsi %all_reduce_population_count3A_1029, %broadcast_in_dim3A_3 : vector<16xi32>
        %add3A_1031 = arith.addi %add3A_1012, %min3A_1030 : vector<16xi32>
        %add3A_1032 = arith.constant 45 : i32
        %add3A_1033 = arith.addi %mul3A_183, %add3A_1032 : i32
        %get3A_1034 = arith.index_cast %add3A_1033 : i32 to index
        %get3A_1035 = arith.constant 0 : index
        %get3A_1036 = tpu.vector_load %arg8[%get3A_1034, %get3A_1035] {strides = array<i32>} : memref<1600x32xf32, #tpu.memory_space<vmem>>, vector<16xf32>,
        %add3A_1037 = arith.constant 45 : i32
        %add3A_1038 = arith.addi %mul3A_183, %add3A_1037 : i32
        %get3A_1039 = arith.index_cast %add3A_1038 : i32 to index
        %get3A_1040 = arith.constant 16 : index
        %get3A_1041 = tpu.vector_load %arg8[%get3A_1039, %get3A_1040] {strides = array<i32>} : memref<1600x32xf32, #tpu.memory_space<vmem>>, vector<16xf32>,
        %add3A_1042 = arith.addf %add3A_1023, %get3A_1036 : vector<16xf32>
        %add3A_1043 = arith.addf %add3A_1024, %get3A_1041 : vector<16xf32>
        %max3A_1044 = arith.maximumf %get3A_1036, %get3A_1041 : vector<16xf32>
        %gt3A_1045 = arith.constant 0.000000e+00 : f32
        %gt3A_1046 = vector.broadcast %gt3A_1045 : f32 to vector<16xf32>
        %gt3A_1047 = arith.cmpf ogt, %max3A_1044, %gt3A_1046 : vector<16xf32>
        %all_reduce_population_count3A_1048 = tpu.all_reduce %gt3A_1047 {dim = 0 : i64, kind = #tpu.reduction_kind<sum>} : vector<16xi1> -> vector<16xi32>
        %min3A_1049 = arith.minsi %all_reduce_population_count3A_1048, %broadcast_in_dim3A_3 : vector<16xi32>
        %add3A_1050 = arith.addi %add3A_1031, %min3A_1049 : vector<16xi32>
        %add3A_1051 = arith.constant 46 : i32
        %add3A_1052 = arith.addi %mul3A_183, %add3A_1051 : i32
        %get3A_1053 = arith.index_cast %add3A_1052 : i32 to index
        %get3A_1054 = arith.constant 0 : index
        %get3A_1055 = tpu.vector_load %arg8[%get3A_1053, %get3A_1054] {strides = array<i32>} : memref<1600x32xf32, #tpu.memory_space<vmem>>, vector<16xf32>,
        %add3A_1056 = arith.constant 46 : i32
        %add3A_1057 = arith.addi %mul3A_183, %add3A_1056 : i32
        %get3A_1058 = arith.index_cast %add3A_1057 : i32 to index
        %get3A_1059 = arith.constant 16 : index
        %get3A_1060 = tpu.vector_load %arg8[%get3A_1058, %get3A_1059] {strides = array<i32>} : memref<1600x32xf32, #tpu.memory_space<vmem>>, vector<16xf32>,
        %add3A_1061 = arith.addf %add3A_1042, %get3A_1055 : vector<16xf32>
        %add3A_1062 = arith.addf %add3A_1043, %get3A_1060 : vector<16xf32>
        %max3A_1063 = arith.maximumf %get3A_1055, %get3A_1060 : vector<16xf32>
        %gt3A_1064 = arith.constant 0.000000e+00 : f32
        %gt3A_1065 = vector.broadcast %gt3A_1064 : f32 to vector<16xf32>
        %gt3A_1066 = arith.cmpf ogt, %max3A_1063, %gt3A_1065 : vector<16xf32>
        %all_reduce_population_count3A_1067 = tpu.all_reduce %gt3A_1066 {dim = 0 : i64, kind = #tpu.reduction_kind<sum>} : vector<16xi1> -> vector<16xi32>
        %min3A_1068 = arith.minsi %all_reduce_population_count3A_1067, %broadcast_in_dim3A_3 : vector<16xi32>
        %add3A_1069 = arith.addi %add3A_1050, %min3A_1068 : vector<16xi32>
        %add3A_1070 = arith.constant 47 : i32
        %add3A_1071 = arith.addi %mul3A_183, %add3A_1070 : i32
        %get3A_1072 = arith.index_cast %add3A_1071 : i32 to index
        %get3A_1073 = arith.constant 0 : index
        %get3A_1074 = tpu.vector_load %arg8[%get3A_1072, %get3A_1073] {strides = array<i32>} : memref<1600x32xf32, #tpu.memory_space<vmem>>, vector<16xf32>,
        %add3A_1075 = arith.constant 47 : i32
        %add3A_1076 = arith.addi %mul3A_183, %add3A_1075 : i32
        %get3A_1077 = arith.index_cast %add3A_1076 : i32 to index
        %get3A_1078 = arith.constant 16 : index
        %get3A_1079 = tpu.vector_load %arg8[%get3A_1077, %get3A_1078] {strides = array<i32>} : memref<1600x32xf32, #tpu.memory_space<vmem>>, vector<16xf32>,
        %add3A_1080 = arith.addf %add3A_1061, %get3A_1074 : vector<16xf32>
        %add3A_1081 = arith.addf %add3A_1062, %get3A_1079 : vector<16xf32>
        %max3A_1082 = arith.maximumf %get3A_1074, %get3A_1079 : vector<16xf32>
        %gt3A_1083 = arith.constant 0.000000e+00 : f32
        %gt3A_1084 = vector.broadcast %gt3A_1083 : f32 to vector<16xf32>
        %gt3A_1085 = arith.cmpf ogt, %max3A_1082, %gt3A_1084 : vector<16xf32>
        %all_reduce_population_count3A_1086 = tpu.all_reduce %gt3A_1085 {dim = 0 : i64, kind = #tpu.reduction_kind<sum>} : vector<16xi1> -> vector<16xi32>
        %min3A_1087 = arith.minsi %all_reduce_population_count3A_1086, %broadcast_in_dim3A_3 : vector<16xi32>
        %add3A_1088 = arith.addi %add3A_1069, %min3A_1087 : vector<16xi32>
        %add3A_1089 = arith.constant 48 : i32
        %add3A_1090 = arith.addi %mul3A_183, %add3A_1089 : i32
        %get3A_1091 = arith.index_cast %add3A_1090 : i32 to index
        %get3A_1092 = arith.constant 0 : index
        %get3A_1093 = tpu.vector_load %arg8[%get3A_1091, %get3A_1092] {strides = array<i32>} : memref<1600x32xf32, #tpu.memory_space<vmem>>, vector<16xf32>,
        %add3A_1094 = arith.constant 48 : i32
        %add3A_1095 = arith.addi %mul3A_183, %add3A_1094 : i32
        %get3A_1096 = arith.index_cast %add3A_1095 : i32 to index
        %get3A_1097 = arith.constant 16 : index
        %get3A_1098 = tpu.vector_load %arg8[%get3A_1096, %get3A_1097] {strides = array<i32>} : memref<1600x32xf32, #tpu.memory_space<vmem>>, vector<16xf32>,
        %add3A_1099 = arith.addf %add3A_1080, %get3A_1093 : vector<16xf32>
        %add3A_1100 = arith.addf %add3A_1081, %get3A_1098 : vector<16xf32>
        %max3A_1101 = arith.maximumf %get3A_1093, %get3A_1098 : vector<16xf32>
        %gt3A_1102 = arith.constant 0.000000e+00 : f32
        %gt3A_1103 = vector.broadcast %gt3A_1102 : f32 to vector<16xf32>
        %gt3A_1104 = arith.cmpf ogt, %max3A_1101, %gt3A_1103 : vector<16xf32>
        %all_reduce_population_count3A_1105 = tpu.all_reduce %gt3A_1104 {dim = 0 : i64, kind = #tpu.reduction_kind<sum>} : vector<16xi1> -> vector<16xi32>
        %min3A_1106 = arith.minsi %all_reduce_population_count3A_1105, %broadcast_in_dim3A_3 : vector<16xi32>
        %add3A_1107 = arith.addi %add3A_1088, %min3A_1106 : vector<16xi32>
        %add3A_1108 = arith.constant 49 : i32
        %add3A_1109 = arith.addi %mul3A_183, %add3A_1108 : i32
        %get3A_1110 = arith.index_cast %add3A_1109 : i32 to index
        %get3A_1111 = arith.constant 0 : index
        %get3A_1112 = tpu.vector_load %arg8[%get3A_1110, %get3A_1111] {strides = array<i32>} : memref<1600x32xf32, #tpu.memory_space<vmem>>, vector<16xf32>,
        %add3A_1113 = arith.constant 49 : i32
        %add3A_1114 = arith.addi %mul3A_183, %add3A_1113 : i32
        %get3A_1115 = arith.index_cast %add3A_1114 : i32 to index
        %get3A_1116 = arith.constant 16 : index
        %get3A_1117 = tpu.vector_load %arg8[%get3A_1115, %get3A_1116] {strides = array<i32>} : memref<1600x32xf32, #tpu.memory_space<vmem>>, vector<16xf32>,
        %add3A_1118 = arith.addf %add3A_1099, %get3A_1112 : vector<16xf32>
        %add3A_1119 = arith.addf %add3A_1100, %get3A_1117 : vector<16xf32>
        %max3A_1120 = arith.maximumf %get3A_1112, %get3A_1117 : vector<16xf32>
        %gt3A_1121 = arith.constant 0.000000e+00 : f32
        %gt3A_1122 = vector.broadcast %gt3A_1121 : f32 to vector<16xf32>
        %gt3A_1123 = arith.cmpf ogt, %max3A_1120, %gt3A_1122 : vector<16xf32>
        %all_reduce_population_count3A_1124 = tpu.all_reduce %gt3A_1123 {dim = 0 : i64, kind = #tpu.reduction_kind<sum>} : vector<16xi1> -> vector<16xi32>
        %min3A_1125 = arith.minsi %all_reduce_population_count3A_1124, %broadcast_in_dim3A_3 : vector<16xi32>
        %add3A_1126 = arith.addi %add3A_1107, %min3A_1125 : vector<16xi32>
        %sub3A = arith.constant 50 : i32
        %sub3A_1127 = vector.broadcast %sub3A : i32 to vector<16xi32>
        %sub3A_1128 = arith.subi %sub3A_1127, %add3A_181 : vector<16xi32>
        %mul3A_1129 = arith.muli %sub3A_1128, %min3A_61 : vector<16xi32>
        %sub3A_1130 = arith.subi %add3A_1126, %mul3A_1129 : vector<16xi32>
        %convert_element_type3A_1131 = arith.sitofp %sub3A_1128 : vector<16xi32> to vector<16xf32>
        %convert_element_type3A_1132 = arith.sitofp %sub3A_1130 : vector<16xi32> to vector<16xf32>
        %max3A_1133 = arith.constant 1.000000e+00 : f32
        %max3A_1134 = vector.broadcast %max3A_1133 : f32 to vector<16xf32>
        %max3A_1135 = arith.maximumf %convert_element_type3A_1132, %max3A_1134 : vector<16xf32>
        %div3A = arith.constant 1.000000e+00 : f32
        %div3A_1136 = vector.broadcast %div3A : f32 to vector<16xf32>
        %div3A_1137 = arith.divf %div3A_1136, %max3A_1135 : vector<16xf32>
        %mul3A_1138 = arith.mulf %convert_element_type3A_1131, %get3A_54 : vector<16xf32>
        %sub3A_1139 = arith.subf %add3A_1118, %mul3A_1138 : vector<16xf32>
        %mul3A_1140 = arith.mulf %sub3A_1139, %div3A_1137 : vector<16xf32>
        %swap3A = arith.index_cast %add3A_156 : i32 to index
        %swap3A_1141 = arith.constant 0 : index
        %swap3A_1142 = tpu.vector_load %arg10[%swap3A, %swap3A_1141] {strides = array<i32>} : memref<32x32xf32, #tpu.memory_space<vmem>>, vector<16xf32>,
        tpu.vector_store %arg10[%swap3A, %swap3A_1141], %mul3A_1140 {strides = array<i32>} : memref<32x32xf32, #tpu.memory_space<vmem>>, vector<16xf32>,
        %mul3A_1143 = arith.mulf %convert_element_type3A_1131, %get3A_58 : vector<16xf32>
        %sub3A_1144 = arith.subf %add3A_1119, %mul3A_1143 : vector<16xf32>
        %mul3A_1145 = arith.mulf %sub3A_1144, %div3A_1137 : vector<16xf32>
        %swap3A_1146 = arith.index_cast %add3A_156 : i32 to index
        %swap3A_1147 = arith.constant 16 : index
        %swap3A_1148 = tpu.vector_load %arg10[%swap3A_1146, %swap3A_1147] {strides = array<i32>} : memref<32x32xf32, #tpu.memory_space<vmem>>, vector<16xf32>,
        tpu.vector_store %arg10[%swap3A_1146, %swap3A_1147], %mul3A_1145 {strides = array<i32>} : memref<32x32xf32, #tpu.memory_space<vmem>>, vector<16xf32>,
      }
      %scan3A_142 = arith.constant 32 : i32
      %mul3A_143 = arith.constant 512 : i32
      %mul3A_144 = arith.muli %add3A, %mul3A_143 : i32
      %mul3A_145 = arith.constant 32 : i32
      %mul3A_146 = arith.muli %add3A_129, %mul3A_145 : i32
      %add3A_147 = arith.addi %mul3A_144, %mul3A_146 : i32
      %dma_start3A_148 = arith.constant 0 : i32
      %dma_start3A_149 = tpu.memref_slice %arg4[%add3A_147, %dma_start3A_148] : memref<16384x32xf32, #tpu.memory_space<hbm>> -> memref<32x32xf32, #tpu.memory_space<hbm>>
      %dma_start3A_150 = arith.constant 0 : i32
      %dma_start3A_151 = tpu.memref_slice %arg4[%add3A_147, %dma_start3A_150] : memref<16384x32xf32, #tpu.memory_space<hbm>> -> memref<32x32xf32, #tpu.memory_space<hbm>>
      tpu.enqueue_dma source(%arg10 : memref<32x32xf32, #tpu.memory_space<vmem>>) target(%dma_start3A_151 : memref<32x32xf32, #tpu.memory_space<hbm>>) target_semaphore(%arg15 : memref<!tpu.dma_semaphore, #tpu.memory_space<semaphore_mem>>)
    }
    %scan3A_71 = arith.constant 8 : i32
    %mul3A_72 = arith.constant 512 : i32
    %mul3A_73 = arith.muli %add3A, %mul3A_72 : i32
    %add3A_74 = arith.constant 448 : i32
    %add3A_75 = arith.addi %mul3A_73, %add3A_74 : i32
    %dma_wait3A = arith.constant 0 : i32
    %dma_wait3A_76 = tpu.memref_slice %arg4[%add3A_75, %dma_wait3A] : memref<16384x32xf32, #tpu.memory_space<hbm>> -> memref<32x32xf32, #tpu.memory_space<hbm>>
    %dma_wait3A_77 = arith.constant 0 : i32
    %dma_wait3A_78 = tpu.memref_slice %arg4[%add3A_75, %dma_wait3A_77] : memref<16384x32xf32, #tpu.memory_space<hbm>> -> memref<32x32xf32, #tpu.memory_space<hbm>>
    tpu.wait_dma2 semaphore(%arg14 : memref<!tpu.dma_semaphore, #tpu.memory_space<semaphore_mem>>) src(%arg9 : memref<32x32xf32, #tpu.memory_space<vmem>>) dst(%dma_wait3A_78 : memref<32x32xf32, #tpu.memory_space<hbm>>)
    %mul3A_79 = arith.constant 512 : i32
    %mul3A_80 = arith.muli %add3A, %mul3A_79 : i32
    %add3A_81 = arith.constant 480 : i32
    %add3A_82 = arith.addi %mul3A_80, %add3A_81 : i32
    %dma_wait3A_83 = arith.constant 0 : i32
    %dma_wait3A_84 = tpu.memref_slice %arg4[%add3A_82, %dma_wait3A_83] : memref<16384x32xf32, #tpu.memory_space<hbm>> -> memref<32x32xf32, #tpu.memory_space<hbm>>
    %dma_wait3A_85 = arith.constant 0 : i32
    %dma_wait3A_86 = tpu.memref_slice %arg4[%add3A_82, %dma_wait3A_85] : memref<16384x32xf32, #tpu.memory_space<hbm>> -> memref<32x32xf32, #tpu.memory_space<hbm>>
    tpu.wait_dma2 semaphore(%arg15 : memref<!tpu.dma_semaphore, #tpu.memory_space<semaphore_mem>>) src(%arg10 : memref<32x32xf32, #tpu.memory_space<vmem>>) dst(%dma_wait3A_86 : memref<32x32xf32, #tpu.memory_space<hbm>>)
    return
  }
}

</mosaic_0001>

<sc_bundles>
// kernel: kernel.3.cloned.1.call-start
scs
__scs_entry_jumppad:
0x0: {  	(pc) =	sbr.rel $0x88, $3  }
0x1: {  	(tag) =	ssettag $0x0;
	lr =	simm.s32 $0x1  }
0x2: {  	[smem:$0x3F9F] =	sst lr;
	_ =	strace $0xD0000000  }
0x3: {  	_ = 	snop  }
0x4: {  	_ = 	snop  }
0x5: {  	_ = 	snop  }
0x6: {  	_ = 	snop  }
0x7: {  	_ = 	snop  }
__scs_overlays_trampoline_lowered:
0x8: {  	[smem:$0x3FAE] =	sst s0  }
0x9: {  	[smem:$0x3FAF] =	sst s1  }
0xa: {  	[smem:$0x3FB0] =	sst s2  }
0xb: {  	[smem:$0x3FB1] =	sst s3  }
0xc: {  	[smem:$0x3FB2] =	sst s4  }
0xd: {  	[smem:$0x3FB3] =	sst s5  }
0xe: {  	[smem:$0x3FB4] =	sst s6  }
0xf: {  	[smem:$0x3FB5] =	sst s7  }
0x10: {  	[smem:$0x3FB6] =	sst s8  }
0x11: {  	[smem:$0x3FB7] =	sst s9;
	s0 =	simm.s32 @!p0 $0x0  }
0x12: {  	s1 =	sld [smem:$0x3F9D];
	s0 =	simm.s32 @p0 $0x1  }
0x13: {  	[smem:$0x3FB8] =	sst s0;
	s0 =	simm.s32 @!p1 $0x0  }
0x14: {  	s2 =	sld [smem:$0x3F9C];
	s0 =	simm.s32 @p1 $0x1  }
0x15: {  	[smem:$0x3FB9] =	sst s0;
	s0 =	simm.s32 @!p2 $0x0  }
0x16: {  	s3 =	sld [smem:$0x3FDB];
	s0 =	simm.s32 @p2 $0x1  }
0x17: {  	s4 =	simm.s32 $0x1BF5;
	[smem:$0x3FBB] =	sst s0  }
0x18: {  	s0 =	sld [smem:$0x3F9E];
	_ =	swait.ge [sflag:s4], $0x0  }
0x19: {  	s7 =	sld [smem:$0x3F9F]  }
0x1a: {  	s8 =	sadd.s32 $0xFFFFE003, lr  }
0x1b: {  	s9 =	sadd.s32 $0xFFFFFEF7, lr;
	s5 =	simm.s32 $0xFFFFFFFF;
	p2 =	slt.u32 s8, $0xFFFFF086  }
0x1c: {  	p1 =	slt.u32 s9, $0xF7A;
	s5 =	simm.s32 @!p2 $0x0  }
0x1d: {  	s5 =	simm.s32 @p1 $0x1;
	p0 =	seq.s32 s7, s2  }
0x1e: {  	s7 =	smul.u32 @!p0 $0xF7A, s2;
	p2 =	seq.s32 @!p0 s5, $0x0  }
0x1f: {  	s9 =	smul.u32 $0xF7A, s1;
	s8 =	simm.s32 @!p0 $0x1BF5;
	p2 =	por !p2, p0  }
0x20: {  	[sflag:s8] =	ssyncset.s32 @!p0 $0xFFFFF086;
	s6 =	sadd.s32 @!p0 s3, s7;
	s7 =	simm.s32 @!p0 $0x108  }
0x21: {  	s3 =	sadd.s32 s3, s9;
	s6 =	sadd.s32 @!p0 $0x88, s6;
	s7 =	simm.s32 @p2 $0x1082  }
0x22: {  	[simem:s7], [sflag:s8] =	dma.local @!p0 [hbm:s6], $0xF7A  }
0x23: {  	s9 =	sor.u32 $0xD0000000, s2;
	s6 =	simm.s32 $0x108;
	_ =	swait.ge @!p0 [sflag:s8], $0x0  }
0x24: {  	s3 =	sadd.s32 $0x88, s3;
	s6 =	simm.s32 @!p1 $0x1082;
	[sflag:s4] =	ssyncset.s32 $0xFFFFF086  }
0x25: {  	[simem:s6], [sflag:s4] =	dma.local [hbm:s3], $0xF7A  }
0x26: {  	[smem:$0x3F9F] =	sst s1;
	(tag) =	ssettag s2;
	_ =	strace s9  }
0x27: {  	s1 =	sld [smem:$0x3FAF]  }
0x28: {  	s2 =	sld [smem:$0x3FB0]  }
0x29: {  	s4 =	sld [smem:$0x3FB2]  }
0x2a: {  	p0 =	seq.s32 s5, $0x0;
	s5 =	sld [smem:$0x3FB3]  }
0x2b: {  	s6 =	sld [smem:$0x3FB4]  }
0x2c: {  	s7 =	sld [smem:$0x3FB5]  }
0x2d: {  	s3 =	simm.s32 $0x108;
	s8 =	sld [smem:$0x3FB6]  }
0x2e: {  	s3 =	simm.s32 @!p0 $0x1082;
	s9 =	sld [smem:$0x3FB7]  }
0x2f: {  	lr =	sadd.s32 s0, s3;
	s0 =	sld [smem:$0x3FAE]  }
0x30: {  	s3 =	sld [smem:$0x3FB1]  }
0x31: {  	[smem:$0x3FBA] =	sst s10  }
0x32: {  	s10 =	sld [smem:$0x3FB8];
	_ =	sdelay $0x3  }
0x33: {  	p0 =	seq.s32 s10, $0x1;
	s10 =	sld [smem:$0x3FBA];
	_ =	sdelay $0x3  }
0x34: {  	[smem:$0x3FBA] =	sst s10  }
0x35: {  	s10 =	sld [smem:$0x3FB9];
	_ =	sdelay $0x3  }
0x36: {  	p1 =	seq.s32 s10, $0x1;
	s10 =	sld [smem:$0x3FBA];
	_ =	sdelay $0x3  }
0x37: {  	[smem:$0x3FBA] =	sst s10  }
0x38: {  	s10 =	sld [smem:$0x3FBB]  }
0x39: {  	_ = 	snop;
	(pc) =	sbr.ind lr, $3  }
0x3a: {  	_ = 	snop  }
0x3b: {  	_ = 	snop  }
0x3c: {  	p2 =	seq.s32 s10, $0x1;
	s10 =	sld [smem:$0x3FBA]  }
0x3d: {  	_ =	shalt  }
0x3e: {  	_ =	shalt  }
0x3f: {  	_ =	shalt  }
0x40: {  	_ =	shalt  }
0x41: {  	_ =	shalt  }
0x42: {  	_ =	shalt  }
0x43: {  	_ =	shalt  }
0x44: {  	_ =	shalt  }
0x45: {  	_ =	shalt  }
0x46: {  	_ =	shalt  }
0x47: {  	_ =	shalt  }
0x48: {  	_ =	shalt  }
0x49: {  	_ =	shalt  }
0x4a: {  	_ =	shalt  }
0x4b: {  	_ =	shalt  }
0x4c: {  	_ =	shalt  }
0x4d: {  	_ =	shalt  }
0x4e: {  	_ =	shalt  }
0x4f: {  	_ =	shalt  }
0x50: {  	_ =	shalt  }
0x51: {  	_ =	shalt  }
0x52: {  	_ =	shalt  }
0x53: {  	_ =	shalt  }
0x54: {  	_ =	shalt  }
0x55: {  	_ =	shalt  }
0x56: {  	_ =	shalt  }
0x57: {  	_ =	shalt  }
0x58: {  	_ =	shalt  }
0x59: {  	_ =	shalt  }
0x5a: {  	_ =	shalt  }
0x5b: {  	_ =	shalt  }
0x5c: {  	_ =	shalt  }
0x5d: {  	_ =	shalt  }
0x5e: {  	_ =	shalt  }
0x5f: {  	_ =	shalt  }
0x60: {  	_ =	shalt  }
0x61: {  	_ =	shalt  }
0x62: {  	_ =	shalt  }
0x63: {  	_ =	shalt  }
0x64: {  	_ =	shalt  }
0x65: {  	_ =	shalt  }
0x66: {  	_ =	shalt  }
0x67: {  	_ =	shalt  }
0x68: {  	_ =	shalt  }
0x69: {  	_ =	shalt  }
0x6a: {  	_ =	shalt  }
0x6b: {  	_ =	shalt  }
0x6c: {  	_ =	shalt  }
0x6d: {  	_ =	shalt  }
0x6e: {  	_ =	shalt  }
0x6f: {  	_ =	shalt  }
0x70: {  	_ =	shalt  }
0x71: {  	_ =	shalt  }
0x72: {  	_ =	shalt  }
0x73: {  	_ =	shalt  }
0x74: {  	_ =	shalt  }
0x75: {  	_ =	shalt  }
0x76: {  	_ =	shalt  }
0x77: {  	_ =	shalt  }
0x78: {  	_ =	shalt  }
0x79: {  	_ =	shalt  }
0x7a: {  	_ =	shalt  }
0x7b: {  	_ =	shalt  }
0x7c: {  	_ =	shalt  }
0x7d: {  	_ =	shalt  }
0x7e: {  	_ =	shalt  }
0x7f: {  	_ =	shalt  }
0x80: {  	_ =	shalt  }
0x81: {  	_ =	shalt  }
0x82: {  	_ =	shalt  }
0x83: {  	_ =	shalt  }
0x84: {  	_ =	shalt  }
0x85: {  	_ =	shalt  }
0x86: {  	_ =	shalt  }
0x87: {  	_ =	shalt  }
.Lfunc_end0:
.L_simem_size_0:
called_computation_lowered:
.L_overlay_start_0:
0x88: {  	s2 =	sld [smem:$0x3FD9]  }
0x89: {  	s3 =	sld [smem:$0x3FFE];
	_ =	sdelay $0x1  }
0x8a: {  	s1 =	srdreg.scid  }
0x8b: {  	s0 =	sand.u32 $0x1, s1  }
0x8c: {  	s17 =	sshll.u32 s0, $0xA;
	s2 =	sadd.s32 s3, s2  }
0x8d: {  	s2 =	sadd.s32 s2, s17  }
0x8e: {  	[smem:$0x3FC6] =	sst s2  }
0x8f: {  	_ = 	snop  }
0x90: {  	s2 =	sld [smem:$0x3FD0];
	(tm) =	ssettm $0x1  }
0x91: {  	s18 =	sld [smem:$0x3FFB];
	_ =	sdelay $0x3  }
0x92: {  	_ =	strace s18  }
0x93: {  	s3 =	sld [smem:$0x3FFC];
	_ =	sdelay $0x3  }
0x94: {  	_ =	strace s3  }
0x95: {  	s3 =	sld [smem:$0x3FFD];
	_ =	sdelay $0x3  }
0x96: {  	_ =	strace s3  }
0x97: {  	_ =	strace $0x8FFFFFFF  }
0x98: {  	s19 =	sld [smem:$0x3FDB];
	_ =	sdelay $0x1  }
0x99: {  	s4 =	simm.s32 $_scs_section_size  }
0x9a: {  	s5 =	simm.s32 $_size__tile_overlayer_lowered;
	s6 =	simm.s32 $_tile_overlayer_lowered  }
0x9b: {  	s22 =	simm.s32 $0x1BFF;
	s21 =	sshll.u32 s6, $0x1;
	s3 =	sadd.s32 s4, s19  }
0x9c: {  	s7 =	simm.s32 $0x0;
	s20 =	sshll.u32 s5, $0x1;
	s5 =	sadd.s32 s21, s3  }
0x9d: {  	[timem:s7], [sflag:s22] =	dma.local [hbm:s5], s20  }
0x9e: {  	_ =	swait.ge [sflag:s22], s20  }
0x9f: {  	s4 =	ssub.s32 $0x0, s20;
	[sflag:s22] =	ssyncset.done $0x0  }
0xa0: {  	[sflag:s22] =	ssyncadd.s32 s4;
	_ =	sdelay $0x1  }
0xa1: {  	s23 =	simm.s32 $0x1B8B  }
0xa2: {  	_ =	swait.ge [sflag:s23], $0x1  }
0xa3: {  	[sflag:s23] =	ssyncset.done $0x0  }
0xa4: {  	s25 =	simm.s32 $0x1B8E;
	s24 =	sld [smem:$0x3FFE];
	[sflag:s23] =	ssyncadd.s32 $0xFFFFFFFF  }
0xa5: {  	s26 =	simm.s32 $execute0_lowered;
	[smem:$0x3FD2] =	sst s25  }
0xa6: {  	s5 =	sshll.u32 s26, $0x1;
	_ =	strace $0x80000046;
	[dreg:$0x1] =	wrdreg $0xFFFFFFFF  }
0xa7: {  	s28 =	simm.s32 $_size_execute0_lowered;
	s3 =	sadd.s32 s3, s5;
	[dreg:$0x0] =	wrdreg $0x0  }
0xa8: {  	s5 =	sshll.u32 s28, $0x1;
	[dreg:$0x2] =	wrdreg s3  }
0xa9: {  	[dreg:$0x3] =	wrdreg s5  }
0xaa: {  	[dreg:$0x4] =	wrdreg $0xC0  }
0xab: {  	_ =	task [dreg:s7], $0x5FFFF  }
0xac: {  	[dreg:$0x1] =	wrdreg $0xFFFFFFFF  }
0xad: {  	[dreg:$0x0] =	wrdreg $0x60  }
0xae: {  	[dreg:$0x2] =	wrdreg s24  }
0xaf: {  	[dreg:$0x3] =	wrdreg s2  }
0xb0: {  	[dreg:$0x4] =	wrdreg $0x9  }
0xb1: {  	_ =	task.clear_ibuf [dreg:s7], $0x5FFFF;
	_ =	strace $0x90000046  }
0xb2: {  	s29 =	simm.s32 $0x9;
	_ =	strace $0x80000048  }
0xb3: {  	_ =	swait.ge [sflag:s29], $0x1  }
0xb4: {  	[sflag:s29] =	ssyncadd.s32 $0xFFFFFFFF  }
0xb5: {  	_ =	strace $0x90000048  }
0xb6: {  	_ =	sfence  }
0xb7: {  	s30 =	sld [smem:$0x0];
	_ =	sdelay $0x2  }
0xb8: {  	s31 =	sshll.u32 s1, $0xD;
	s1 =	sshrl.u32 s1, $0x2  }
0xb9: {  	s3 =	sand.u32 $0x4000, s31;
	s1 =	sadd.s32 s1, s30  }
0xba: {  	s0 =	sor.u32 s3, s0;
	s1 =	sshll.u32 s1, $0x11  }
0xbb: {  	s0 =	sor.u32 s1, s0  }
0xbc: {  	s0 =	sadd.s32 $0x8F2B, s0  }
0xbd: {  	[sflag:s0] =	ssyncadd.remote.s32 $0x1  }
0xbe: {  	_ =	sfence.sel $0xFFFF  }
0xbf: {  	[dreg:$0x0] =	wrdreg $0xFFFFFFFF;
	(pc) =	sbr.abs _section_cstart, $3  }
0xc0: {  	[dreg:$0x1] =	wrdreg $0xFFFFFFFF  }
0xc1: {  	_ =	task.clear_ibuf [dreg:s7], $0x2FFFF;
	_ =	strace $0x9FFFFFFF  }
0xc2: {  	(tm) =	ssettm $0x7FFFFFFF  }
0xc3: {  	_ =	shalt  }
tec
execute0_lowered:
.L_overlay_start_1:
0x0: {  	(tag) =	ssettag $0x1  }
0x1: {  	s6 =	rddreg [dreg:$0x0]  }
0x2: {  	s0 =	srdreg.scid;
	s8 =	rddreg [dreg:$0x1]  }
0x3: {  	s1 =	stileid.u32;
	s2 =	simm.s32 $0x0;
	s11 =	simm.s32 $0x1A480  }
0x4: {  	s12 =	simm.s32 $0x5;
	s13 =	simm.s32 $0x640;
	s14 =	simm.s32 $0xC80  }
0x5: {  	s15 =	simm.s32 $0xD480;
	s16 =	simm.s32 $0x1;
	s17 =	simm.s32 $0x19C80  }
0x6: {  	s18 =	simm.s32 $0x2;
	s19 =	simm.s32 $0x1A080;
	s20 =	simm.s32 $0x3  }
0x7: {  	s21 =	simm.s32 $0x4;
	s3 =	sand.u32 $0x1, s0;
	s0 =	rddreg [dreg:$0x2]  }
0x8: {  	s22 =	simm.s32 $0x0;
	[smem:$0x7FF] =	sst s2;
	s4 =	sshll.u32 s3, $0x4  }
0x9: {  	v32 =	vlaneseq.u32;
	v0 =	vimm.s32 $0x31;
	s5 =	sadd.s32 $0xF42C00, s6;
	s7 =	ssub.s32 $0x2, s3;
	s9 =	sor.u32 s1, s4  }
0xa: {  	vm0 =	vcmask $0x300;
	v33 =	vor.u32 $0x10, v32;
	_ =	strace $0x80000047;
	s4 =	sadd.s32 $0x600, s6;
	s3 =	smul.u32 $0x6400, s9  }
0xb: {  	v35 =	vsel vm0, $0x30, v0;
	[tilespmem:$0x1FFD0] =	vst v33;
	s10 =	sshrl.u32 s7, $0x1;
	s6 =	sadd.s32 $0x1313500, s6;
	s9 =	sshll.u32 s9, $0xB  }
0xc: {  	v34 =	vor.u32 $0x20, v32;
	[tilespmem:$0x1FFE0] =	vst v35;
	s10 =	ssub.s32 s7, s10;
	s8 =	sadd.s32 s8, s9;
	s31 =	sshrl.u32 s3, $0x3  }
0xd: {  	vm0 =	vmmov $0x3;
	[tilespmem:$0x1FFF0] =	vst v34;
	s10 =	smax.u32 s10, $0x1;
	s9 =	sadd.s32 $0xC80, s3;
	s7 =	sadd.s32 s4, s31  }
.LBB2_1:
0xe: {  	[tilespmem:s11], [sflag:$0x5] =	stream.linear.gather [hbm4b:s6+s2], $0x20, $0x38;
	[tilespmem:$0x1A4A0] =	vst v63  }
0xf: {  	_ =	swait.ge [sflag:s12], $0x20  }
0x10: {  	[sflag:s12] =	ssyncset.done $0x0  }
0x11: {  	[sflag:s12] =	ssyncadd.s32 $0xFFFFFFE0  }
0x12: {  	v36 =	vld [tilespmem:$0x1A480]  }
0x13: {  	v37 =	vld [tilespmem:$0x1A490];
	_ =	sdelay $0x3  }
0x14: {  	[tilespmem:s2], [sflag:$0x5] =	stream.linear.gather [hbm4b:s7+s2], $0x640, $0x38;
	[tilespmem:$0x1A4A0] =	vst v63  }
0x15: {  	_ =	swait.ge [sflag:s12], $0x640;
	v0 =	vmax.f32 v36, v37  }
0x16: {  	[sflag:s12] =	ssyncset.done $0x0;
	vm1 =	vgt.f32 v0, $0.0e+00  }
0x17: {  	[sflag:s12] =	ssyncadd.s32 $0xFFFFF9C0;
	v0 =	vmpcnt.ones.xlane vm1  }
0x18: {  	[tilespmem:s14], [sflag:$0x1] =	stream.indirect.gather [hbm4b:s5+s13], $0x20, s2, s13, $0xb8;
	[tilespmem:$0x1A4A0] =	vst v63  }
0x19: {  	[tilespmem:$0x1FFA0] =	vst v36;
	vm1 =	vlt.s32 v0, $0x1  }
0x1a: {  	[tilespmem:$0x1FFB0] =	vst v37;
	v38 =	vnsel vm1, $0x1, v0  }
0x1b: {  	s23 =	simm.s32 $0x0;
	[tilespmem:$0x1FFC0] =	vst v38  }
.LBB2_2:
0x1c: {  	s24 =	sshllo.u32 s23, $0x1  }
0x1d: {  	s25 =	smul.u32 $0x640, s24;
	_ =	sdelay $0x1  }
0x1e: {  	s25 =	sadd.s32 s3, s25  }
0x1f: {  	s25 =	sshrl.u32 s25, $0x3  }
0x20: {  	s25 =	sadd.s32 s4, s25  }
0x21: {  	[tilespmem:s13], [sflag:$0x5] =	stream.linear.gather [hbm4b:s25+s2], $0x640, $0x38;
	[tilespmem:$0x1A4A0] =	vst v63  }
0x22: {  	_ =	swait.ge [sflag:s12], $0x640  }
0x23: {  	p0 =	seq.s32 s23, $0x0;
	[sflag:s12] =	ssyncset.done $0x0  }
0x24: {  	s25 =	simm.s32 @!p0 $0x3;
	[sflag:s12] =	ssyncadd.s32 $0xFFFFF9C0  }
0x25: {  	[tilespmem:s15], [sflag:$0x2] =	stream.indirect.gather [hbm4b:s5+s13], $0x20, s13, s13, $0xb8;
	[tilespmem:$0x1A4A0] =	vst v63  }
0x26: {  	_ =	swait.ge @!p0 [sflag:s25], $0x400  }
0x27: {  	[sflag:s25] =	ssyncset.done @!p0 $0x0  }
0x28: {  	[sflag:s25] =	ssyncadd.s32 @!p0 $0xFFFFFC00  }
0x29: {  	_ =	swait.ge [sflag:s16], $0xC800  }
0x2a: {  	s26 =	simm.s32 $0x0;
	[sflag:s16] =	ssyncset.done $0x0  }
0x2b: {  	v0 =	vadd.s32 s26, v35;
	s25 =	simm.s32 $0xFA0;
	[sflag:s16] =	ssyncadd.s32 $0xFFFF3800  }
0x2c: {  	v6 =	vld [tilespmem:s25+$0xFFFFFD30]  }
0x2d: {  	v7 =	vld [tilespmem:s25+$0xFFFFFD10]  }
0x2e: {  	v9 =	vld [tilespmem:s25+$0xFFFFFCF0]  }
0x2f: {  	v10 =	vld [tilespmem:s25+$0xFFFFFD40]  }
0x30: {  	v0 =	vld.idx.msk [tilespmem:v0+s2+$0x0], $0xffff  }
0x31: {  	v1 =	vld [tilespmem:s25+$0xFFFFFD50]  }
0x32: {  	v13 =	vld [tilespmem:s25+$0xFFFFFD70]  }
0x33: {  	v15 =	vld [tilespmem:s25+$0xFFFFFD80]  }
0x34: {  	v19 =	vld [tilespmem:s25+$0xFFFFFDC0]  }
0x35: {  	v20 =	vld [tilespmem:s25+$0xFFFFFDD0]  }
0x36: {  	v21 =	vld [tilespmem:s25+$0xFFFFFDE0]  }
0x37: {  	v22 =	vld [tilespmem:s25+$0xFFFFFDF0]  }
0x38: {  	v14 =	vld [tilespmem:s25+$0xFFFFFE00]  }
0x39: {  	v23 =	vld [tilespmem:s25+$0xFFFFFE10]  }
0x3a: {  	v12 =	vld [tilespmem:s25+$0xFFFFFE20]  }
0x3b: {  	v24 =	vld [tilespmem:s25+$0xFFFFFE30]  }
0x3c: {  	v8 =	vld [tilespmem:s25+$0xFFFFFE40]  }
0x3d: {  	v25 =	vld [tilespmem:s25+$0xFFFFFE50]  }
0x3e: {  	v5 =	vld [tilespmem:s25+$0xFFFFFE60]  }
0x3f: {  	v31 =	vadd.s32 s26, v33;
	v26 =	vld [tilespmem:s25+$0xFFFFFE70]  }
0x40: {  	v4 =	vld [tilespmem:s25+$0xFFFFFE80]  }
0x41: {  	v27 =	vld [tilespmem:s25+$0xFFFFFE90]  }
0x42: {  	v3 =	vld [tilespmem:s25+$0xFFFFFEA0]  }
0x43: {  	v29 =	vld [tilespmem:s25+$0xFFFFFEB0]  }
0x44: {  	v31 =	vld.idx.msk [tilespmem:v31+s2+$0x0], $0xffff  }
0x45: {  	v39 =	vimm.s32 $0x0;
	v30 =	vadd.s32 s26, v32;
	v55 =	vld [tilespmem:s25+$0xFFFFFD00];
	v2 =	vadd.f32 v7, v9  }
0x46: {  	v54 =	vadd.s32 s26, v34;
	v58 =	vld [tilespmem:s25+$0xFFFFFCE0];
	vm9 =	vlt.s32 v0, $0xF4240;
	v0 =	vmax.f32 v10, v1  }
0x47: {  	v16 =	vld [tilespmem:s25+$0xFFFFFD90];
	v51 =	vmax.f32 v19, v20;
	v52 =	vmax.f32 v21, v22;
	v2 =	vadd.f32 v6, v2  }
0x48: {  	v53 =	vmax.f32 v14, v23;
	v56 =	vmax.f32 v12, v24;
	v57 =	vmax.f32 v8, v25  }
0x49: {  	v59 =	vmax.f32 v5, v26;
	v61 =	vmax.f32 v4, v27;
	v2 =	vadd.f32 v1, v2  }
0x4a: {  	v18 =	vld [tilespmem:s25+$0xFFFFFDB0];
	v63 =	vmax.f32 v3, v29;
	vm2 =	vlt.s32 v31, $0xF4240;
	v7 =	vmax.f32 v55, v7  }
0x4b: {  	v17 =	vld [tilespmem:s25+$0xFFFFFDA0];
	v9 =	vmax.f32 v58, v9;
	vm13 =	vgt.f32 v0, $0.0e+00;
	v2 =	vadd.f32 v13, v2  }
0x4c: {  	v62 =	vld.idx.msk [tilespmem:v30+s2+$0x0], $0xffff;
	v0 =	vmax.f32 v15, v16;
	vm10 =	vgt.f32 v51, $0.0e+00;
	vm12 =	vgt.f32 v52, $0.0e+00  }
0x4d: {  	v30 =	vld [tilespmem:s25+$0xFFFFFD20];
	vm11 =	vgt.f32 v53, $0.0e+00;
	vm8 =	vgt.f32 v56, $0.0e+00;
	v2 =	vadd.f32 v16, v2  }
0x4e: {  	v11 =	vld [tilespmem:s25+$0xFFFFFD60];
	vm7 =	vgt.f32 v57, $0.0e+00;
	vm14 =	vgt.f32 v59, $0.0e+00;
	vm4 =	vgt.f32 v61, $0.0e+00  }
0x4f: {  	vm5 =	vgt.f32 v63, $0.0e+00;
	v31 =	vmpcnt.ones.xlane vm2;
	v2 =	vadd.f32 v18, v2  }
0x50: {  	v50 =	vld [tilespmem:s25+$0xFFFFFEF0];
	vm6 =	vgt.f32 v0, $0.0e+00;
	v0 =	vmax.f32 v17, v18;
	v18 =	vadd.f32 v55, v58  }
0x51: {  	v60 =	vld [tilespmem:s25+$0xFFFFFF10];
	v41 =	vmpcnt.ones.xlane vm13;
	vm13 =	vgt.f32 v9, $0.0e+00;
	v2 =	vadd.f32 v20, v2  }
0x52: {  	v42 =	vld [tilespmem:s25+$0xFFFFFF30];
	v6 =	vmax.f32 v30, v6;
	v63 =	vmpcnt.ones.xlane vm11;
	v18 =	vadd.f32 v30, v18  }
0x53: {  	vm15 =	vgt.f32 v0, $0.0e+00;
	v0 =	vld [tilespmem:s25+$0xFFFFFF00];
	v1 =	vmax.f32 v11, v13;
	v2 =	vadd.f32 v22, v2  }
0x54: {  	v47 =	vmpcnt.ones.xlane vm13;
	vm3 =	vgt.f32 v1, $0.0e+00;
	v1 =	vld [tilespmem:s25+$0xFFFFFEE0];
	v10 =	vadd.f32 v10, v18  }
0x55: {  	vm13 =	vgt.f32 v6, $0.0e+00;
	v6 =	vld [tilespmem:s25+$0xFFFFFF80];
	v61 =	vmpcnt.ones.xlane vm6;
	v2 =	vadd.f32 v23, v2  }
0x56: {  	v43 =	vmpcnt.ones.xlane vm15;
	v53 =	vmpcnt.ones.xlane vm13;
	v55 =	vld [tilespmem:s25+$0xFFFFFF90];
	v11 =	vadd.f32 v11, v10  }
0x57: {  	v40 =	vmpcnt.ones.xlane vm3;
	vm3 =	vmand vm9, vm0;
	v10 =	vld [tilespmem:s25+$0xFFFFFF20];
	v28 =	vadd.f32 v24, v2  }
0x58: {  	v49 =	vld [tilespmem:s25+$0xFFFFFED0];
	v45 =	vmpcnt.ones.xlane vm3;
	vm3 =	vgt.f32 v7, $0.0e+00;
	v11 =	vadd.f32 v15, v11  }
0x59: {  	vm15 =	vlt.s32 v40, $0x1;
	v16 =	vmax.f32 v1, v50;
	v2 =	vld [tilespmem:s25+$0xFFFFFEC0];
	v48 =	vadd.f32 v25, v28  }
0x5a: {  	vm2 =	vgt.f32 v16, $0.0e+00;
	v22 =	vmax.f32 v0, v60;
	v17 =	vadd.f32 v17, v11  }
0x5b: {  	v59 =	vmax.f32 v6, v55;
	v23 =	vld.idx.msk [tilespmem:v54+s2+$0x0], $0xffff;
	v54 =	vmpcnt.ones.xlane vm12;
	v13 =	vadd.f32 v26, v48  }
0x5c: {  	vm12 =	vlt.s32 v53, $0x1;
	v24 =	vmax.f32 v10, v42;
	v17 =	vadd.f32 v19, v17  }
0x5d: {  	vm13 =	vgt.f32 v59, $0.0e+00;
	vm9 =	vgt.f32 v24, $0.0e+00;
	v13 =	vadd.f32 v27, v13  }
0x5e: {  	v19 =	vnsel vm12, $0x1, v53;
	v28 =	vmax.f32 v2, v49;
	v17 =	vadd.f32 v21, v17  }
0x5f: {  	vm1 =	vgt.f32 v28, $0.0e+00;
	v13 =	vadd.f32 v29, v13;
	v29 =	vimm.s32 $0x0  }
0x60: {  	v28 =	vmpcnt.ones.xlane vm14;
	v17 =	vadd.f32 v14, v17;
	v20 =	vsel vm1, $0xFFFFFFFF, v29  }
0x61: {  	vm1 =	vlt.s32 v62, $0xF4240;
	v62 =	vmpcnt.ones.xlane vm10;
	v13 =	vadd.f32 v49, v13  }
0x62: {  	v30 =	vld [tilespmem:s25+$0xFFFFFFD0];
	v34 =	vmpcnt.ones.xlane vm1;
	vm1 =	vgt.f32 v22, $0.0e+00;
	v49 =	vmpcnt.ones.xlane vm3  }
0x63: {  	v14 =	vld [tilespmem:s25+$0xFFFFFFC0];
	vm3 =	vlt.s32 v47, $0x1;
	v17 =	vadd.f32 v12, v17;
	v22 =	vsel vm1, $0xFFFFFFFF, v39  }
0x64: {  	vm1 =	vlt.s32 v23, $0xF4240;
	v9 =	vnsel vm3, $0x1, v47;
	v13 =	vadd.f32 v50, v13  }
0x65: {  	[tilespmem:$0x1FF90] =	vst v22;
	v16 =	vadd.s32 v31, v34;
	v22 =	vnsel vm15, $0x1, v40;
	v44 =	vmpcnt.ones.xlane vm1  }
0x66: {  	vm1 =	vlt.s32 v43, $0x1;
	vm3 =	vlt.s32 v49, $0x1;
	v31 =	vmpcnt.ones.xlane vm8  }
0x67: {  	v11 =	vld [tilespmem:s25+$0xFFFFFF40];
	v34 =	vmpcnt.ones.xlane vm7;
	v17 =	vadd.f32 v8, v17;
	v18 =	vnsel vm1, $0x1, v43  }
0x68: {  	v50 =	vld [tilespmem:s25+$0xFFFFFF50];
	vm1 =	vlt.s32 v54, $0x1;
	v21 =	vmax.f32 v14, v30;
	v13 =	vadd.f32 v60, v13  }
0x69: {  	v46 =	vadd.s32 v44, v16;
	vm7 =	vgt.f32 v21, $0.0e+00;
	v17 =	vadd.f32 v5, v17  }
0x6a: {  	v52 =	vld [tilespmem:s25+$0xFFFFFF70];
	v44 =	vmpcnt.ones.xlane vm4;
	v7 =	vadd.s32 v45, v46;
	v48 =	vadd.f32 v42, v13  }
0x6b: {  	v5 =	vld [tilespmem:s25+$0x40];
	v51 =	vadd.s32 $0xFFFFFFCE, v7;
	v13 =	vnsel vm3, $0x1, v49;
	vm3 =	vlt.s32 v41, $0x1  }
0x6c: {  	[tilespmem:$0x1FF80] =	vst v20;
	v46 =	vld [tilespmem:s25+$0x50];
	v17 =	vadd.f32 v4, v17;
	v20 =	vmul.u32 v38, v51;
	v56 =	vnsel vm3, $0x1, v41  }
0x6d: {  	v57 =	vld [tilespmem:s25+$0xFFFFFFB0];
	v15 =	vmax.f32 v11, v50;
	vm3 =	vlt.s32 v31, $0x1;
	v41 =	vmpcnt.ones.xlane vm5  }
0x6e: {  	v12 =	vld [tilespmem:s25+$0xFFFFFFE0];
	v51 =	vmpcnt.ones.xlane vm2;
	v16 =	vadd.f32 v50, v48;
	vm12 =	vgt.f32 v15, $0.0e+00  }
0x6f: {  	v4 =	vld [tilespmem:s25+$0x60];
	v17 =	vadd.f32 v3, v17;
	v9 =	vadd.s32 v20, v9;
	v20 =	vnsel vm1, $0x1, v54  }
0x70: {  	v48 =	vld [tilespmem:s25+$0x70];
	vm1 =	vlt.s32 v61, $0x1;
	v9 =	vadd.s32 v13, v9;
	v16 =	vadd.f32 v52, v16  }
0x71: {  	v50 =	vld [tilespmem:$0x1FF80];
	v23 =	vnsel vm1, $0x1, v61;
	vm1 =	vlt.s32 v62, $0x1;
	v53 =	vmax.f32 v5, v46  }
0x72: {  	v39 =	vld [tilespmem:s25+$0xFFFFFFF0];
	v2 =	vadd.f32 v2, v17;
	v19 =	vadd.s32 v19, v9;
	v38 =	vnsel vm1, $0x1, v62  }
0x73: {  	v13 =	vld [tilespmem:s25+$0xFFFFFF60];
	vm1 =	vlt.s32 v63, $0x1;
	v19 =	vadd.s32 v56, v19;
	v58 =	vadd.f32 v55, v16  }
0x74: {  	v16 =	vnsel vm1, $0x1, v63;
	vm1 =	vlt.s32 v34, $0x1;
	v63 =	vmpcnt.ones.xlane vm12  }
0x75: {  	v9 =	vld [tilespmem:s25+$0xFFFFFFA0];
	v1 =	vadd.f32 v1, v2;
	v19 =	vadd.s32 v22, v19;
	v22 =	vnsel vm3, $0x1, v31  }
0x76: {  	vm3 =	vnez.u8 v50;
	v3 =	vmax.f32 v4, v48;
	v15 =	vadd.f32 v57, v58  }
0x77: {  	v8 =	vld [tilespmem:s25+$0x0];
	v19 =	vadd.s32 v23, v19;
	v23 =	vmax.f32 v12, v39;
	vm12 =	vlt.s32 v63, $0x1  }
0x78: {  	v40 =	vld [tilespmem:s25+$0x10];
	v0 =	vadd.f32 v0, v1;
	v60 =	vmax.f32 v13, v52;
	v18 =	vadd.s32 v18, v19  }
0x79: {  	v55 =	vld [tilespmem:$0x1FF90];
	v19 =	vnsel vm1, $0x1, v34;
	vm1 =	vlt.s32 v28, $0x1;
	vm5 =	vgt.f32 v23, $0.0e+00  }
0x7a: {  	vm6 =	vgt.f32 v60, $0.0e+00;
	v29 =	vmax.f32 v9, v57;
	v18 =	vadd.s32 v38, v18  }
0x7b: {  	v15 =	vadd.f32 v30, v15;
	v45 =	vnsel vm1, $0x1, v28;
	vm1 =	vlt.s32 v41, $0x1  }
0x7c: {  	v57 =	vmpcnt.ones.xlane vm9;
	v0 =	vadd.f32 v10, v0;
	v31 =	vmpcnt.ones.xlane vm5  }
0x7d: {  	vm15 =	vgt.f32 v29, $0.0e+00;
	v18 =	vadd.s32 v20, v18;
	v21 =	vnsel vm1, $0x1, v41  }
0x7e: {  	v20 =	vmax.f32 v8, v40;
	vm1 =	vlt.s32 v44, $0x1;
	vm2 =	vnez.u8 v55  }
0x7f: {  	v26 =	vmpcnt.ones.xlane vm6;
	v29 =	vmpcnt.ones.xlane vm7;
	v16 =	vadd.s32 v16, v18  }
0x80: {  	v43 =	vadd.f32 v39, v15;
	vm8 =	vgt.f32 v20, $0.0e+00;
	v54 =	vnsel vm1, $0x1, v44  }
0x81: {  	v42 =	vld [tilespmem:s25+$0x30];
	v20 =	vmpcnt.ones.xlane vm2;
	vm2 =	vgt.f32 v3, $0.0e+00;
	v1 =	vmpcnt.ones.xlane vm15  }
0x82: {  	v58 =	vld [tilespmem:s25+$0xB0];
	v0 =	vadd.f32 v11, v0;
	vm11 =	vlt.s32 v31, $0x1;
	v16 =	vadd.s32 v22, v16  }
0x83: {  	v15 =	vld [tilespmem:s25+$0x20];
	vm14 =	vlt.s32 v26, $0x1;
	vm10 =	vlt.s32 v29, $0x1;
	v39 =	vmpcnt.ones.xlane vm8  }
0x84: {  	v3 =	vld [tilespmem:s25+$0xA0];
	v11 =	vnsel vm11, $0x1, v31;
	v16 =	vadd.s32 v19, v16;
	v24 =	vadd.f32 v40, v43  }
0x85: {  	vm15 =	vlt.s32 v1, $0x1;
	v0 =	vadd.f32 v13, v0;
	v47 =	vadd.s32 v45, v16  }
0x86: {  	v41 =	vld [tilespmem:s25+$0x150];
	v1 =	vnsel vm15, $0x1, v1;
	vm8 =	vlt.s32 v39, $0x1;
	v49 =	vadd.f32 v42, v24  }
0x87: {  	v40 =	vld [tilespmem:s25+$0x140];
	v24 =	vmpcnt.ones.xlane vm3;
	vm3 =	vgt.f32 v53, $0.0e+00;
	v19 =	vadd.s32 v54, v47  }
0x88: {  	v56 =	vld [tilespmem:s25+$0x90];
	v0 =	vadd.f32 v6, v0;
	v18 =	vmax.f32 v15, v42;
	v19 =	vadd.s32 v21, v19  }
0x89: {  	v16 =	vld [tilespmem:s25+$0x80];
	v21 =	vmax.f32 v3, v58;
	v44 =	vmpcnt.ones.xlane vm3;
	vm4 =	vgt.f32 v18, $0.0e+00  }
0x8a: {  	v27 =	vld [tilespmem:s25+$0xF0];
	v52 =	vadd.f32 v46, v49;
	vm1 =	vlt.s32 v24, $0x1;
	v0 =	vadd.f32 v9, v0  }
0x8b: {  	v2 =	vld [tilespmem:s25+$0xC0];
	v49 =	vmpcnt.ones.xlane vm2;
	v24 =	vnsel vm1, $0x1, v24;
	vm1 =	vlt.s32 v51, $0x1  }
0x8c: {  	v50 =	vld [tilespmem:s25+$0x1B0];
	v42 =	vmpcnt.ones.xlane vm4;
	v6 =	vmax.f32 v40, v41;
	vm2 =	vlt.s32 v44, $0x1  }
0x8d: {  	v34 =	vld [tilespmem:s25+$0x130];
	v25 =	vadd.f32 v48, v52;
	v18 =	vnsel vm1, $0x1, v51;
	vm1 =	vlt.s32 v20, $0x1  }
0x8e: {  	v28 =	vld [tilespmem:s25+$0xE0];
	v19 =	vadd.s32 v24, v19;
	v62 =	vmax.f32 v16, v56;
	v24 =	vmpcnt.ones.xlane vm13  }
0x8f: {  	v45 =	vld [tilespmem:s25+$0x180];
	v0 =	vadd.f32 v14, v0;
	vm3 =	vgt.f32 v6, $0.0e+00;
	v59 =	vadd.s32 v18, v19  }
0x90: {  	v46 =	vld [tilespmem:s25+$0x190];
	v60 =	vnsel vm1, $0x1, v20;
	vm1 =	vlt.s32 v57, $0x1;
	vm9 =	vgt.f32 v62, $0.0e+00  }
0x91: {  	v38 =	vld [tilespmem:s25+$0x120];
	v20 =	vnsel vm12, $0x1, v63;
	vm12 =	vlt.s32 v42, $0x1;
	v61 =	vadd.f32 v56, v25  }
0x92: {  	v48 =	vld [tilespmem:s25+$0x1A0];
	v22 =	vnsel vm1, $0x1, v57;
	v17 =	vadd.s32 v60, v59;
	vm1 =	vgt.f32 v21, $0.0e+00  }
0x93: {  	v51 =	vld [tilespmem:s25+$0x1D0];
	vm13 =	vlt.s32 v24, $0x1;
	v21 =	vnsel vm14, $0x1, v26;
	v47 =	vmpcnt.ones.xlane vm9  }
0x94: {  	v52 =	vld [tilespmem:s25+$0x1C0];
	v0 =	vadd.f32 v12, v0;
	v17 =	vadd.s32 v22, v17;
	v18 =	vnsel vm13, $0x1, v24  }
0x95: {  	v43 =	vld [tilespmem:s25+$0x170];
	v14 =	vmax.f32 v45, v46;
	v57 =	vmpcnt.ones.xlane vm1;
	v19 =	vadd.f32 v58, v61  }
0x96: {  	v25 =	vld [tilespmem:s25+$0xD0];
	v17 =	vadd.s32 v20, v17;
	v20 =	vmax.f32 v28, v27;
	vm14 =	vlt.s32 v47, $0x1  }
0x97: {  	v59 =	vld [tilespmem:s25+$0x160];
	v0 =	vadd.f32 v8, v0;
	vm15 =	vgt.f32 v14, $0.0e+00;
	v17 =	vadd.s32 v21, v17  }
0x98: {  	vm7 =	vgt.f32 v20, $0.0e+00;
	v20 =	vnsel vm8, $0x1, v39;
	v6 =	vnsel vm14, $0x1, v47  }
0x99: {  	v12 =	vmax.f32 v48, v50;
	v8 =	vmax.f32 v52, v51;
	v63 =	vmpcnt.ones.xlane vm15  }
0x9a: {  	v30 =	vld [tilespmem:s25+$0x110];
	v17 =	vadd.s32 v18, v17;
	v0 =	vadd.f32 v15, v0;
	v58 =	vmpcnt.ones.xlane vm7  }
0x9b: {  	v21 =	vld [tilespmem:s25+$0x100];
	v19 =	vadd.f32 v25, v19;
	v22 =	vmax.f32 v2, v25;
	v1 =	vadd.s32 v1, v17  }
0x9c: {  	v17 =	vmax.f32 v38, v34;
	v9 =	vmax.f32 v59, v43;
	vm6 =	vgt.f32 v22, $0.0e+00  }
0x9d: {  	v22 =	vnsel vm10, $0x1, v29;
	vm13 =	vgt.f32 v17, $0.0e+00;
	v17 =	vnsel vm2, $0x1, v44  }
0x9e: {  	vm2 =	vlt.s32 v49, $0x1;
	v0 =	vadd.f32 v5, v0;
	vm9 =	vlt.s32 v58, $0x1  }
0x9f: {  	v29 =	vmpcnt.ones.xlane vm3;
	v19 =	vadd.f32 v27, v19;
	v1 =	vadd.s32 v22, v1  }
0xa0: {  	v55 =	vmpcnt.ones.xlane vm6;
	v62 =	vmpcnt.ones.xlane vm13;
	v18 =	vmax.f32 v21, v30  }
0xa1: {  	v1 =	vadd.s32 v11, v1;
	v0 =	vadd.f32 v4, v0;
	v19 =	vadd.f32 v30, v19  }
0xa2: {  	v53 =	vld [tilespmem:s25+$0x1F0];
	vm5 =	vgt.f32 v18, $0.0e+00;
	v18 =	vnsel vm12, $0x1, v42;
	v1 =	vadd.s32 v20, v1  }
0xa3: {  	v27 =	vld [tilespmem:s25+$0x1E0];
	v1 =	vadd.s32 v18, v1;
	v0 =	vadd.f32 v16, v0;
	v19 =	vadd.f32 v34, v19  }
0xa4: {  	v56 =	vld [tilespmem:s25+$0x210];
	vm13 =	vlt.s32 v63, $0x1;
	v18 =	vnsel vm2, $0x1, v49;
	v1 =	vadd.s32 v17, v1  }
0xa5: {  	v1 =	vadd.s32 v18, v1;
	v18 =	vld [tilespmem:s25+$0x200];
	v0 =	vadd.f32 v3, v0;
	v19 =	vadd.f32 v41, v19  }
0xa6: {  	v25 =	vnsel vm13, $0x1, v63;
	vm1 =	vlt.s32 v55, $0x1;
	v61 =	vmpcnt.ones.xlane vm5  }
0xa7: {  	v60 =	vld [tilespmem:s25+$0x230];
	vm12 =	vlt.s32 v62, $0x1;
	v0 =	vadd.f32 v2, v0;
	v19 =	vadd.f32 v43, v19  }
0xa8: {  	v26 =	vld [tilespmem:s25+$0x270];
	vm2 =	vgt.f32 v12, $0.0e+00;
	vm11 =	vlt.s32 v61, $0x1;
	v14 =	vmax.f32 v27, v53  }
0xa9: {  	v34 =	vld [tilespmem:s25+$0x220];
	v1 =	vadd.s32 v6, v1;
	v0 =	vadd.f32 v28, v0;
	v19 =	vadd.f32 v46, v19  }
0xaa: {  	v39 =	vld [tilespmem:s25+$0x280];
	v24 =	vnsel vm11, $0x1, v61;
	v2 =	vnsel vm9, $0x1, v58;
	v6 =	vmax.f32 v18, v56  }
0xab: {  	v49 =	vld [tilespmem:s25+$0x2E0];
	vm10 =	vgt.f32 v6, $0.0e+00;
	v0 =	vadd.f32 v21, v0;
	v54 =	vadd.f32 v50, v19  }
0xac: {  	v3 =	vld [tilespmem:s25+$0x250];
	v6 =	vnsel vm12, $0x1, v62;
	v19 =	vnsel vm1, $0x1, v55;
	vm1 =	vlt.s32 v57, $0x1  }
0xad: {  	v28 =	vmpcnt.ones.xlane vm10;
	v50 =	vld [tilespmem:s25+$0x2F0];
	v0 =	vadd.f32 v38, v0;
	v15 =	vadd.f32 v51, v54  }
0xae: {  	v55 =	vld [tilespmem:s25+$0x300];
	v12 =	vnsel vm1, $0x1, v57;
	vm1 =	vgt.f32 v8, $0.0e+00;
	v8 =	vmax.f32 v34, v60  }
0xaf: {  	v1 =	vadd.s32 v12, v1;
	v0 =	vadd.f32 v40, v0;
	v40 =	vld [tilespmem:s25+$0x290];
	v15 =	vadd.f32 v53, v15  }
0xb0: {  	v12 =	vld [tilespmem:s25+$0x240];
	v38 =	vmpcnt.ones.xlane vm1;
	vm1 =	vgt.f32 v14, $0.0e+00;
	vm15 =	vgt.f32 v8, $0.0e+00  }
0xb1: {  	v54 =	vld [tilespmem:s25+$0x310];
	v1 =	vadd.s32 v19, v1;
	v0 =	vadd.f32 v59, v0;
	v15 =	vadd.f32 v56, v15  }
0xb2: {  	v42 =	vmpcnt.ones.xlane vm1;
	v47 =	vmpcnt.ones.xlane vm15;
	v1 =	vadd.s32 v2, v1;
	v2 =	vld [tilespmem:s25+$0x260]  }
0xb3: {  	v1 =	vadd.s32 v24, v1;
	v0 =	vadd.f32 v45, v0;
	v23 =	vadd.f32 v60, v15  }
0xb4: {  	v58 =	vmax.f32 v49, v50;
	v1 =	vadd.s32 v6, v1;
	v46 =	vmax.f32 v39, v40  }
0xb5: {  	v0 =	vadd.f32 v48, v0;
	v5 =	vadd.f32 v3, v23;
	v3 =	vmax.f32 v12, v3  }
0xb6: {  	v60 =	vmax.f32 v55, v54;
	vm14 =	vgt.f32 v3, $0.0e+00;
	v3 =	vmpcnt.ones.xlane vm2  }
0xb7: {  	v31 =	vmax.f32 v2, v26;
	vm2 =	vgt.f32 v9, $0.0e+00;
	v0 =	vadd.f32 v52, v0  }
0xb8: {  	v30 =	vmpcnt.ones.xlane vm2;
	vm2 =	vlt.s32 v28, $0x1;
	vm3 =	vlt.s32 v3, $0x1  }
0xb9: {  	v41 =	vmpcnt.ones.xlane vm14;
	v3 =	vnsel vm3, $0x1, v3;
	vm3 =	vlt.s32 v29, $0x1  }
0xba: {  	v45 =	vld [tilespmem:s25+$0x2C0];
	v10 =	vnsel vm2, $0x1, v28;
	vm2 =	vlt.s32 v30, $0x1;
	v6 =	vnsel vm3, $0x1, v29  }
0xbb: {  	v48 =	vld [tilespmem:s25+$0x2D0];
	v0 =	vadd.f32 v27, v0;
	v19 =	vnsel vm2, $0x1, v30;
	v1 =	vadd.s32 v6, v1  }
0xbc: {  	vm1 =	vlt.s32 v41, $0x1;
	vm2 =	vgt.f32 v31, $0.0e+00;
	v1 =	vadd.s32 v19, v1  }
0xbd: {  	v43 =	vld [tilespmem:s25+$0x2A0];
	vm3 =	vlt.s32 v38, $0x1;
	v14 =	vnsel vm1, $0x1, v41;
	v1 =	vadd.s32 v25, v1  }
0xbe: {  	vm1 =	vgt.f32 v46, $0.0e+00;
	v0 =	vadd.f32 v18, v0;
	v1 =	vadd.s32 v3, v1;
	v3 =	vld [tilespmem:s25+$0x2B0]  }
0xbf: {  	v13 =	vnsel vm3, $0x1, v38;
	vm3 =	vlt.s32 v42, $0x1;
	v52 =	vmpcnt.ones.xlane vm2  }
0xc0: {  	v56 =	vmax.f32 v45, v48;
	v53 =	vmpcnt.ones.xlane vm1;
	v44 =	vnsel vm3, $0x1, v42  }
0xc1: {  	vm3 =	vlt.s32 v47, $0x1;
	v0 =	vadd.f32 v34, v0;
	vm1 =	vlt.s32 v52, $0x1  }
0xc2: {  	v16 =	vnsel vm3, $0x1, v47;
	v17 =	vnsel vm1, $0x1, v52;
	v1 =	vadd.s32 v13, v1  }
0xc3: {  	vm1 =	vlt.s32 v53, $0x1;
	v1 =	vadd.s32 v44, v1;
	v51 =	vmax.f32 v43, v3  }
0xc4: {  	v13 =	vnsel vm1, $0x1, v53;
	v1 =	vadd.s32 v10, v1;
	vm2 =	vgt.f32 v51, $0.0e+00  }
0xc5: {  	vm1 =	vgt.f32 v56, $0.0e+00;
	v1 =	vadd.s32 v16, v1;
	v57 =	vmpcnt.ones.xlane vm2  }
0xc6: {  	v0 =	vadd.f32 v12, v0;
	v59 =	vmpcnt.ones.xlane vm1;
	v1 =	vadd.s32 v14, v1  }
0xc7: {  	v1 =	vadd.s32 v17, v1;
	vm2 =	vgt.f32 v58, $0.0e+00;
	vm1 =	vlt.s32 v57, $0x1  }
0xc8: {  	v61 =	vmpcnt.ones.xlane vm2;
	v9 =	vnsel vm1, $0x1, v57;
	vm1 =	vgt.f32 v60, $0.0e+00  }
0xc9: {  	v1 =	vadd.s32 v13, v1;
	vm2 =	vlt.s32 v59, $0x1;
	v62 =	vmpcnt.ones.xlane vm1  }
0xca: {  	v63 =	vnsel vm2, $0x1, v59;
	v1 =	vadd.s32 v9, v1;
	vm1 =	vlt.s32 v61, $0x1  }
0xcb: {  	v1 =	vadd.s32 v63, v1;
	v6 =	vnsel vm1, $0x1, v61;
	vm1 =	vlt.s32 v62, $0x1  }
0xcc: {  	v0 =	vadd.f32 v2, v0;
	v1 =	vadd.s32 v6, v1;
	v2 =	vnsel vm1, $0x1, v62  }
0xcd: {  	v5 =	vadd.f32 v26, v5;
	v1 =	vadd.s32 v2, v1  }
0xce: {  	v1 =	vcvt.s32.f32 v1  }
0xcf: {  	v0 =	vadd.f32 v39, v0;
	v2 =	vadd.f32 v40, v5  }
0xd0: {  	v1 =	vmax.f32 v1, $1.000000000e+00  }
0xd1: {  	v0 =	vadd.f32 v43, v0;
	v2 =	vadd.f32 v3, v2;
	(erf) = vrcp.f32 v1;
	_ =	sdelay $0x1  }
0xd2: {  	v0 =	vadd.f32 v45, v0;
	v1 =	vadd.f32 v48, v2;
	v2 =	vsub.s32 $0x32, v7  }
0xd3: {  	v2 =	vcvt.s32.f32 v2  }
0xd4: {  	v0 =	vadd.f32 v49, v0;
	v1 =	vadd.f32 v50, v1  }
0xd5: {  	v3 =	vmul.f32 v2, v37;
	v2 =	vmul.f32 v2, v36  }
0xd6: {  	v0 =	vadd.f32 v55, v0;
	v1 =	vadd.f32 v54, v1;
	_ =	sdelay $0x1  }
0xd7: {  	v0 =	vsub.f32 v0, v2;
	v1 =	vsub.f32 v1, v3  }
0xd8: {  	v2 =	vpop (erf)  }
0xd9: {  	s31 =	simm.s32 $0x32;
	s28 =	simm.s32 $0x19C90;
	s26 =	simm.s32 $0x19C90;
	v0 =	vmul.f32 v2, v0;
	v1 =	vmul.f32 v2, v1  }
.LBB2_3:
0xda: {  	v2 =	vadd.s32 s31, v32  }
0xdb: {  	[tilespmem:$0x1FD70] =	vst v2  }
0xdc: {  	[tilespmem:s26+$0x0] =	vst v1  }
0xdd: {  	s25 =	sadd.s32 $0x640, s25;
	[tilespmem:s26+$0xFFFFFFF0] =	vst v0;
	v2 =	vadd.s32 s31, v33  }
0xde: {  	v4 =	vld [tilespmem:s25+$0xFFFFFD30];
	[tilespmem:$0x1FD60] =	vst v2;
	v2 =	vadd.s32 s31, v35  }
0xdf: {  	v26 =	vld [tilespmem:s25+$0xFFFFFD10]  }
0xe0: {  	v25 =	vld [tilespmem:s25+$0xFFFFFCF0]  }
0xe1: {  	v6 =	vld [tilespmem:s25+$0xFFFFFD40]  }
0xe2: {  	v1 =	vld [tilespmem:s25+$0xFFFFFD50]  }
0xe3: {  	v0 =	vld.idx.msk [tilespmem:v2+s2+$0x0], $0xffff  }
0xe4: {  	v5 =	vld [tilespmem:s25+$0xFFFFFD60]  }
0xe5: {  	v3 =	vld [tilespmem:s25+$0xFFFFFD70];
	v2 =	vadd.f32 v26, v25;
	_ =	sdelay $0x1  }
0xe6: {  	v16 =	vld [tilespmem:s25+$0xFFFFFD90];
	v2 =	vadd.f32 v4, v2  }
0xe7: {  	v17 =	vld [tilespmem:s25+$0xFFFFFDA0];
	vm1 =	vlt.s32 v0, $0xF4240;
	v0 =	vmax.f32 v6, v1  }
0xe8: {  	v1 =	vadd.f32 v1, v2;
	vm2 =	vgt.f32 v0, $0.0e+00;
	v0 =	vld [tilespmem:s25+$0xFFFFFDB0]  }
0xe9: {  	v8 =	vld [tilespmem:s25+$0xFFFFFDC0];
	v2 =	vmax.f32 v5, v3  }
0xea: {  	v19 =	vld [tilespmem:s25+$0xFFFFFDE0];
	v24 =	vmpcnt.ones.xlane vm2;
	v1 =	vadd.f32 v3, v1;
	vm2 =	vgt.f32 v2, $0.0e+00  }
0xeb: {  	v2 =	vld [tilespmem:s25+$0xFFFFFDD0];
	v3 =	vmpcnt.ones.xlane vm2  }
0xec: {  	v20 =	vld [tilespmem:s25+$0xFFFFFDF0];
	v1 =	vadd.f32 v16, v1  }
0xed: {  	v22 =	vld [tilespmem:s25+$0xFFFFFE00];
	vm2 =	vlt.s32 v3, $0x1;
	v21 =	vmax.f32 v17, v0  }
0xee: {  	v27 =	vld [tilespmem:s25+$0xFFFFFE20];
	v3 =	vnsel vm2, $0x1, v3;
	v0 =	vadd.f32 v0, v1;
	vm2 =	vgt.f32 v21, $0.0e+00  }
0xef: {  	v1 =	vld [tilespmem:s25+$0xFFFFFE10];
	[tilespmem:$0x1FE00] =	vst v3;
	v3 =	vmpcnt.ones.xlane vm2  }
0xf0: {  	v29 =	vld [tilespmem:s25+$0xFFFFFE40];
	v0 =	vadd.f32 v2, v0  }
0xf1: {  	v23 =	vmax.f32 v8, v2;
	v2 =	vld [tilespmem:s25+$0xFFFFFE30];
	vm3 =	vlt.s32 v3, $0x1  }
0xf2: {  	v32 =	vld [tilespmem:s25+$0xFFFFFE60];
	v0 =	vadd.f32 v20, v0;
	v3 =	vnsel vm3, $0x1, v3  }
0xf3: {  	[tilespmem:$0x1FE20] =	vst v3;
	v3 =	vld [tilespmem:s25+$0xFFFFFE50]  }
0xf4: {  	v34 =	vld [tilespmem:s25+$0xFFFFFE80];
	v0 =	vadd.f32 v1, v0  }
0xf5: {  	v31 =	vmax.f32 v22, v1;
	v1 =	vld [tilespmem:s25+$0xFFFFFE70]  }
0xf6: {  	v61 =	vld [tilespmem:s25+$0xFFFFFEA0];
	v0 =	vadd.f32 v2, v0  }
0xf7: {  	v33 =	vmax.f32 v27, v2;
	v2 =	vld [tilespmem:s25+$0xFFFFFE90]  }
0xf8: {  	v35 =	vmax.f32 v29, v3;
	v0 =	vadd.f32 v3, v0;
	v3 =	vld [tilespmem:s25+$0xFFFFFEB0];
	_ =	sdelay $0x1  }
0xf9: {  	v0 =	vadd.f32 v1, v0  }
0xfa: {  	v37 =	vmax.f32 v32, v1;
	v1 =	vld [tilespmem:s25+$0xFFFFFED0]  }
0xfb: {  	v60 =	vld [tilespmem:s25+$0xFFFFFEC0];
	v0 =	vadd.f32 v2, v0  }
0xfc: {  	v39 =	vld [tilespmem:s25+$0xFFFFFEF0];
	v28 =	vmax.f32 v19, v20;
	v38 =	vmax.f32 v34, v2;
	v2 =	vmax.f32 v61, v3  }
0xfd: {  	v56 =	vld [tilespmem:s25+$0xFFFFFEE0];
	vm2 =	vgt.f32 v23, $0.0e+00;
	v0 =	vadd.f32 v3, v0;
	vm14 =	vgt.f32 v2, $0.0e+00  }
0xfe: {  	v45 =	vld [tilespmem:s25+$0xFFFFFF10];
	v36 =	vmpcnt.ones.xlane vm2;
	vm2 =	vgt.f32 v28, $0.0e+00;
	v2 =	vmpcnt.ones.xlane vm14  }
0xff: {  	v43 =	vld [tilespmem:s25+$0xFFFFFF20];
	v30 =	vmpcnt.ones.xlane vm2;
	v0 =	vadd.f32 v1, v0  }
0x100: {  	v3 =	vmax.f32 v60, v1;
	v1 =	vld [tilespmem:s25+$0xFFFFFF30];
	vm7 =	vlt.s32 v2, $0x1  }
0x101: {  	v50 =	vld [tilespmem:s25+$0xFFFFFF00];
	[tilespmem:$0x1FD90] =	vst v4;
	vm3 =	vlt.s32 v30, $0x1;
	v2 =	vnsel vm7, $0x1, v2;
	v0 =	vadd.f32 v39, v0  }
0x102: {  	v40 =	vld [tilespmem:s25+$0xFFFFFF40];
	v4 =	vnsel vm3, $0x1, v30;
	vm3 =	vgt.f32 v37, $0.0e+00;
	[tilespmem:$0x1FE80] =	vst v2;
	v2 =	vmax.f32 v56, v39  }
0x103: {  	[tilespmem:$0x1FE40] =	vst v4;
	v4 =	vmpcnt.ones.xlane vm3;
	vm9 =	vgt.f32 v2, $0.0e+00;
	v2 =	vld [tilespmem:s25+$0xFFFFFF50];
	v0 =	vadd.f32 v45, v0  }
0x104: {  	v58 =	vld [tilespmem:s25+$0xFFFFFF80];
	vm4 =	vgt.f32 v33, $0.0e+00  }
0x105: {  	v46 =	vld [tilespmem:s25+$0xFFFFFF70];
	vm6 =	vlt.s32 v4, $0x1;
	v0 =	vadd.f32 v1, v0;
	v1 =	vmax.f32 v43, v1  }
0x106: {  	v48 =	vld [tilespmem:s25+$0xFFFFFF90];
	vm15 =	vgt.f32 v3, $0.0e+00;
	v3 =	vmpcnt.ones.xlane vm9;
	vm12 =	vgt.f32 v1, $0.0e+00  }
0x107: {  	v7 =	vld [tilespmem:s25+$0xFFFFFD80];
	vm3 =	vgt.f32 v38, $0.0e+00;
	v4 =	vnsel vm6, $0x1, v4;
	v1 =	vmpcnt.ones.xlane vm12  }
0x108: {  	v39 =	vld [tilespmem:s25+$0xFFFFFF60];
	vm11 =	vlt.s32 v3, $0x1;
	v0 =	vadd.f32 v2, v0;
	v2 =	vmax.f32 v40, v2  }
0x109: {  	[tilespmem:$0x1FE70] =	vst v4;
	v3 =	vnsel vm11, $0x1, v3;
	vm14 =	vgt.f32 v2, $0.0e+00;
	v2 =	vld [tilespmem:s25+$0xFFFFFFB0];
	vm8 =	vlt.s32 v1, $0x1  }
0x10a: {  	v33 =	vld [tilespmem:s25+$0xFFFFFFA0];
	[tilespmem:$0x1FE90] =	vst v3;
	v3 =	vmpcnt.ones.xlane vm14;
	v0 =	vadd.f32 v46, v0;
	v1 =	vnsel vm8, $0x1, v1  }
0x10b: {  	v49 =	vld [tilespmem:s25+$0xFFFFFFD0];
	v4 =	vmax.f32 v50, v45;
	v54 =	vmpcnt.ones.xlane vm15;
	[tilespmem:$0x1FEB0] =	vst v1;
	v1 =	vmax.f32 v58, v48  }
0x10c: {  	v52 =	vld [tilespmem:s25+$0xFFFFFFF0];
	vm15 =	vlt.s32 v3, $0x1;
	v0 =	vadd.f32 v48, v0;
	vm9 =	vgt.f32 v1, $0.0e+00  }
0x10d: {  	v53 =	vld [tilespmem:s25+$0x30];
	vm10 =	vgt.f32 v4, $0.0e+00;
	v1 =	vnsel vm15, $0x1, v3;
	v3 =	vmpcnt.ones.xlane vm9  }
0x10e: {  	v44 =	vld [tilespmem:s25+$0x20];
	v47 =	vmpcnt.ones.xlane vm10;
	[tilespmem:$0x1FEC0] =	vst v1;
	v1 =	vmax.f32 v39, v46;
	v0 =	vadd.f32 v2, v0  }
0x10f: {  	v38 =	vld [tilespmem:s25+$0x0];
	vm10 =	vgt.f32 v1, $0.0e+00;
	v1 =	vmax.f32 v33, v2;
	vm11 =	vlt.s32 v3, $0x1  }
0x110: {  	vm12 =	vgt.f32 v1, $0.0e+00;
	v1 =	vld [tilespmem:s25+$0x10];
	v3 =	vnsel vm11, $0x1, v3  }
0x111: {  	v42 =	vld [tilespmem:s25+$0x60];
	vm2 =	vgt.f32 v31, $0.0e+00;
	v0 =	vadd.f32 v49, v0;
	[tilespmem:$0x1FEE0] =	vst v3;
	v3 =	vmpcnt.ones.xlane vm12  }
0x112: {  	v62 =	vld [tilespmem:s25+$0x90];
	v41 =	vmpcnt.ones.xlane vm2;
	vm2 =	vgt.f32 v35, $0.0e+00;
	vm13 =	vlt.s32 v47, $0x1  }
0x113: {  	v35 =	vld [tilespmem:s25+$0xFFFFFFC0];
	v2 =	vmpcnt.ones.xlane vm10;
	v0 =	vadd.f32 v52, v0;
	vm7 =	vlt.s32 v3, $0x1  }
0x114: {  	[tilespmem:$0x1FDA0] =	vst v5;
	v37 =	vld [tilespmem:s25+$0xFFFFFFE0];
	v5 =	vnsel vm13, $0x1, v47;
	v3 =	vnsel vm7, $0x1, v3  }
0x115: {  	vm13 =	vlt.s32 v2, $0x1;
	[tilespmem:$0x1FEF0] =	vst v3;
	v3 =	vld [tilespmem:s25+$0x50];
	v0 =	vadd.f32 v1, v0;
	v1 =	vmax.f32 v38, v1  }
0x116: {  	v11 =	vld [tilespmem:s25+$0xF0];
	v2 =	vnsel vm13, $0x1, v2;
	vm10 =	vgt.f32 v1, $0.0e+00  }
0x117: {  	[tilespmem:$0x1FED0] =	vst v2;
	v1 =	vld [tilespmem:s25+$0x70];
	v2 =	vmpcnt.ones.xlane vm10  }
0x118: {  	v45 =	vld [tilespmem:s25+$0x80];
	v0 =	vadd.f32 v53, v0  }
0x119: {  	v18 =	vmax.f32 v7, v16;
	[tilespmem:$0x1FE60] =	vst v34;
	v34 =	vld [tilespmem:s25+$0x40];
	v4 =	vmax.f32 v37, v52;
	vm6 =	vlt.s32 v2, $0x1  }
0x11a: {  	[tilespmem:$0x1FEA0] =	vst v5;
	v5 =	vmax.f32 v35, v49;
	v48 =	vld [tilespmem:s25+$0xC0];
	v0 =	vadd.f32 v3, v0;
	v2 =	vnsel vm6, $0x1, v2  }
0x11b: {  	v59 =	vmax.f32 v44, v53;
	vm14 =	vgt.f32 v5, $0.0e+00;
	vm15 =	vgt.f32 v4, $0.0e+00;
	[tilespmem:$0x1FF10] =	vst v2;
	v2 =	vld [tilespmem:s25+$0xB0]  }
0x11c: {  	v55 =	vmpcnt.ones.xlane vm15;
	v49 =	vld [tilespmem:s25+$0xE0];
	v0 =	vadd.f32 v1, v0;
	v1 =	vmax.f32 v42, v1  }
0x11d: {  	[tilespmem:$0x1FD80] =	vst v6;
	v6 =	vmax.f32 v45, v62;
	v13 =	vmpcnt.ones.xlane vm14;
	vm14 =	vgt.f32 v1, $0.0e+00;
	v1 =	vld [tilespmem:s25+$0xD0]  }
0x11e: {  	v47 =	vld [tilespmem:s25+$0xA0];
	vm11 =	vlt.s32 v55, $0x1;
	v3 =	vmax.f32 v34, v3;
	v0 =	vadd.f32 v62, v0  }
0x11f: {  	v10 =	vld [tilespmem:s25+$0x2C0];
	v57 =	vnsel vm11, $0x1, v55;
	vm12 =	vgt.f32 v59, $0.0e+00;
	vm13 =	vgt.f32 v3, $0.0e+00  }
0x120: {  	v15 =	vld [tilespmem:s25+$0x110];
	v9 =	vmpcnt.ones.xlane vm12;
	v63 =	vmpcnt.ones.xlane vm13;
	v0 =	vadd.f32 v2, v0  }
0x121: {  	[tilespmem:$0x1FDE0] =	vst v19;
	v19 =	vld [tilespmem:s25+$0x1B0];
	vm13 =	vgt.f32 v6, $0.0e+00;
	v6 =	vmax.f32 v49, v11;
	v12 =	vmpcnt.ones.xlane vm14  }
0x122: {  	v16 =	vld [tilespmem:s25+$0x150];
	vm12 =	vlt.s32 v63, $0x1;
	v0 =	vadd.f32 v1, v0;
	v1 =	vmax.f32 v48, v1  }
0x123: {  	vm14 =	vgt.f32 v6, $0.0e+00;
	v2 =	vmax.f32 v47, v2;
	vm9 =	vgt.f32 v1, $0.0e+00;
	v1 =	vld [tilespmem:s25+$0x130]  }
0x124: {  	v55 =	vld [tilespmem:s25+$0x120];
	vm7 =	vgt.f32 v2, $0.0e+00;
	v2 =	vmpcnt.ones.xlane vm9;
	v0 =	vadd.f32 v11, v0  }
0x125: {  	[tilespmem:$0x1FDC0] =	vst v17;
	v17 =	vld [tilespmem:s25+$0x170];
	vm15 =	vlt.s32 v9, $0x1;
	v3 =	vnsel vm12, $0x1, v63;
	v6 =	vmpcnt.ones.xlane vm14  }
0x126: {  	v21 =	vld [tilespmem:s25+$0x1E0];
	[tilespmem:$0x1FF30] =	vst v3;
	v3 =	vnsel vm15, $0x1, v9;
	v0 =	vadd.f32 v15, v0;
	vm15 =	vlt.s32 v2, $0x1  }
0x127: {  	[tilespmem:$0x1FDD0] =	vst v8;
	v8 =	vld [tilespmem:$0x1FD60];
	vm10 =	vlt.s32 v6, $0x1;
	v2 =	vnsel vm15, $0x1, v2  }
0x128: {  	v59 =	vld [tilespmem:s25+$0x180];
	v0 =	vadd.f32 v1, v0;
	[tilespmem:$0x1FF50] =	vst v2;
	v2 =	vnsel vm10, $0x1, v6  }
0x129: {  	v1 =	vmax.f32 v55, v1;
	[tilespmem:$0x1FF60] =	vst v2;
	v2 =	vld [tilespmem:s25+$0x190]  }
0x12a: {  	v52 =	vld [tilespmem:s25+$0x100];
	vm14 =	vgt.f32 v1, $0.0e+00;
	v0 =	vadd.f32 v16, v0  }
0x12b: {  	v62 =	vld [tilespmem:s25+$0x1A0];
	v1 =	vmpcnt.ones.xlane vm14  }
0x12c: {  	v23 =	vld [tilespmem:s25+$0x1C0];
	v0 =	vadd.f32 v17, v0  }
0x12d: {  	[tilespmem:$0x1FE50] =	vst v32;
	vm5 =	vgt.f32 v18, $0.0e+00;
	v32 =	vld [tilespmem:s25+$0x1D0];
	vm9 =	vlt.s32 v1, $0x1  }
0x12e: {  	v53 =	vld [tilespmem:s25+$0x140];
	v46 =	vnsel vm9, $0x1, v1;
	v0 =	vadd.f32 v2, v0;
	v1 =	vmax.f32 v59, v2  }
0x12f: {  	[tilespmem:$0x1FDB0] =	vst v7;
	v7 =	vmax.f32 v52, v15;
	v14 =	vmpcnt.ones.xlane vm13;
	vm15 =	vgt.f32 v1, $0.0e+00;
	v1 =	vld [tilespmem:s25+$0x1F0]  }
0x130: {  	v20 =	vld [tilespmem:s25+$0x200];
	vm12 =	vgt.f32 v7, $0.0e+00;
	v6 =	vmax.f32 v62, v19;
	v0 =	vadd.f32 v19, v0  }
0x131: {  	[tilespmem:$0x1FDF0] =	vst v22;
	vm8 =	vlt.s32 v14, $0x1;
	v18 =	vmpcnt.ones.xlane vm12;
	vm12 =	vgt.f32 v6, $0.0e+00;
	v6 =	vld [tilespmem:s25+$0x210]  }
0x132: {  	v22 =	vld [tilespmem:s25+$0x2A0];
	[tilespmem:$0x1FF20] =	vst v3;
	v3 =	vnsel vm8, $0x1, v14;
	v14 =	vadd.f32 v32, v0  }
0x133: {  	[tilespmem:$0x1FE30] =	vst v29;
	v29 =	vld [tilespmem:s25+$0x290]  }
0x134: {  	v5 =	vmax.f32 v53, v16;
	v9 =	vld [tilespmem:s25+$0x230];
	v15 =	vadd.f32 v1, v14  }
0x135: {  	vm8 =	vgt.f32 v5, $0.0e+00;
	v19 =	vld [tilespmem:s25+$0x240]  }
0x136: {  	[tilespmem:$0x1FE10] =	vst v27;
	v27 =	vmax.f32 v21, v1;
	v1 =	vld [tilespmem:s25+$0x250];
	v5 =	vadd.f32 v6, v15;
	v6 =	vmax.f32 v20, v6  }
0x137: {  	[tilespmem:$0x1FF00] =	vst v57;
	v57 =	vld [tilespmem:s25+$0x160];
	vm13 =	vlt.s32 v18, $0x1;
	v2 =	vmpcnt.ones.xlane vm15;
	vm15 =	vgt.f32 v6, $0.0e+00  }
0x138: {  	v63 =	vnsel vm13, $0x1, v18;
	v14 =	vld [tilespmem:s25+$0x270];
	v16 =	vmpcnt.ones.xlane vm15  }
0x139: {  	v18 =	vld [tilespmem:s25+$0x260];
	v0 =	vmax.f32 v23, v32;
	vm13 =	vlt.s32 v2, $0x1;
	v6 =	vadd.f32 v9, v5  }
0x13a: {  	vm14 =	vgt.f32 v0, $0.0e+00;
	v31 =	vnsel vm13, $0x1, v2;
	v0 =	vld [tilespmem:$0x1FFF0];
	vm9 =	vlt.s32 v16, $0x1  }
0x13b: {  	v2 =	vadd.f32 v1, v6;
	v1 =	vmax.f32 v19, v1;
	v30 =	vnsel vm9, $0x1, v16;
	v16 =	vld [tilespmem:$0x1FD70]  }
0x13c: {  	v7 =	vmpcnt.ones.xlane vm12;
	vm12 =	vgt.f32 v1, $0.0e+00;
	v1 =	vld [tilespmem:s25+$0x2B0]  }
0x13d: {  	v28 =	vmax.f32 v57, v17;
	[tilespmem:$0x1FF40] =	vst v3;
	v17 =	vld [tilespmem:s25+$0x2E0];
	v3 =	vadd.f32 v14, v2  }
0x13e: {  	v15 =	vld [tilespmem:s25+$0x280]  }
0x13f: {  	s30 =	smov.u32 s31;
	v6 =	vld.idx.msk [tilespmem:v8+s2+$0x0], $0xffff;
	v3 =	vadd.f32 v29, v3  }
0x140: {  	v4 =	vadd.s32 s30, v0;
	v0 =	vmpcnt.ones.xlane vm12;
	v14 =	vmax.f32 v18, v14;
	v2 =	vld [tilespmem:s25+$0x2D0]  }
0x141: {  	vm9 =	vgt.f32 v14, $0.0e+00;
	v14 =	vld [tilespmem:s25+$0x2F0];
	v3 =	vadd.f32 v1, v3;
	v1 =	vmax.f32 v22, v1  }
0x142: {  	vm11 =	vlt.s32 v7, $0x1;
	vm15 =	vgt.f32 v1, $0.0e+00;
	v1 =	vld [tilespmem:s25+$0xFFFFFD00]  }
0x143: {  	v32 =	vnsel vm11, $0x1, v7;
	vm13 =	vlt.s32 v0, $0x1;
	v5 =	vld.idx.msk [tilespmem:v16+s2+$0x0], $0xffff  }
0x144: {  	v11 =	vmpcnt.ones.xlane vm14;
	v29 =	vmax.f32 v15, v29;
	v16 =	vnsel vm13, $0x1, v0;
	v0 =	vld [tilespmem:s25+$0xFFFFFCE0]  }
0x145: {  	v7 =	vld.idx.msk [tilespmem:v4+s2+$0x0], $0xffff;
	vm14 =	vgt.f32 v29, $0.0e+00;
	v4 =	vmax.f32 v10, v2;
	v2 =	vadd.f32 v2, v3  }
0x146: {  	vm1 =	vmand vm1, vm0;
	v29 =	vmpcnt.ones.xlane vm14;
	v3 =	vmax.f32 v17, v14  }
0x147: {  	vm12 =	vgt.f32 v3, $0.0e+00;
	vm13 =	vlt.s32 v6, $0xF4240;
	v2 =	vadd.f32 v14, v2  }
0x148: {  	v3 =	vmpcnt.ones.xlane vm12;
	vm12 =	vgt.f32 v4, $0.0e+00;
	v14 =	vmpcnt.ones.xlane vm1  }
0x149: {  	v26 =	vmax.f32 v1, v26;
	vm14 =	vlt.s32 v5, $0xF4240;
	v25 =	vmax.f32 v0, v25  }
0x14a: {  	v4 =	vmpcnt.ones.xlane vm14;
	vm14 =	vlt.s32 v7, $0xF4240;
	vm1 =	vgt.f32 v25, $0.0e+00  }
0x14b: {  	v7 =	vmpcnt.ones.xlane vm14;
	vm14 =	vgt.f32 v26, $0.0e+00;
	v26 =	vmpcnt.ones.xlane vm1  }
0x14c: {  	v5 =	vmpcnt.ones.xlane vm13  }
0x14d: {  	vm1 =	vlt.s32 v26, $0x1  }
0x14e: {  	v0 =	vadd.f32 v1, v0;
	v1 =	vadd.s32 v5, v4;
	v4 =	vnsel vm1, $0x1, v26;
	v26 =	vld [tilespmem:$0x1FFC0];
	_ =	sdelay $0x1  }
0x14f: {  	v1 =	vadd.s32 v7, v1  }
0x150: {  	v1 =	vadd.s32 v14, v1  }
0x151: {  	v6 =	vld [tilespmem:s25+$0xFFFFFD20];
	v25 =	vadd.s32 $0xFFFFFFCE, v1  }
0x152: {  	v7 =	vmul.u32 v26, v25;
	v25 =	vld [tilespmem:$0x1FD90];
	_ =	sdelay $0x1  }
0x153: {  	v14 =	vld [tilespmem:$0x1FD80];
	_ =	sdelay $0x1  }
0x154: {  	vm10 =	vlt.s32 v24, $0x1;
	v26 =	vld [tilespmem:$0x1FDA0]  }
0x155: {  	vm13 =	vlt.s32 v3, $0x1;
	v0 =	vadd.f32 v6, v0;
	v6 =	vmax.f32 v6, v25  }
0x156: {  	v25 =	vnsel vm13, $0x1, v3;
	v3 =	vadd.s32 v7, v4;
	v4 =	vnsel vm10, $0x1, v24;
	v24 =	vld [tilespmem:$0x1FDB0]  }
0x157: {  	v0 =	vadd.f32 v14, v0;
	_ =	sdelay $0x1  }
0x158: {  	v0 =	vadd.f32 v26, v0;
	v26 =	vld [tilespmem:$0x1FDC0]  }
0x159: {  	v1 =	vsub.s32 $0x32, v1  }
0x15a: {  	v5 =	vmpcnt.ones.xlane vm14;
	v0 =	vadd.f32 v24, v0;
	v24 =	vcvt.s32.f32 v1;
	v1 =	vld [tilespmem:$0x1FDD0];
	_ =	sdelay $0x1  }
0x15b: {  	vm1 =	vlt.s32 v5, $0x1  }
0x15c: {  	v5 =	vnsel vm1, $0x1, v5;
	vm1 =	vgt.f32 v6, $0.0e+00;
	v0 =	vadd.f32 v26, v0  }
0x15d: {  	v7 =	vmpcnt.ones.xlane vm1;
	vm1 =	vlt.s32 v36, $0x1  }
0x15e: {  	v0 =	vadd.f32 v1, v0;
	v1 =	vnsel vm1, $0x1, v36;
	v36 =	vld [tilespmem:$0x1FDE0];
	_ =	sdelay $0x1  }
0x15f: {  	v14 =	vmpcnt.ones.xlane vm2;
	vm2 =	vlt.s32 v7, $0x1  }
0x160: {  	v3 =	vadd.s32 v5, v3;
	v7 =	vnsel vm2, $0x1, v7;
	v26 =	vld [tilespmem:$0x1FE00]  }
0x161: {  	v3 =	vadd.s32 v7, v3;
	vm1 =	vlt.s32 v41, $0x1  }
0x162: {  	v41 =	vnsel vm1, $0x1, v41;
	vm1 =	vlt.s32 v14, $0x1;
	v0 =	vadd.f32 v36, v0;
	v36 =	vld [tilespmem:$0x1FDF0]  }
0x163: {  	v8 =	vmpcnt.ones.xlane vm5;
	v3 =	vadd.s32 v4, v3;
	v4 =	vnsel vm1, $0x1, v14;
	v14 =	vld [tilespmem:$0x1FE20]  }
0x164: {  	vm5 =	vlt.s32 v29, $0x1  }
0x165: {  	vm11 =	vlt.s32 v8, $0x1;
	v3 =	vadd.s32 v26, v3;
	v26 =	vnsel vm5, $0x1, v29;
	v29 =	vld [tilespmem:$0x1FE40]  }
0x166: {  	v8 =	vnsel vm11, $0x1, v8  }
0x167: {  	v3 =	vadd.s32 v8, v3;
	v0 =	vadd.f32 v36, v0;
	v36 =	vld [tilespmem:$0x1FE10]  }
0x168: {  	v3 =	vadd.s32 v14, v3  }
0x169: {  	v1 =	vadd.s32 v1, v3;
	v3 =	vld [tilespmem:$0x1FE30]  }
0x16a: {  	v51 =	vmpcnt.ones.xlane vm3;
	v1 =	vadd.s32 v29, v1  }
0x16b: {  	v1 =	vadd.s32 v41, v1;
	v41 =	vld [tilespmem:$0x1FE50]  }
0x16c: {  	vm3 =	vlt.s32 v51, $0x1;
	v0 =	vadd.f32 v36, v0  }
0x16d: {  	v7 =	vnsel vm3, $0x1, v51;
	v51 =	vld [tilespmem:$0x1FE60]  }
0x16e: {  	v0 =	vadd.f32 v3, v0;
	_ =	sdelay $0x1  }
0x16f: {  	v0 =	vadd.f32 v41, v0;
	_ =	sdelay $0x1  }
0x170: {  	v0 =	vadd.f32 v51, v0;
	_ =	sdelay $0x1  }
0x171: {  	v0 =	vadd.f32 v61, v0;
	_ =	sdelay $0x1  }
0x172: {  	v0 =	vadd.f32 v60, v0  }
0x173: {  	v5 =	vmpcnt.ones.xlane vm4  }
0x174: {  	v0 =	vadd.f32 v56, v0  }
0x175: {  	vm2 =	vlt.s32 v5, $0x1  }
0x176: {  	v5 =	vnsel vm2, $0x1, v5;
	vm2 =	vlt.s32 v54, $0x1;
	v0 =	vadd.f32 v50, v0  }
0x177: {  	v3 =	vnsel vm2, $0x1, v54;
	v54 =	vld [tilespmem:$0x1FE70]  }
0x178: {  	v0 =	vadd.f32 v43, v0  }
0x179: {  	v8 =	vld [tilespmem:$0x1FE80]  }
0x17a: {  	v1 =	vadd.s32 v5, v1;
	v0 =	vadd.f32 v40, v0  }
0x17b: {  	v14 =	vld [tilespmem:$0x1FE90];
	v1 =	vadd.s32 v4, v1  }
0x17c: {  	v6 =	vmpcnt.ones.xlane vm12;
	v29 =	vld [tilespmem:$0x1FEA0];
	v1 =	vadd.s32 v54, v1;
	v0 =	vadd.f32 v39, v0  }
0x17d: {  	vm6 =	vlt.s32 v12, $0x1;
	v41 =	vld [tilespmem:$0x1FEB0];
	v1 =	vadd.s32 v7, v1  }
0x17e: {  	vm1 =	vlt.s32 v6, $0x1;
	v51 =	vld [tilespmem:$0x1FEC0];
	v1 =	vadd.s32 v8, v1;
	v0 =	vadd.f32 v58, v0  }
0x17f: {  	v36 =	vnsel vm1, $0x1, v6;
	vm1 =	vlt.s32 v13, $0x1;
	v1 =	vadd.s32 v3, v1;
	v56 =	vld [tilespmem:$0x1FED0]  }
0x180: {  	v60 =	vnsel vm6, $0x1, v12;
	v12 =	vld [tilespmem:$0x1FEE0];
	v1 =	vadd.s32 v14, v1;
	v0 =	vadd.f32 v33, v0  }
0x181: {  	v3 =	vnsel vm1, $0x1, v13;
	v13 =	vld [tilespmem:$0x1FEF0];
	v1 =	vadd.s32 v29, v1  }
0x182: {  	v1 =	vadd.s32 v41, v1;
	v0 =	vadd.f32 v35, v0  }
0x183: {  	v1 =	vadd.s32 v51, v1  }
0x184: {  	v1 =	vadd.s32 v56, v1;
	v0 =	vadd.f32 v37, v0  }
0x185: {  	v1 =	vadd.s32 v12, v1  }
0x186: {  	v1 =	vadd.s32 v13, v1;
	v0 =	vadd.f32 v38, v0  }
0x187: {  	v1 =	vadd.s32 v3, v1;
	v3 =	vld [tilespmem:$0x1FF00]  }
0x188: {  	v0 =	vadd.f32 v44, v0;
	_ =	sdelay $0x1  }
0x189: {  	v0 =	vadd.f32 v34, v0;
	_ =	sdelay $0x1  }
0x18a: {  	v1 =	vadd.s32 v3, v1;
	v3 =	vld [tilespmem:$0x1FF10];
	v0 =	vadd.f32 v42, v0  }
0x18b: {  	v29 =	vld [tilespmem:$0x1FF20]  }
0x18c: {  	v39 =	vld [tilespmem:$0x1FF30];
	v0 =	vadd.f32 v45, v0  }
0x18d: {  	v4 =	vld [tilespmem:s25+$0x220]  }
0x18e: {  	v54 =	vmpcnt.ones.xlane vm7;
	v40 =	vld [tilespmem:$0x1FF40];
	v0 =	vadd.f32 v47, v0  }
0x18f: {  	vm2 =	vgt.f32 v28, $0.0e+00;
	v1 =	vadd.s32 v3, v1  }
0x190: {  	vm1 =	vlt.s32 v54, $0x1;
	v51 =	vld [tilespmem:$0x1FF50];
	v1 =	vadd.s32 v29, v1;
	v0 =	vadd.f32 v48, v0  }
0x191: {  	v61 =	vmpcnt.ones.xlane vm8;
	v5 =	vnsel vm1, $0x1, v54;
	v54 =	vld [tilespmem:$0x1FF60];
	v1 =	vadd.s32 v39, v1  }
0x192: {  	v14 =	vmax.f32 v4, v9;
	v1 =	vadd.s32 v60, v1;
	v0 =	vadd.f32 v49, v0  }
0x193: {  	vm1 =	vlt.s32 v61, $0x1;
	vm3 =	vgt.f32 v14, $0.0e+00;
	v1 =	vadd.s32 v40, v1  }
0x194: {  	v3 =	vmpcnt.ones.xlane vm2;
	v1 =	vadd.s32 v5, v1;
	v0 =	vadd.f32 v52, v0  }
0x195: {  	v7 =	vnsel vm1, $0x1, v61;
	vm1 =	vlt.s32 v11, $0x1;
	v1 =	vadd.s32 v51, v1  }
0x196: {  	vm2 =	vlt.s32 v3, $0x1;
	v1 =	vadd.s32 v54, v1;
	v0 =	vadd.f32 v55, v0  }
0x197: {  	v3 =	vnsel vm2, $0x1, v3;
	vm2 =	vgt.f32 v27, $0.0e+00;
	v1 =	vadd.s32 v63, v1  }
0x198: {  	v41 =	vmpcnt.ones.xlane vm2;
	v1 =	vadd.s32 v46, v1;
	v0 =	vadd.f32 v53, v0  }
0x199: {  	v50 =	vmpcnt.ones.xlane vm3;
	v43 =	vnsel vm1, $0x1, v11;
	v1 =	vadd.s32 v7, v1  }
0x19a: {  	vm1 =	vlt.s32 v41, $0x1;
	v1 =	vadd.s32 v3, v1;
	v0 =	vadd.f32 v57, v0  }
0x19b: {  	v56 =	vmpcnt.ones.xlane vm9;
	v58 =	vld [tilespmem:s25+$0x310];
	v6 =	vnsel vm1, $0x1, v41;
	v1 =	vadd.s32 v31, v1  }
0x19c: {  	v60 =	vld [tilespmem:s25+$0x300];
	vm1 =	vlt.s32 v50, $0x1;
	v1 =	vadd.s32 v32, v1;
	v0 =	vadd.f32 v59, v0  }
0x19d: {  	[tilespmem:$0x1FF70] =	vst v10;
	v10 =	vmpcnt.ones.xlane vm15;
	v8 =	vnsel vm1, $0x1, v50;
	v1 =	vadd.s32 v43, v1  }
0x19e: {  	vm1 =	vlt.s32 v56, $0x1;
	v1 =	vadd.s32 v6, v1;
	v0 =	vadd.f32 v62, v0  }
0x19f: {  	v3 =	vnsel vm1, $0x1, v56;
	v1 =	vadd.s32 v30, v1  }
0x1a0: {  	vm1 =	vlt.s32 v10, $0x1;
	v1 =	vadd.s32 v8, v1;
	v0 =	vadd.f32 v23, v0  }
0x1a1: {  	v61 =	vmax.f32 v60, v58;
	v10 =	vnsel vm1, $0x1, v10;
	v1 =	vadd.s32 v16, v1  }
0x1a2: {  	vm1 =	vgt.f32 v61, $0.0e+00;
	v1 =	vadd.s32 v3, v1;
	v0 =	vadd.f32 v21, v0  }
0x1a3: {  	v3 =	vmpcnt.ones.xlane vm1;
	v1 =	vadd.s32 v26, v1  }
0x1a4: {  	v1 =	vadd.s32 v10, v1;
	v0 =	vadd.f32 v20, v0  }
0x1a5: {  	vm1 =	vlt.s32 v3, $0x1;
	v1 =	vadd.s32 v36, v1  }
0x1a6: {  	v3 =	vnsel vm1, $0x1, v3;
	v1 =	vadd.s32 v25, v1;
	v0 =	vadd.f32 v4, v0  }
0x1a7: {  	v1 =	vadd.s32 v3, v1  }
0x1a8: {  	v1 =	vcvt.s32.f32 v1;
	v0 =	vadd.f32 v19, v0;
	_ =	sdelay $0x1  }
0x1a9: {  	v1 =	vmax.f32 v1, $1.000000000e+00;
	v0 =	vadd.f32 v18, v0  }
0x1aa: {  	(erf) = vrcp.f32 v1;
	v1 =	vld [tilespmem:$0x1FF70]  }
0x1ab: {  	v0 =	vadd.f32 v15, v0;
	_ =	sdelay $0x1  }
0x1ac: {  	v37 =	vld [tilespmem:$0x1FFB0];
	v0 =	vadd.f32 v22, v0  }
0x1ad: {  	v36 =	vld [tilespmem:$0x1FFA0]  }
0x1ae: {  	v0 =	vadd.f32 v1, v0;
	_ =	sdelay $0x1  }
0x1af: {  	v0 =	vadd.f32 v17, v0  }
0x1b0: {  	p0 =	sne.s32 s31, $0x60E;
	v63 =	vadd.f32 v58, v2  }
.Ltmp0:
0x1b1: {  	v3 =	vmul.f32 v24, v36;
	v1 =	vmul.f32 v24, v37;
	v0 =	vadd.f32 v60, v0;
	(pc) =	sbr.rel @p0 .LBB2_3-.Ltmp0, $4  }
0x1b2: {  	_ = 	snop  }
0x1b3: {  	v1 =	vsub.f32 v63, v1;
	v0 =	vsub.f32 v0, v3  }
0x1b4: {  	s28 =	sadd.s32 $0x20, s28;
	s29 =	sadd.s32 $0x32, s31;
	v33 =	vld [tilespmem:$0x1FFD0];
	v2 =	vpop (erf)  }
0x1b5: {  	s26 =	smov.u32 s28;
	s31 =	smov.u32 s29;
	v35 =	vld [tilespmem:$0x1FFE0];
	v32 =	vlaneseq.u32;
	v1 =	vmul.f32 v2, v1;
	v0 =	vmul.f32 v2, v0  }
0x1b6: {  	_ = 	snop  }
0x1b7: {  	s25 =	sshll.u32 s23, $0x8;
	p0 =	seq.s32 s23, $0x7;
	[tilespmem:s26+$0x0] =	vst v1  }
0x1b8: {  	[tilespmem:s26+$0xFFFFFFF0] =	vst v0;
	s25 =	sadd.s32 s25, s8;
	s26 =	smul.u32 @!p0 $0xC80, s23  }
0x1b9: {  	[hbm4b:s25+s2] =	stream.linear.scatter [tilespmem:s17], [sflag:$0x3], $0x400, $0x38;
	[tilespmem:$0x1A4A0] =	vst v63  }
0x1ba: {  	s25 =	sadd.s32 @!p0 s26, s9  }
0x1bb: {  	s25 =	sshrl.u32 @!p0 s25, $0x3  }
0x1bc: {  	s26 =	simm.s32 @!p0 $0x0;
	s25 =	sadd.s32 @!p0 s4, s25  }
0x1bd: {  	[tilespmem:s26], [sflag:$0x5] =	stream.linear.gather @!p0 [hbm4b:s25+s26], $0x640, $0x38;
	[tilespmem:$0x1A4A0] =	vst v63  }
0x1be: {  	v38 =	vld [tilespmem:$0x1FFC0];
	s25 =	simm.s32 @!p0 $0x5  }
0x1bf: {  	v34 =	vld [tilespmem:$0x1FFF0];
	_ =	swait.ge @!p0 [sflag:s25], $0x640  }
0x1c0: {  	p1 =	seq.s32 @!p0 s23, $0x0;
	[sflag:s25] =	ssyncset.done @!p0 $0x0  }
0x1c1: {  	s28 =	simm.s32 @!p0 $0xC80;
	[sflag:s25] =	ssyncadd.s32 @!p0 $0xFFFFF9C0;
	s25 =	simm.s32 @!p0 $0x640  }
0x1c2: {  	[tilespmem:s28], [sflag:$0x1] =	stream.indirect.gather @!p0 [hbm4b:s5+s25], $0x20, s26, s25, $0xb8;
	[tilespmem:$0x1A4A0] =	vst v63  }
0x1c3: {  	p0 =	por p0, !p1  }
0x1c4: {  	_ =	swait.ge @p0 [sflag:s21], $0x400  }
0x1c5: {  	[sflag:s21] =	ssyncset.done @p0 $0x0  }
0x1c6: {  	[sflag:s21] =	ssyncadd.s32 @p0 $0xFFFFFC00  }
0x1c7: {  	_ =	swait.ge [sflag:s18], $0xC800  }
0x1c8: {  	s30 =	simm.s32 $0x0;
	[sflag:s18] =	ssyncset.done $0x0  }
0x1c9: {  	v0 =	vadd.s32 s30, v35;
	s25 =	simm.s32 $0xD7A0;
	[sflag:s18] =	ssyncadd.s32 $0xFFFF3800  }
0x1ca: {  	v6 =	vld [tilespmem:s25+$0xFFFFFD30]  }
0x1cb: {  	v7 =	vld [tilespmem:s25+$0xFFFFFD10]  }
0x1cc: {  	v9 =	vld [tilespmem:s25+$0xFFFFFCF0]  }
0x1cd: {  	v10 =	vld [tilespmem:s25+$0xFFFFFD40]  }
0x1ce: {  	v0 =	vld.idx.msk [tilespmem:v0+s13+$0x0], $0xffff  }
0x1cf: {  	v1 =	vld [tilespmem:s25+$0xFFFFFD50]  }
0x1d0: {  	v13 =	vld [tilespmem:s25+$0xFFFFFD70]  }
0x1d1: {  	v15 =	vld [tilespmem:s25+$0xFFFFFD80]  }
0x1d2: {  	v19 =	vld [tilespmem:s25+$0xFFFFFDC0]  }
0x1d3: {  	v20 =	vld [tilespmem:s25+$0xFFFFFDD0]  }
0x1d4: {  	v21 =	vld [tilespmem:s25+$0xFFFFFDE0]  }
0x1d5: {  	v22 =	vld [tilespmem:s25+$0xFFFFFDF0]  }
0x1d6: {  	v14 =	vld [tilespmem:s25+$0xFFFFFE00]  }
0x1d7: {  	v23 =	vld [tilespmem:s25+$0xFFFFFE10]  }
0x1d8: {  	v12 =	vld [tilespmem:s25+$0xFFFFFE20]  }
0x1d9: {  	v24 =	vld [tilespmem:s25+$0xFFFFFE30]  }
0x1da: {  	v8 =	vld [tilespmem:s25+$0xFFFFFE40]  }
0x1db: {  	v25 =	vld [tilespmem:s25+$0xFFFFFE50]  }
0x1dc: {  	v5 =	vld [tilespmem:s25+$0xFFFFFE60]  }
0x1dd: {  	v31 =	vadd.s32 s30, v33;
	v26 =	vld [tilespmem:s25+$0xFFFFFE70]  }
0x1de: {  	v4 =	vld [tilespmem:s25+$0xFFFFFE80]  }
0x1df: {  	v27 =	vld [tilespmem:s25+$0xFFFFFE90]  }
0x1e0: {  	v3 =	vld [tilespmem:s25+$0xFFFFFEA0]  }
0x1e1: {  	v29 =	vld [tilespmem:s25+$0xFFFFFEB0]  }
0x1e2: {  	v31 =	vld.idx.msk [tilespmem:v31+s13+$0x0], $0xffff  }
0x1e3: {  	v39 =	vimm.s32 $0x0;
	v30 =	vadd.s32 s30, v32;
	v55 =	vld [tilespmem:s25+$0xFFFFFD00];
	v2 =	vadd.f32 v7, v9  }
0x1e4: {  	v54 =	vadd.s32 s30, v34;
	v58 =	vld [tilespmem:s25+$0xFFFFFCE0];
	vm9 =	vlt.s32 v0, $0xF4240;
	v0 =	vmax.f32 v10, v1  }
0x1e5: {  	v16 =	vld [tilespmem:s25+$0xFFFFFD90];
	v51 =	vmax.f32 v19, v20;
	v52 =	vmax.f32 v21, v22;
	v2 =	vadd.f32 v6, v2  }
0x1e6: {  	v53 =	vmax.f32 v14, v23;
	v56 =	vmax.f32 v12, v24;
	v57 =	vmax.f32 v8, v25  }
0x1e7: {  	v59 =	vmax.f32 v5, v26;
	v61 =	vmax.f32 v4, v27;
	v2 =	vadd.f32 v1, v2  }
0x1e8: {  	v18 =	vld [tilespmem:s25+$0xFFFFFDB0];
	v63 =	vmax.f32 v3, v29;
	vm2 =	vlt.s32 v31, $0xF4240;
	v7 =	vmax.f32 v55, v7  }
0x1e9: {  	v17 =	vld [tilespmem:s25+$0xFFFFFDA0];
	v9 =	vmax.f32 v58, v9;
	vm13 =	vgt.f32 v0, $0.0e+00;
	v2 =	vadd.f32 v13, v2  }
0x1ea: {  	v62 =	vld.idx.msk [tilespmem:v30+s13+$0x0], $0xffff;
	v0 =	vmax.f32 v15, v16;
	vm10 =	vgt.f32 v51, $0.0e+00;
	vm12 =	vgt.f32 v52, $0.0e+00  }
0x1eb: {  	v30 =	vld [tilespmem:s25+$0xFFFFFD20];
	vm11 =	vgt.f32 v53, $0.0e+00;
	vm8 =	vgt.f32 v56, $0.0e+00;
	v2 =	vadd.f32 v16, v2  }
0x1ec: {  	v11 =	vld [tilespmem:s25+$0xFFFFFD60];
	vm7 =	vgt.f32 v57, $0.0e+00;
	vm14 =	vgt.f32 v59, $0.0e+00;
	vm4 =	vgt.f32 v61, $0.0e+00  }
0x1ed: {  	vm5 =	vgt.f32 v63, $0.0e+00;
	v31 =	vmpcnt.ones.xlane vm2;
	v2 =	vadd.f32 v18, v2  }
0x1ee: {  	v50 =	vld [tilespmem:s25+$0xFFFFFEF0];
	vm6 =	vgt.f32 v0, $0.0e+00;
	v0 =	vmax.f32 v17, v18;
	v18 =	vadd.f32 v55, v58  }
0x1ef: {  	v60 =	vld [tilespmem:s25+$0xFFFFFF10];
	v41 =	vmpcnt.ones.xlane vm13;
	vm13 =	vgt.f32 v9, $0.0e+00;
	v2 =	vadd.f32 v20, v2  }
0x1f0: {  	v42 =	vld [tilespmem:s25+$0xFFFFFF30];
	v6 =	vmax.f32 v30, v6;
	v63 =	vmpcnt.ones.xlane vm11;
	v18 =	vadd.f32 v30, v18  }
0x1f1: {  	vm15 =	vgt.f32 v0, $0.0e+00;
	v0 =	vld [tilespmem:s25+$0xFFFFFF00];
	v1 =	vmax.f32 v11, v13;
	v2 =	vadd.f32 v22, v2  }
0x1f2: {  	v47 =	vmpcnt.ones.xlane vm13;
	vm3 =	vgt.f32 v1, $0.0e+00;
	v1 =	vld [tilespmem:s25+$0xFFFFFEE0];
	v10 =	vadd.f32 v10, v18  }
0x1f3: {  	vm13 =	vgt.f32 v6, $0.0e+00;
	v6 =	vld [tilespmem:s25+$0xFFFFFF80];
	v61 =	vmpcnt.ones.xlane vm6;
	v2 =	vadd.f32 v23, v2  }
0x1f4: {  	v43 =	vmpcnt.ones.xlane vm15;
	v53 =	vmpcnt.ones.xlane vm13;
	v55 =	vld [tilespmem:s25+$0xFFFFFF90];
	v11 =	vadd.f32 v11, v10  }
0x1f5: {  	v40 =	vmpcnt.ones.xlane vm3;
	vm3 =	vmand vm9, vm0;
	v10 =	vld [tilespmem:s25+$0xFFFFFF20];
	v28 =	vadd.f32 v24, v2  }
0x1f6: {  	v49 =	vld [tilespmem:s25+$0xFFFFFED0];
	v45 =	vmpcnt.ones.xlane vm3;
	vm3 =	vgt.f32 v7, $0.0e+00;
	v11 =	vadd.f32 v15, v11  }
0x1f7: {  	vm15 =	vlt.s32 v40, $0x1;
	v16 =	vmax.f32 v1, v50;
	v2 =	vld [tilespmem:s25+$0xFFFFFEC0];
	v48 =	vadd.f32 v25, v28  }
0x1f8: {  	vm2 =	vgt.f32 v16, $0.0e+00;
	v22 =	vmax.f32 v0, v60;
	v17 =	vadd.f32 v17, v11  }
0x1f9: {  	v59 =	vmax.f32 v6, v55;
	v23 =	vld.idx.msk [tilespmem:v54+s13+$0x0], $0xffff;
	v54 =	vmpcnt.ones.xlane vm12;
	v13 =	vadd.f32 v26, v48  }
0x1fa: {  	vm12 =	vlt.s32 v53, $0x1;
	v24 =	vmax.f32 v10, v42;
	v17 =	vadd.f32 v19, v17  }
0x1fb: {  	vm13 =	vgt.f32 v59, $0.0e+00;
	vm9 =	vgt.f32 v24, $0.0e+00;
	v13 =	vadd.f32 v27, v13  }
0x1fc: {  	v19 =	vnsel vm12, $0x1, v53;
	v28 =	vmax.f32 v2, v49;
	v17 =	vadd.f32 v21, v17  }
0x1fd: {  	vm1 =	vgt.f32 v28, $0.0e+00;
	v13 =	vadd.f32 v29, v13;
	v29 =	vimm.s32 $0x0  }
0x1fe: {  	v28 =	vmpcnt.ones.xlane vm14;
	v17 =	vadd.f32 v14, v17;
	v20 =	vsel vm1, $0xFFFFFFFF, v29  }
0x1ff: {  	vm1 =	vlt.s32 v62, $0xF4240;
	v62 =	vmpcnt.ones.xlane vm10;
	v13 =	vadd.f32 v49, v13  }
0x200: {  	v30 =	vld [tilespmem:s25+$0xFFFFFFD0];
	v34 =	vmpcnt.ones.xlane vm1;
	vm1 =	vgt.f32 v22, $0.0e+00;
	v49 =	vmpcnt.ones.xlane vm3  }
0x201: {  	v14 =	vld [tilespmem:s25+$0xFFFFFFC0];
	vm3 =	vlt.s32 v47, $0x1;
	v17 =	vadd.f32 v12, v17;
	v22 =	vsel vm1, $0xFFFFFFFF, v39  }
0x202: {  	vm1 =	vlt.s32 v23, $0xF4240;
	v9 =	vnsel vm3, $0x1, v47;
	v13 =	vadd.f32 v50, v13  }
0x203: {  	[tilespmem:$0x1FD50] =	vst v22;
	v16 =	vadd.s32 v31, v34;
	v22 =	vnsel vm15, $0x1, v40;
	v44 =	vmpcnt.ones.xlane vm1  }
0x204: {  	vm1 =	vlt.s32 v43, $0x1;
	vm3 =	vlt.s32 v49, $0x1;
	v31 =	vmpcnt.ones.xlane vm8  }
0x205: {  	v11 =	vld [tilespmem:s25+$0xFFFFFF40];
	v34 =	vmpcnt.ones.xlane vm7;
	v17 =	vadd.f32 v8, v17;
	v18 =	vnsel vm1, $0x1, v43  }
0x206: {  	v50 =	vld [tilespmem:s25+$0xFFFFFF50];
	vm1 =	vlt.s32 v54, $0x1;
	v21 =	vmax.f32 v14, v30;
	v13 =	vadd.f32 v60, v13  }
0x207: {  	v46 =	vadd.s32 v44, v16;
	vm7 =	vgt.f32 v21, $0.0e+00;
	v17 =	vadd.f32 v5, v17  }
0x208: {  	v52 =	vld [tilespmem:s25+$0xFFFFFF70];
	v44 =	vmpcnt.ones.xlane vm4;
	v7 =	vadd.s32 v45, v46;
	v48 =	vadd.f32 v42, v13  }
0x209: {  	v5 =	vld [tilespmem:s25+$0x40];
	v51 =	vadd.s32 $0xFFFFFFCE, v7;
	v13 =	vnsel vm3, $0x1, v49;
	vm3 =	vlt.s32 v41, $0x1  }
0x20a: {  	[tilespmem:$0x1FD40] =	vst v20;
	v46 =	vld [tilespmem:s25+$0x50];
	v17 =	vadd.f32 v4, v17;
	v20 =	vmul.u32 v38, v51;
	v56 =	vnsel vm3, $0x1, v41  }
0x20b: {  	v57 =	vld [tilespmem:s25+$0xFFFFFFB0];
	v15 =	vmax.f32 v11, v50;
	vm3 =	vlt.s32 v31, $0x1;
	v41 =	vmpcnt.ones.xlane vm5  }
0x20c: {  	v12 =	vld [tilespmem:s25+$0xFFFFFFE0];
	v51 =	vmpcnt.ones.xlane vm2;
	v16 =	vadd.f32 v50, v48;
	vm12 =	vgt.f32 v15, $0.0e+00  }
0x20d: {  	v4 =	vld [tilespmem:s25+$0x60];
	v17 =	vadd.f32 v3, v17;
	v9 =	vadd.s32 v20, v9;
	v20 =	vnsel vm1, $0x1, v54  }
0x20e: {  	v48 =	vld [tilespmem:s25+$0x70];
	vm1 =	vlt.s32 v61, $0x1;
	v9 =	vadd.s32 v13, v9;
	v16 =	vadd.f32 v52, v16  }
0x20f: {  	v50 =	vld [tilespmem:$0x1FD40];
	v23 =	vnsel vm1, $0x1, v61;
	vm1 =	vlt.s32 v62, $0x1;
	v53 =	vmax.f32 v5, v46  }
0x210: {  	v39 =	vld [tilespmem:s25+$0xFFFFFFF0];
	v2 =	vadd.f32 v2, v17;
	v19 =	vadd.s32 v19, v9;
	v38 =	vnsel vm1, $0x1, v62  }
0x211: {  	v13 =	vld [tilespmem:s25+$0xFFFFFF60];
	vm1 =	vlt.s32 v63, $0x1;
	v19 =	vadd.s32 v56, v19;
	v58 =	vadd.f32 v55, v16  }
0x212: {  	v16 =	vnsel vm1, $0x1, v63;
	vm1 =	vlt.s32 v34, $0x1;
	v63 =	vmpcnt.ones.xlane vm12  }
0x213: {  	v9 =	vld [tilespmem:s25+$0xFFFFFFA0];
	v1 =	vadd.f32 v1, v2;
	v19 =	vadd.s32 v22, v19;
	v22 =	vnsel vm3, $0x1, v31  }
0x214: {  	vm3 =	vnez.u8 v50;
	v3 =	vmax.f32 v4, v48;
	v15 =	vadd.f32 v57, v58  }
0x215: {  	v8 =	vld [tilespmem:s25+$0x0];
	v19 =	vadd.s32 v23, v19;
	v23 =	vmax.f32 v12, v39;
	vm12 =	vlt.s32 v63, $0x1  }
0x216: {  	v40 =	vld [tilespmem:s25+$0x10];
	v0 =	vadd.f32 v0, v1;
	v60 =	vmax.f32 v13, v52;
	v18 =	vadd.s32 v18, v19  }
0x217: {  	v55 =	vld [tilespmem:$0x1FD50];
	v19 =	vnsel vm1, $0x1, v34;
	vm1 =	vlt.s32 v28, $0x1;
	vm5 =	vgt.f32 v23, $0.0e+00  }
0x218: {  	vm6 =	vgt.f32 v60, $0.0e+00;
	v29 =	vmax.f32 v9, v57;
	v18 =	vadd.s32 v38, v18  }
0x219: {  	v15 =	vadd.f32 v30, v15;
	v45 =	vnsel vm1, $0x1, v28;
	vm1 =	vlt.s32 v41, $0x1  }
0x21a: {  	v57 =	vmpcnt.ones.xlane vm9;
	v0 =	vadd.f32 v10, v0;
	v31 =	vmpcnt.ones.xlane vm5  }
0x21b: {  	vm15 =	vgt.f32 v29, $0.0e+00;
	v18 =	vadd.s32 v20, v18;
	v21 =	vnsel vm1, $0x1, v41  }
0x21c: {  	v20 =	vmax.f32 v8, v40;
	vm1 =	vlt.s32 v44, $0x1;
	vm2 =	vnez.u8 v55  }
0x21d: {  	v26 =	vmpcnt.ones.xlane vm6;
	v29 =	vmpcnt.ones.xlane vm7;
	v16 =	vadd.s32 v16, v18  }
0x21e: {  	v43 =	vadd.f32 v39, v15;
	vm8 =	vgt.f32 v20, $0.0e+00;
	v54 =	vnsel vm1, $0x1, v44  }
0x21f: {  	v42 =	vld [tilespmem:s25+$0x30];
	v20 =	vmpcnt.ones.xlane vm2;
	vm2 =	vgt.f32 v3, $0.0e+00;
	v1 =	vmpcnt.ones.xlane vm15  }
0x220: {  	v58 =	vld [tilespmem:s25+$0xB0];
	v0 =	vadd.f32 v11, v0;
	vm11 =	vlt.s32 v31, $0x1;
	v16 =	vadd.s32 v22, v16  }
0x221: {  	v15 =	vld [tilespmem:s25+$0x20];
	vm14 =	vlt.s32 v26, $0x1;
	vm10 =	vlt.s32 v29, $0x1;
	v39 =	vmpcnt.ones.xlane vm8  }
0x222: {  	v3 =	vld [tilespmem:s25+$0xA0];
	v11 =	vnsel vm11, $0x1, v31;
	v16 =	vadd.s32 v19, v16;
	v24 =	vadd.f32 v40, v43  }
0x223: {  	vm15 =	vlt.s32 v1, $0x1;
	v0 =	vadd.f32 v13, v0;
	v47 =	vadd.s32 v45, v16  }
0x224: {  	v41 =	vld [tilespmem:s25+$0x150];
	v1 =	vnsel vm15, $0x1, v1;
	vm8 =	vlt.s32 v39, $0x1;
	v49 =	vadd.f32 v42, v24  }
0x225: {  	v40 =	vld [tilespmem:s25+$0x140];
	v24 =	vmpcnt.ones.xlane vm3;
	vm3 =	vgt.f32 v53, $0.0e+00;
	v19 =	vadd.s32 v54, v47  }
0x226: {  	v56 =	vld [tilespmem:s25+$0x90];
	v0 =	vadd.f32 v6, v0;
	v18 =	vmax.f32 v15, v42;
	v19 =	vadd.s32 v21, v19  }
0x227: {  	v16 =	vld [tilespmem:s25+$0x80];
	v21 =	vmax.f32 v3, v58;
	v44 =	vmpcnt.ones.xlane vm3;
	vm4 =	vgt.f32 v18, $0.0e+00  }
0x228: {  	v27 =	vld [tilespmem:s25+$0xF0];
	v52 =	vadd.f32 v46, v49;
	vm1 =	vlt.s32 v24, $0x1;
	v0 =	vadd.f32 v9, v0  }
0x229: {  	v2 =	vld [tilespmem:s25+$0xC0];
	v49 =	vmpcnt.ones.xlane vm2;
	v24 =	vnsel vm1, $0x1, v24;
	vm1 =	vlt.s32 v51, $0x1  }
0x22a: {  	v50 =	vld [tilespmem:s25+$0x1B0];
	v42 =	vmpcnt.ones.xlane vm4;
	v6 =	vmax.f32 v40, v41;
	vm2 =	vlt.s32 v44, $0x1  }
0x22b: {  	v34 =	vld [tilespmem:s25+$0x130];
	v25 =	vadd.f32 v48, v52;
	v18 =	vnsel vm1, $0x1, v51;
	vm1 =	vlt.s32 v20, $0x1  }
0x22c: {  	v28 =	vld [tilespmem:s25+$0xE0];
	v19 =	vadd.s32 v24, v19;
	v62 =	vmax.f32 v16, v56;
	v24 =	vmpcnt.ones.xlane vm13  }
0x22d: {  	v45 =	vld [tilespmem:s25+$0x180];
	v0 =	vadd.f32 v14, v0;
	vm3 =	vgt.f32 v6, $0.0e+00;
	v59 =	vadd.s32 v18, v19  }
0x22e: {  	v46 =	vld [tilespmem:s25+$0x190];
	v60 =	vnsel vm1, $0x1, v20;
	vm1 =	vlt.s32 v57, $0x1;
	vm9 =	vgt.f32 v62, $0.0e+00  }
0x22f: {  	v38 =	vld [tilespmem:s25+$0x120];
	v20 =	vnsel vm12, $0x1, v63;
	vm12 =	vlt.s32 v42, $0x1;
	v61 =	vadd.f32 v56, v25  }
0x230: {  	v48 =	vld [tilespmem:s25+$0x1A0];
	v22 =	vnsel vm1, $0x1, v57;
	v17 =	vadd.s32 v60, v59;
	vm1 =	vgt.f32 v21, $0.0e+00  }
0x231: {  	v51 =	vld [tilespmem:s25+$0x1D0];
	vm13 =	vlt.s32 v24, $0x1;
	v21 =	vnsel vm14, $0x1, v26;
	v47 =	vmpcnt.ones.xlane vm9  }
0x232: {  	v52 =	vld [tilespmem:s25+$0x1C0];
	v0 =	vadd.f32 v12, v0;
	v17 =	vadd.s32 v22, v17;
	v18 =	vnsel vm13, $0x1, v24  }
0x233: {  	v43 =	vld [tilespmem:s25+$0x170];
	v14 =	vmax.f32 v45, v46;
	v57 =	vmpcnt.ones.xlane vm1;
	v19 =	vadd.f32 v58, v61  }
0x234: {  	v25 =	vld [tilespmem:s25+$0xD0];
	v17 =	vadd.s32 v20, v17;
	v20 =	vmax.f32 v28, v27;
	vm14 =	vlt.s32 v47, $0x1  }
0x235: {  	v59 =	vld [tilespmem:s25+$0x160];
	v0 =	vadd.f32 v8, v0;
	vm15 =	vgt.f32 v14, $0.0e+00;
	v17 =	vadd.s32 v21, v17  }
0x236: {  	vm7 =	vgt.f32 v20, $0.0e+00;
	v20 =	vnsel vm8, $0x1, v39;
	v6 =	vnsel vm14, $0x1, v47  }
0x237: {  	v12 =	vmax.f32 v48, v50;
	v8 =	vmax.f32 v52, v51;
	v63 =	vmpcnt.ones.xlane vm15  }
0x238: {  	v30 =	vld [tilespmem:s25+$0x110];
	v17 =	vadd.s32 v18, v17;
	v0 =	vadd.f32 v15, v0;
	v58 =	vmpcnt.ones.xlane vm7  }
0x239: {  	v21 =	vld [tilespmem:s25+$0x100];
	v19 =	vadd.f32 v25, v19;
	v22 =	vmax.f32 v2, v25;
	v1 =	vadd.s32 v1, v17  }
0x23a: {  	v17 =	vmax.f32 v38, v34;
	v9 =	vmax.f32 v59, v43;
	vm6 =	vgt.f32 v22, $0.0e+00  }
0x23b: {  	v22 =	vnsel vm10, $0x1, v29;
	vm13 =	vgt.f32 v17, $0.0e+00;
	v17 =	vnsel vm2, $0x1, v44  }
0x23c: {  	vm2 =	vlt.s32 v49, $0x1;
	v0 =	vadd.f32 v5, v0;
	vm9 =	vlt.s32 v58, $0x1  }
0x23d: {  	v29 =	vmpcnt.ones.xlane vm3;
	v19 =	vadd.f32 v27, v19;
	v1 =	vadd.s32 v22, v1  }
0x23e: {  	v55 =	vmpcnt.ones.xlane vm6;
	v62 =	vmpcnt.ones.xlane vm13;
	v18 =	vmax.f32 v21, v30  }
0x23f: {  	v1 =	vadd.s32 v11, v1;
	v0 =	vadd.f32 v4, v0;
	v19 =	vadd.f32 v30, v19  }
0x240: {  	v53 =	vld [tilespmem:s25+$0x1F0];
	vm5 =	vgt.f32 v18, $0.0e+00;
	v18 =	vnsel vm12, $0x1, v42;
	v1 =	vadd.s32 v20, v1  }
0x241: {  	v27 =	vld [tilespmem:s25+$0x1E0];
	v1 =	vadd.s32 v18, v1;
	v0 =	vadd.f32 v16, v0;
	v19 =	vadd.f32 v34, v19  }
0x242: {  	v56 =	vld [tilespmem:s25+$0x210];
	vm13 =	vlt.s32 v63, $0x1;
	v18 =	vnsel vm2, $0x1, v49;
	v1 =	vadd.s32 v17, v1  }
0x243: {  	v1 =	vadd.s32 v18, v1;
	v18 =	vld [tilespmem:s25+$0x200];
	v0 =	vadd.f32 v3, v0;
	v19 =	vadd.f32 v41, v19  }
0x244: {  	v25 =	vnsel vm13, $0x1, v63;
	vm1 =	vlt.s32 v55, $0x1;
	v61 =	vmpcnt.ones.xlane vm5  }
0x245: {  	v60 =	vld [tilespmem:s25+$0x230];
	vm12 =	vlt.s32 v62, $0x1;
	v0 =	vadd.f32 v2, v0;
	v19 =	vadd.f32 v43, v19  }
0x246: {  	v26 =	vld [tilespmem:s25+$0x270];
	vm2 =	vgt.f32 v12, $0.0e+00;
	vm11 =	vlt.s32 v61, $0x1;
	v14 =	vmax.f32 v27, v53  }
0x247: {  	v34 =	vld [tilespmem:s25+$0x220];
	v1 =	vadd.s32 v6, v1;
	v0 =	vadd.f32 v28, v0;
	v19 =	vadd.f32 v46, v19  }
0x248: {  	v39 =	vld [tilespmem:s25+$0x280];
	v24 =	vnsel vm11, $0x1, v61;
	v2 =	vnsel vm9, $0x1, v58;
	v6 =	vmax.f32 v18, v56  }
0x249: {  	v49 =	vld [tilespmem:s25+$0x2E0];
	vm10 =	vgt.f32 v6, $0.0e+00;
	v0 =	vadd.f32 v21, v0;
	v54 =	vadd.f32 v50, v19  }
0x24a: {  	v3 =	vld [tilespmem:s25+$0x250];
	v6 =	vnsel vm12, $0x1, v62;
	v19 =	vnsel vm1, $0x1, v55;
	vm1 =	vlt.s32 v57, $0x1  }
0x24b: {  	v28 =	vmpcnt.ones.xlane vm10;
	v50 =	vld [tilespmem:s25+$0x2F0];
	v0 =	vadd.f32 v38, v0;
	v15 =	vadd.f32 v51, v54  }
0x24c: {  	v55 =	vld [tilespmem:s25+$0x300];
	v12 =	vnsel vm1, $0x1, v57;
	vm1 =	vgt.f32 v8, $0.0e+00;
	v8 =	vmax.f32 v34, v60  }
0x24d: {  	v1 =	vadd.s32 v12, v1;
	v0 =	vadd.f32 v40, v0;
	v40 =	vld [tilespmem:s25+$0x290];
	v15 =	vadd.f32 v53, v15  }
0x24e: {  	v12 =	vld [tilespmem:s25+$0x240];
	v38 =	vmpcnt.ones.xlane vm1;
	vm1 =	vgt.f32 v14, $0.0e+00;
	vm15 =	vgt.f32 v8, $0.0e+00  }
0x24f: {  	v54 =	vld [tilespmem:s25+$0x310];
	v1 =	vadd.s32 v19, v1;
	v0 =	vadd.f32 v59, v0;
	v15 =	vadd.f32 v56, v15  }
0x250: {  	v42 =	vmpcnt.ones.xlane vm1;
	v47 =	vmpcnt.ones.xlane vm15;
	v1 =	vadd.s32 v2, v1;
	v2 =	vld [tilespmem:s25+$0x260]  }
0x251: {  	v1 =	vadd.s32 v24, v1;
	v0 =	vadd.f32 v45, v0;
	v23 =	vadd.f32 v60, v15  }
0x252: {  	v58 =	vmax.f32 v49, v50;
	v1 =	vadd.s32 v6, v1;
	v46 =	vmax.f32 v39, v40  }
0x253: {  	v0 =	vadd.f32 v48, v0;
	v5 =	vadd.f32 v3, v23;
	v3 =	vmax.f32 v12, v3  }
0x254: {  	v60 =	vmax.f32 v55, v54;
	vm14 =	vgt.f32 v3, $0.0e+00;
	v3 =	vmpcnt.ones.xlane vm2  }
0x255: {  	v31 =	vmax.f32 v2, v26;
	vm2 =	vgt.f32 v9, $0.0e+00;
	v0 =	vadd.f32 v52, v0  }
0x256: {  	v30 =	vmpcnt.ones.xlane vm2;
	vm2 =	vlt.s32 v28, $0x1;
	vm3 =	vlt.s32 v3, $0x1  }
0x257: {  	v41 =	vmpcnt.ones.xlane vm14;
	v3 =	vnsel vm3, $0x1, v3;
	vm3 =	vlt.s32 v29, $0x1  }
0x258: {  	v45 =	vld [tilespmem:s25+$0x2C0];
	v10 =	vnsel vm2, $0x1, v28;
	vm2 =	vlt.s32 v30, $0x1;
	v6 =	vnsel vm3, $0x1, v29  }
0x259: {  	v48 =	vld [tilespmem:s25+$0x2D0];
	v0 =	vadd.f32 v27, v0;
	v19 =	vnsel vm2, $0x1, v30;
	v1 =	vadd.s32 v6, v1  }
0x25a: {  	vm1 =	vlt.s32 v41, $0x1;
	vm2 =	vgt.f32 v31, $0.0e+00;
	v1 =	vadd.s32 v19, v1  }
0x25b: {  	v43 =	vld [tilespmem:s25+$0x2A0];
	vm3 =	vlt.s32 v38, $0x1;
	v14 =	vnsel vm1, $0x1, v41;
	v1 =	vadd.s32 v25, v1  }
0x25c: {  	vm1 =	vgt.f32 v46, $0.0e+00;
	v0 =	vadd.f32 v18, v0;
	v1 =	vadd.s32 v3, v1;
	v3 =	vld [tilespmem:s25+$0x2B0]  }
0x25d: {  	v13 =	vnsel vm3, $0x1, v38;
	vm3 =	vlt.s32 v42, $0x1;
	v52 =	vmpcnt.ones.xlane vm2  }
0x25e: {  	v56 =	vmax.f32 v45, v48;
	v53 =	vmpcnt.ones.xlane vm1;
	v44 =	vnsel vm3, $0x1, v42  }
0x25f: {  	vm3 =	vlt.s32 v47, $0x1;
	v0 =	vadd.f32 v34, v0;
	vm1 =	vlt.s32 v52, $0x1  }
0x260: {  	v16 =	vnsel vm3, $0x1, v47;
	v17 =	vnsel vm1, $0x1, v52;
	v1 =	vadd.s32 v13, v1  }
0x261: {  	vm1 =	vlt.s32 v53, $0x1;
	v1 =	vadd.s32 v44, v1;
	v51 =	vmax.f32 v43, v3  }
0x262: {  	v13 =	vnsel vm1, $0x1, v53;
	v1 =	vadd.s32 v10, v1;
	vm2 =	vgt.f32 v51, $0.0e+00  }
0x263: {  	vm1 =	vgt.f32 v56, $0.0e+00;
	v1 =	vadd.s32 v16, v1;
	v57 =	vmpcnt.ones.xlane vm2  }
0x264: {  	v0 =	vadd.f32 v12, v0;
	v59 =	vmpcnt.ones.xlane vm1;
	v1 =	vadd.s32 v14, v1  }
0x265: {  	v1 =	vadd.s32 v17, v1;
	vm2 =	vgt.f32 v58, $0.0e+00;
	vm1 =	vlt.s32 v57, $0x1  }
0x266: {  	v61 =	vmpcnt.ones.xlane vm2;
	v9 =	vnsel vm1, $0x1, v57;
	vm1 =	vgt.f32 v60, $0.0e+00  }
0x267: {  	v1 =	vadd.s32 v13, v1;
	vm2 =	vlt.s32 v59, $0x1;
	v62 =	vmpcnt.ones.xlane vm1  }
0x268: {  	v63 =	vnsel vm2, $0x1, v59;
	v1 =	vadd.s32 v9, v1;
	vm1 =	vlt.s32 v61, $0x1  }
0x269: {  	v1 =	vadd.s32 v63, v1;
	v6 =	vnsel vm1, $0x1, v61;
	vm1 =	vlt.s32 v62, $0x1  }
0x26a: {  	v0 =	vadd.f32 v2, v0;
	v1 =	vadd.s32 v6, v1;
	v2 =	vnsel vm1, $0x1, v62  }
0x26b: {  	v5 =	vadd.f32 v26, v5;
	v1 =	vadd.s32 v2, v1  }
0x26c: {  	v1 =	vcvt.s32.f32 v1  }
0x26d: {  	v0 =	vadd.f32 v39, v0;
	v2 =	vadd.f32 v40, v5  }
0x26e: {  	v1 =	vmax.f32 v1, $1.000000000e+00  }
0x26f: {  	v0 =	vadd.f32 v43, v0;
	v2 =	vadd.f32 v3, v2;
	(erf) = vrcp.f32 v1;
	_ =	sdelay $0x1  }
0x270: {  	v0 =	vadd.f32 v45, v0;
	v1 =	vadd.f32 v48, v2;
	v2 =	vsub.s32 $0x32, v7  }
0x271: {  	v2 =	vcvt.s32.f32 v2  }
0x272: {  	v0 =	vadd.f32 v49, v0;
	v1 =	vadd.f32 v50, v1  }
0x273: {  	v3 =	vmul.f32 v2, v37;
	v2 =	vmul.f32 v2, v36  }
0x274: {  	v0 =	vadd.f32 v55, v0;
	v1 =	vadd.f32 v54, v1;
	_ =	sdelay $0x1  }
0x275: {  	v0 =	vsub.f32 v0, v2;
	v1 =	vsub.f32 v1, v3  }
0x276: {  	v2 =	vpop (erf)  }
0x277: {  	s31 =	simm.s32 $0x32;
	s26 =	simm.s32 $0x1A090;
	s28 =	simm.s32 $0x1A090;
	v0 =	vmul.f32 v2, v0;
	v1 =	vmul.f32 v2, v1  }
.LBB2_5:
0x278: {  	v2 =	vadd.s32 s31, v32  }
0x279: {  	[tilespmem:$0x1FB30] =	vst v2  }
0x27a: {  	[tilespmem:s26+$0x0] =	vst v1  }
0x27b: {  	s25 =	sadd.s32 $0x640, s25;
	[tilespmem:s26+$0xFFFFFFF0] =	vst v0;
	v2 =	vadd.s32 s31, v33  }
0x27c: {  	v4 =	vld [tilespmem:s25+$0xFFFFFD30];
	[tilespmem:$0x1FB20] =	vst v2;
	v2 =	vadd.s32 s31, v35  }
0x27d: {  	v26 =	vld [tilespmem:s25+$0xFFFFFD10]  }
0x27e: {  	v25 =	vld [tilespmem:s25+$0xFFFFFCF0]  }
0x27f: {  	v6 =	vld [tilespmem:s25+$0xFFFFFD40]  }
0x280: {  	v1 =	vld [tilespmem:s25+$0xFFFFFD50]  }
0x281: {  	v0 =	vld.idx.msk [tilespmem:v2+s13+$0x0], $0xffff  }
0x282: {  	v5 =	vld [tilespmem:s25+$0xFFFFFD60]  }
0x283: {  	v3 =	vld [tilespmem:s25+$0xFFFFFD70];
	v2 =	vadd.f32 v26, v25;
	_ =	sdelay $0x1  }
0x284: {  	v16 =	vld [tilespmem:s25+$0xFFFFFD90];
	v2 =	vadd.f32 v4, v2  }
0x285: {  	v17 =	vld [tilespmem:s25+$0xFFFFFDA0];
	vm1 =	vlt.s32 v0, $0xF4240;
	v0 =	vmax.f32 v6, v1  }
0x286: {  	v1 =	vadd.f32 v1, v2;
	vm2 =	vgt.f32 v0, $0.0e+00;
	v0 =	vld [tilespmem:s25+$0xFFFFFDB0]  }
0x287: {  	v8 =	vld [tilespmem:s25+$0xFFFFFDC0];
	v2 =	vmax.f32 v5, v3  }
0x288: {  	v19 =	vld [tilespmem:s25+$0xFFFFFDE0];
	v24 =	vmpcnt.ones.xlane vm2;
	v1 =	vadd.f32 v3, v1;
	vm2 =	vgt.f32 v2, $0.0e+00  }
0x289: {  	v2 =	vld [tilespmem:s25+$0xFFFFFDD0];
	v3 =	vmpcnt.ones.xlane vm2  }
0x28a: {  	v20 =	vld [tilespmem:s25+$0xFFFFFDF0];
	v1 =	vadd.f32 v16, v1  }
0x28b: {  	v22 =	vld [tilespmem:s25+$0xFFFFFE00];
	vm2 =	vlt.s32 v3, $0x1;
	v21 =	vmax.f32 v17, v0  }
0x28c: {  	v27 =	vld [tilespmem:s25+$0xFFFFFE20];
	v3 =	vnsel vm2, $0x1, v3;
	v0 =	vadd.f32 v0, v1;
	vm2 =	vgt.f32 v21, $0.0e+00  }
0x28d: {  	v1 =	vld [tilespmem:s25+$0xFFFFFE10];
	[tilespmem:$0x1FBC0] =	vst v3;
	v3 =	vmpcnt.ones.xlane vm2  }
0x28e: {  	v29 =	vld [tilespmem:s25+$0xFFFFFE40];
	v0 =	vadd.f32 v2, v0  }
0x28f: {  	v23 =	vmax.f32 v8, v2;
	v2 =	vld [tilespmem:s25+$0xFFFFFE30];
	vm3 =	vlt.s32 v3, $0x1  }
0x290: {  	v32 =	vld [tilespmem:s25+$0xFFFFFE60];
	v0 =	vadd.f32 v20, v0;
	v3 =	vnsel vm3, $0x1, v3  }
0x291: {  	[tilespmem:$0x1FBE0] =	vst v3;
	v3 =	vld [tilespmem:s25+$0xFFFFFE50]  }
0x292: {  	v34 =	vld [tilespmem:s25+$0xFFFFFE80];
	v0 =	vadd.f32 v1, v0  }
0x293: {  	v31 =	vmax.f32 v22, v1;
	v1 =	vld [tilespmem:s25+$0xFFFFFE70]  }
0x294: {  	v61 =	vld [tilespmem:s25+$0xFFFFFEA0];
	v0 =	vadd.f32 v2, v0  }
0x295: {  	v33 =	vmax.f32 v27, v2;
	v2 =	vld [tilespmem:s25+$0xFFFFFE90]  }
0x296: {  	v35 =	vmax.f32 v29, v3;
	v0 =	vadd.f32 v3, v0;
	v3 =	vld [tilespmem:s25+$0xFFFFFEB0];
	_ =	sdelay $0x1  }
0x297: {  	v0 =	vadd.f32 v1, v0  }
0x298: {  	v37 =	vmax.f32 v32, v1;
	v1 =	vld [tilespmem:s25+$0xFFFFFED0]  }
0x299: {  	v60 =	vld [tilespmem:s25+$0xFFFFFEC0];
	v0 =	vadd.f32 v2, v0  }
0x29a: {  	v39 =	vld [tilespmem:s25+$0xFFFFFEF0];
	v28 =	vmax.f32 v19, v20;
	v38 =	vmax.f32 v34, v2;
	v2 =	vmax.f32 v61, v3  }
0x29b: {  	v56 =	vld [tilespmem:s25+$0xFFFFFEE0];
	vm2 =	vgt.f32 v23, $0.0e+00;
	v0 =	vadd.f32 v3, v0;
	vm14 =	vgt.f32 v2, $0.0e+00  }
0x29c: {  	v45 =	vld [tilespmem:s25+$0xFFFFFF10];
	v36 =	vmpcnt.ones.xlane vm2;
	vm2 =	vgt.f32 v28, $0.0e+00;
	v2 =	vmpcnt.ones.xlane vm14  }
0x29d: {  	v43 =	vld [tilespmem:s25+$0xFFFFFF20];
	v30 =	vmpcnt.ones.xlane vm2;
	v0 =	vadd.f32 v1, v0  }
0x29e: {  	v3 =	vmax.f32 v60, v1;
	v1 =	vld [tilespmem:s25+$0xFFFFFF30];
	vm7 =	vlt.s32 v2, $0x1  }
0x29f: {  	v50 =	vld [tilespmem:s25+$0xFFFFFF00];
	[tilespmem:$0x1FB50] =	vst v4;
	vm3 =	vlt.s32 v30, $0x1;
	v2 =	vnsel vm7, $0x1, v2;
	v0 =	vadd.f32 v39, v0  }
0x2a0: {  	v40 =	vld [tilespmem:s25+$0xFFFFFF40];
	v4 =	vnsel vm3, $0x1, v30;
	vm3 =	vgt.f32 v37, $0.0e+00;
	[tilespmem:$0x1FC40] =	vst v2;
	v2 =	vmax.f32 v56, v39  }
0x2a1: {  	[tilespmem:$0x1FC00] =	vst v4;
	v4 =	vmpcnt.ones.xlane vm3;
	vm9 =	vgt.f32 v2, $0.0e+00;
	v2 =	vld [tilespmem:s25+$0xFFFFFF50];
	v0 =	vadd.f32 v45, v0  }
0x2a2: {  	v58 =	vld [tilespmem:s25+$0xFFFFFF80];
	vm4 =	vgt.f32 v33, $0.0e+00  }
0x2a3: {  	v46 =	vld [tilespmem:s25+$0xFFFFFF70];
	vm6 =	vlt.s32 v4, $0x1;
	v0 =	vadd.f32 v1, v0;
	v1 =	vmax.f32 v43, v1  }
0x2a4: {  	v48 =	vld [tilespmem:s25+$0xFFFFFF90];
	vm15 =	vgt.f32 v3, $0.0e+00;
	v3 =	vmpcnt.ones.xlane vm9;
	vm12 =	vgt.f32 v1, $0.0e+00  }
0x2a5: {  	v7 =	vld [tilespmem:s25+$0xFFFFFD80];
	vm3 =	vgt.f32 v38, $0.0e+00;
	v4 =	vnsel vm6, $0x1, v4;
	v1 =	vmpcnt.ones.xlane vm12  }
0x2a6: {  	v39 =	vld [tilespmem:s25+$0xFFFFFF60];
	vm11 =	vlt.s32 v3, $0x1;
	v0 =	vadd.f32 v2, v0;
	v2 =	vmax.f32 v40, v2  }
0x2a7: {  	[tilespmem:$0x1FC30] =	vst v4;
	v3 =	vnsel vm11, $0x1, v3;
	vm14 =	vgt.f32 v2, $0.0e+00;
	v2 =	vld [tilespmem:s25+$0xFFFFFFB0];
	vm8 =	vlt.s32 v1, $0x1  }
0x2a8: {  	v33 =	vld [tilespmem:s25+$0xFFFFFFA0];
	[tilespmem:$0x1FC50] =	vst v3;
	v3 =	vmpcnt.ones.xlane vm14;
	v0 =	vadd.f32 v46, v0;
	v1 =	vnsel vm8, $0x1, v1  }
0x2a9: {  	v49 =	vld [tilespmem:s25+$0xFFFFFFD0];
	v4 =	vmax.f32 v50, v45;
	v54 =	vmpcnt.ones.xlane vm15;
	[tilespmem:$0x1FC70] =	vst v1;
	v1 =	vmax.f32 v58, v48  }
0x2aa: {  	v52 =	vld [tilespmem:s25+$0xFFFFFFF0];
	vm15 =	vlt.s32 v3, $0x1;
	v0 =	vadd.f32 v48, v0;
	vm9 =	vgt.f32 v1, $0.0e+00  }
0x2ab: {  	v53 =	vld [tilespmem:s25+$0x30];
	vm10 =	vgt.f32 v4, $0.0e+00;
	v1 =	vnsel vm15, $0x1, v3;
	v3 =	vmpcnt.ones.xlane vm9  }
0x2ac: {  	v44 =	vld [tilespmem:s25+$0x20];
	v47 =	vmpcnt.ones.xlane vm10;
	[tilespmem:$0x1FC80] =	vst v1;
	v1 =	vmax.f32 v39, v46;
	v0 =	vadd.f32 v2, v0  }
0x2ad: {  	v38 =	vld [tilespmem:s25+$0x0];
	vm10 =	vgt.f32 v1, $0.0e+00;
	v1 =	vmax.f32 v33, v2;
	vm11 =	vlt.s32 v3, $0x1  }
0x2ae: {  	vm12 =	vgt.f32 v1, $0.0e+00;
	v1 =	vld [tilespmem:s25+$0x10];
	v3 =	vnsel vm11, $0x1, v3  }
0x2af: {  	v42 =	vld [tilespmem:s25+$0x60];
	vm2 =	vgt.f32 v31, $0.0e+00;
	v0 =	vadd.f32 v49, v0;
	[tilespmem:$0x1FCA0] =	vst v3;
	v3 =	vmpcnt.ones.xlane vm12  }
0x2b0: {  	v62 =	vld [tilespmem:s25+$0x90];
	v41 =	vmpcnt.ones.xlane vm2;
	vm2 =	vgt.f32 v35, $0.0e+00;
	vm13 =	vlt.s32 v47, $0x1  }
0x2b1: {  	v35 =	vld [tilespmem:s25+$0xFFFFFFC0];
	v2 =	vmpcnt.ones.xlane vm10;
	v0 =	vadd.f32 v52, v0;
	vm7 =	vlt.s32 v3, $0x1  }
0x2b2: {  	[tilespmem:$0x1FB60] =	vst v5;
	v37 =	vld [tilespmem:s25+$0xFFFFFFE0];
	v5 =	vnsel vm13, $0x1, v47;
	v3 =	vnsel vm7, $0x1, v3  }
0x2b3: {  	vm13 =	vlt.s32 v2, $0x1;
	[tilespmem:$0x1FCB0] =	vst v3;
	v3 =	vld [tilespmem:s25+$0x50];
	v0 =	vadd.f32 v1, v0;
	v1 =	vmax.f32 v38, v1  }
0x2b4: {  	v11 =	vld [tilespmem:s25+$0xF0];
	v2 =	vnsel vm13, $0x1, v2;
	vm10 =	vgt.f32 v1, $0.0e+00  }
0x2b5: {  	[tilespmem:$0x1FC90] =	vst v2;
	v1 =	vld [tilespmem:s25+$0x70];
	v2 =	vmpcnt.ones.xlane vm10  }
0x2b6: {  	v45 =	vld [tilespmem:s25+$0x80];
	v0 =	vadd.f32 v53, v0  }
0x2b7: {  	v18 =	vmax.f32 v7, v16;
	[tilespmem:$0x1FC20] =	vst v34;
	v34 =	vld [tilespmem:s25+$0x40];
	v4 =	vmax.f32 v37, v52;
	vm6 =	vlt.s32 v2, $0x1  }
0x2b8: {  	[tilespmem:$0x1FC60] =	vst v5;
	v5 =	vmax.f32 v35, v49;
	v48 =	vld [tilespmem:s25+$0xC0];
	v0 =	vadd.f32 v3, v0;
	v2 =	vnsel vm6, $0x1, v2  }
0x2b9: {  	v59 =	vmax.f32 v44, v53;
	vm14 =	vgt.f32 v5, $0.0e+00;
	vm15 =	vgt.f32 v4, $0.0e+00;
	[tilespmem:$0x1FCD0] =	vst v2;
	v2 =	vld [tilespmem:s25+$0xB0]  }
0x2ba: {  	v55 =	vmpcnt.ones.xlane vm15;
	v49 =	vld [tilespmem:s25+$0xE0];
	v0 =	vadd.f32 v1, v0;
	v1 =	vmax.f32 v42, v1  }
0x2bb: {  	[tilespmem:$0x1FB40] =	vst v6;
	v6 =	vmax.f32 v45, v62;
	v13 =	vmpcnt.ones.xlane vm14;
	vm14 =	vgt.f32 v1, $0.0e+00;
	v1 =	vld [tilespmem:s25+$0xD0]  }
0x2bc: {  	v47 =	vld [tilespmem:s25+$0xA0];
	vm11 =	vlt.s32 v55, $0x1;
	v3 =	vmax.f32 v34, v3;
	v0 =	vadd.f32 v62, v0  }
0x2bd: {  	v10 =	vld [tilespmem:s25+$0x2C0];
	v57 =	vnsel vm11, $0x1, v55;
	vm12 =	vgt.f32 v59, $0.0e+00;
	vm13 =	vgt.f32 v3, $0.0e+00  }
0x2be: {  	v15 =	vld [tilespmem:s25+$0x110];
	v9 =	vmpcnt.ones.xlane vm12;
	v63 =	vmpcnt.ones.xlane vm13;
	v0 =	vadd.f32 v2, v0  }
0x2bf: {  	[tilespmem:$0x1FBA0] =	vst v19;
	v19 =	vld [tilespmem:s25+$0x1B0];
	vm13 =	vgt.f32 v6, $0.0e+00;
	v6 =	vmax.f32 v49, v11;
	v12 =	vmpcnt.ones.xlane vm14  }
0x2c0: {  	v16 =	vld [tilespmem:s25+$0x150];
	vm12 =	vlt.s32 v63, $0x1;
	v0 =	vadd.f32 v1, v0;
	v1 =	vmax.f32 v48, v1  }
0x2c1: {  	vm14 =	vgt.f32 v6, $0.0e+00;
	v2 =	vmax.f32 v47, v2;
	vm9 =	vgt.f32 v1, $0.0e+00;
	v1 =	vld [tilespmem:s25+$0x130]  }
0x2c2: {  	v55 =	vld [tilespmem:s25+$0x120];
	vm7 =	vgt.f32 v2, $0.0e+00;
	v2 =	vmpcnt.ones.xlane vm9;
	v0 =	vadd.f32 v11, v0  }
0x2c3: {  	[tilespmem:$0x1FB80] =	vst v17;
	v17 =	vld [tilespmem:s25+$0x170];
	vm15 =	vlt.s32 v9, $0x1;
	v3 =	vnsel vm12, $0x1, v63;
	v6 =	vmpcnt.ones.xlane vm14  }
0x2c4: {  	v21 =	vld [tilespmem:s25+$0x1E0];
	[tilespmem:$0x1FCF0] =	vst v3;
	v3 =	vnsel vm15, $0x1, v9;
	v0 =	vadd.f32 v15, v0;
	vm15 =	vlt.s32 v2, $0x1  }
0x2c5: {  	[tilespmem:$0x1FB90] =	vst v8;
	v8 =	vld [tilespmem:$0x1FB20];
	vm10 =	vlt.s32 v6, $0x1;
	v2 =	vnsel vm15, $0x1, v2  }
0x2c6: {  	v59 =	vld [tilespmem:s25+$0x180];
	v0 =	vadd.f32 v1, v0;
	[tilespmem:$0x1FD10] =	vst v2;
	v2 =	vnsel vm10, $0x1, v6  }
0x2c7: {  	v1 =	vmax.f32 v55, v1;
	[tilespmem:$0x1FD20] =	vst v2;
	v2 =	vld [tilespmem:s25+$0x190]  }
0x2c8: {  	v52 =	vld [tilespmem:s25+$0x100];
	vm14 =	vgt.f32 v1, $0.0e+00;
	v0 =	vadd.f32 v16, v0  }
0x2c9: {  	v62 =	vld [tilespmem:s25+$0x1A0];
	v1 =	vmpcnt.ones.xlane vm14  }
0x2ca: {  	v23 =	vld [tilespmem:s25+$0x1C0];
	v0 =	vadd.f32 v17, v0  }
0x2cb: {  	[tilespmem:$0x1FC10] =	vst v32;
	vm5 =	vgt.f32 v18, $0.0e+00;
	v32 =	vld [tilespmem:s25+$0x1D0];
	vm9 =	vlt.s32 v1, $0x1  }
0x2cc: {  	v53 =	vld [tilespmem:s25+$0x140];
	v46 =	vnsel vm9, $0x1, v1;
	v0 =	vadd.f32 v2, v0;
	v1 =	vmax.f32 v59, v2  }
0x2cd: {  	[tilespmem:$0x1FB70] =	vst v7;
	v7 =	vmax.f32 v52, v15;
	v14 =	vmpcnt.ones.xlane vm13;
	vm15 =	vgt.f32 v1, $0.0e+00;
	v1 =	vld [tilespmem:s25+$0x1F0]  }
0x2ce: {  	v20 =	vld [tilespmem:s25+$0x200];
	vm12 =	vgt.f32 v7, $0.0e+00;
	v6 =	vmax.f32 v62, v19;
	v0 =	vadd.f32 v19, v0  }
0x2cf: {  	[tilespmem:$0x1FBB0] =	vst v22;
	vm8 =	vlt.s32 v14, $0x1;
	v18 =	vmpcnt.ones.xlane vm12;
	vm12 =	vgt.f32 v6, $0.0e+00;
	v6 =	vld [tilespmem:s25+$0x210]  }
0x2d0: {  	v22 =	vld [tilespmem:s25+$0x2A0];
	[tilespmem:$0x1FCE0] =	vst v3;
	v3 =	vnsel vm8, $0x1, v14;
	v14 =	vadd.f32 v32, v0  }
0x2d1: {  	[tilespmem:$0x1FBF0] =	vst v29;
	v29 =	vld [tilespmem:s25+$0x290]  }
0x2d2: {  	v5 =	vmax.f32 v53, v16;
	v9 =	vld [tilespmem:s25+$0x230];
	v15 =	vadd.f32 v1, v14  }
0x2d3: {  	vm8 =	vgt.f32 v5, $0.0e+00;
	v19 =	vld [tilespmem:s25+$0x240]  }
0x2d4: {  	[tilespmem:$0x1FBD0] =	vst v27;
	v27 =	vmax.f32 v21, v1;
	v1 =	vld [tilespmem:s25+$0x250];
	v5 =	vadd.f32 v6, v15;
	v6 =	vmax.f32 v20, v6  }
0x2d5: {  	[tilespmem:$0x1FCC0] =	vst v57;
	v57 =	vld [tilespmem:s25+$0x160];
	vm13 =	vlt.s32 v18, $0x1;
	v2 =	vmpcnt.ones.xlane vm15;
	vm15 =	vgt.f32 v6, $0.0e+00  }
0x2d6: {  	v63 =	vnsel vm13, $0x1, v18;
	v14 =	vld [tilespmem:s25+$0x270];
	v16 =	vmpcnt.ones.xlane vm15  }
0x2d7: {  	v18 =	vld [tilespmem:s25+$0x260];
	v0 =	vmax.f32 v23, v32;
	vm13 =	vlt.s32 v2, $0x1;
	v6 =	vadd.f32 v9, v5  }
0x2d8: {  	vm14 =	vgt.f32 v0, $0.0e+00;
	v31 =	vnsel vm13, $0x1, v2;
	v0 =	vld [tilespmem:$0x1FFF0];
	vm9 =	vlt.s32 v16, $0x1  }
0x2d9: {  	v2 =	vadd.f32 v1, v6;
	v1 =	vmax.f32 v19, v1;
	v30 =	vnsel vm9, $0x1, v16;
	v16 =	vld [tilespmem:$0x1FB30]  }
0x2da: {  	v7 =	vmpcnt.ones.xlane vm12;
	vm12 =	vgt.f32 v1, $0.0e+00;
	v1 =	vld [tilespmem:s25+$0x2B0]  }
0x2db: {  	v28 =	vmax.f32 v57, v17;
	[tilespmem:$0x1FD00] =	vst v3;
	v17 =	vld [tilespmem:s25+$0x2E0];
	v3 =	vadd.f32 v14, v2  }
0x2dc: {  	v15 =	vld [tilespmem:s25+$0x280]  }
0x2dd: {  	s30 =	smov.u32 s31;
	v6 =	vld.idx.msk [tilespmem:v8+s13+$0x0], $0xffff;
	v3 =	vadd.f32 v29, v3  }
0x2de: {  	v4 =	vadd.s32 s30, v0;
	v0 =	vmpcnt.ones.xlane vm12;
	v14 =	vmax.f32 v18, v14;
	v2 =	vld [tilespmem:s25+$0x2D0]  }
0x2df: {  	vm9 =	vgt.f32 v14, $0.0e+00;
	v14 =	vld [tilespmem:s25+$0x2F0];
	v3 =	vadd.f32 v1, v3;
	v1 =	vmax.f32 v22, v1  }
0x2e0: {  	vm11 =	vlt.s32 v7, $0x1;
	vm15 =	vgt.f32 v1, $0.0e+00;
	v1 =	vld [tilespmem:s25+$0xFFFFFD00]  }
0x2e1: {  	v32 =	vnsel vm11, $0x1, v7;
	vm13 =	vlt.s32 v0, $0x1;
	v5 =	vld.idx.msk [tilespmem:v16+s13+$0x0], $0xffff  }
0x2e2: {  	v11 =	vmpcnt.ones.xlane vm14;
	v29 =	vmax.f32 v15, v29;
	v16 =	vnsel vm13, $0x1, v0;
	v0 =	vld [tilespmem:s25+$0xFFFFFCE0]  }
0x2e3: {  	v7 =	vld.idx.msk [tilespmem:v4+s13+$0x0], $0xffff;
	vm14 =	vgt.f32 v29, $0.0e+00;
	v4 =	vmax.f32 v10, v2;
	v2 =	vadd.f32 v2, v3  }
0x2e4: {  	vm1 =	vmand vm1, vm0;
	v29 =	vmpcnt.ones.xlane vm14;
	v3 =	vmax.f32 v17, v14  }
0x2e5: {  	vm12 =	vgt.f32 v3, $0.0e+00;
	vm13 =	vlt.s32 v6, $0xF4240;
	v2 =	vadd.f32 v14, v2  }
0x2e6: {  	v3 =	vmpcnt.ones.xlane vm12;
	vm12 =	vgt.f32 v4, $0.0e+00;
	v14 =	vmpcnt.ones.xlane vm1  }
0x2e7: {  	v26 =	vmax.f32 v1, v26;
	vm14 =	vlt.s32 v5, $0xF4240;
	v25 =	vmax.f32 v0, v25  }
0x2e8: {  	v4 =	vmpcnt.ones.xlane vm14;
	vm14 =	vlt.s32 v7, $0xF4240;
	vm1 =	vgt.f32 v25, $0.0e+00  }
0x2e9: {  	v7 =	vmpcnt.ones.xlane vm14;
	vm14 =	vgt.f32 v26, $0.0e+00;
	v26 =	vmpcnt.ones.xlane vm1  }
0x2ea: {  	v5 =	vmpcnt.ones.xlane vm13  }
0x2eb: {  	vm1 =	vlt.s32 v26, $0x1  }
0x2ec: {  	v0 =	vadd.f32 v1, v0;
	v1 =	vadd.s32 v5, v4;
	v4 =	vnsel vm1, $0x1, v26;
	v26 =	vld [tilespmem:$0x1FFC0];
	_ =	sdelay $0x1  }
0x2ed: {  	v1 =	vadd.s32 v7, v1  }
0x2ee: {  	v1 =	vadd.s32 v14, v1  }
0x2ef: {  	v6 =	vld [tilespmem:s25+$0xFFFFFD20];
	v25 =	vadd.s32 $0xFFFFFFCE, v1  }
0x2f0: {  	v7 =	vmul.u32 v26, v25;
	v25 =	vld [tilespmem:$0x1FB50];
	_ =	sdelay $0x1  }
0x2f1: {  	v14 =	vld [tilespmem:$0x1FB40];
	_ =	sdelay $0x1  }
0x2f2: {  	vm10 =	vlt.s32 v24, $0x1;
	v26 =	vld [tilespmem:$0x1FB60]  }
0x2f3: {  	vm13 =	vlt.s32 v3, $0x1;
	v0 =	vadd.f32 v6, v0;
	v6 =	vmax.f32 v6, v25  }
0x2f4: {  	v25 =	vnsel vm13, $0x1, v3;
	v3 =	vadd.s32 v7, v4;
	v4 =	vnsel vm10, $0x1, v24;
	v24 =	vld [tilespmem:$0x1FB70]  }
0x2f5: {  	v0 =	vadd.f32 v14, v0;
	_ =	sdelay $0x1  }
0x2f6: {  	v0 =	vadd.f32 v26, v0;
	v26 =	vld [tilespmem:$0x1FB80]  }
0x2f7: {  	v1 =	vsub.s32 $0x32, v1  }
0x2f8: {  	v5 =	vmpcnt.ones.xlane vm14;
	v0 =	vadd.f32 v24, v0;
	v24 =	vcvt.s32.f32 v1;
	v1 =	vld [tilespmem:$0x1FB90];
	_ =	sdelay $0x1  }
0x2f9: {  	vm1 =	vlt.s32 v5, $0x1  }
0x2fa: {  	v5 =	vnsel vm1, $0x1, v5;
	vm1 =	vgt.f32 v6, $0.0e+00;
	v0 =	vadd.f32 v26, v0  }
0x2fb: {  	v7 =	vmpcnt.ones.xlane vm1;
	vm1 =	vlt.s32 v36, $0x1  }
0x2fc: {  	v0 =	vadd.f32 v1, v0;
	v1 =	vnsel vm1, $0x1, v36;
	v36 =	vld [tilespmem:$0x1FBA0];
	_ =	sdelay $0x1  }
0x2fd: {  	v14 =	vmpcnt.ones.xlane vm2;
	vm2 =	vlt.s32 v7, $0x1  }
0x2fe: {  	v3 =	vadd.s32 v5, v3;
	v7 =	vnsel vm2, $0x1, v7;
	v26 =	vld [tilespmem:$0x1FBC0]  }
0x2ff: {  	v3 =	vadd.s32 v7, v3;
	vm1 =	vlt.s32 v41, $0x1  }
0x300: {  	v41 =	vnsel vm1, $0x1, v41;
	vm1 =	vlt.s32 v14, $0x1;
	v0 =	vadd.f32 v36, v0;
	v36 =	vld [tilespmem:$0x1FBB0]  }
0x301: {  	v8 =	vmpcnt.ones.xlane vm5;
	v3 =	vadd.s32 v4, v3;
	v4 =	vnsel vm1, $0x1, v14;
	v14 =	vld [tilespmem:$0x1FBE0]  }
0x302: {  	vm5 =	vlt.s32 v29, $0x1  }
0x303: {  	vm11 =	vlt.s32 v8, $0x1;
	v3 =	vadd.s32 v26, v3;
	v26 =	vnsel vm5, $0x1, v29;
	v29 =	vld [tilespmem:$0x1FC00]  }
0x304: {  	v8 =	vnsel vm11, $0x1, v8  }
0x305: {  	v3 =	vadd.s32 v8, v3;
	v0 =	vadd.f32 v36, v0;
	v36 =	vld [tilespmem:$0x1FBD0]  }
0x306: {  	v3 =	vadd.s32 v14, v3  }
0x307: {  	v1 =	vadd.s32 v1, v3;
	v3 =	vld [tilespmem:$0x1FBF0]  }
0x308: {  	v51 =	vmpcnt.ones.xlane vm3;
	v1 =	vadd.s32 v29, v1  }
0x309: {  	v1 =	vadd.s32 v41, v1;
	v41 =	vld [tilespmem:$0x1FC10]  }
0x30a: {  	vm3 =	vlt.s32 v51, $0x1;
	v0 =	vadd.f32 v36, v0  }
0x30b: {  	v7 =	vnsel vm3, $0x1, v51;
	v51 =	vld [tilespmem:$0x1FC20]  }
0x30c: {  	v0 =	vadd.f32 v3, v0;
	_ =	sdelay $0x1  }
0x30d: {  	v0 =	vadd.f32 v41, v0;
	_ =	sdelay $0x1  }
0x30e: {  	v0 =	vadd.f32 v51, v0;
	_ =	sdelay $0x1  }
0x30f: {  	v0 =	vadd.f32 v61, v0;
	_ =	sdelay $0x1  }
0x310: {  	v0 =	vadd.f32 v60, v0  }
0x311: {  	v5 =	vmpcnt.ones.xlane vm4  }
0x312: {  	v0 =	vadd.f32 v56, v0  }
0x313: {  	vm2 =	vlt.s32 v5, $0x1  }
0x314: {  	v5 =	vnsel vm2, $0x1, v5;
	vm2 =	vlt.s32 v54, $0x1;
	v0 =	vadd.f32 v50, v0  }
0x315: {  	v3 =	vnsel vm2, $0x1, v54;
	v54 =	vld [tilespmem:$0x1FC30]  }
0x316: {  	v0 =	vadd.f32 v43, v0  }
0x317: {  	v8 =	vld [tilespmem:$0x1FC40]  }
0x318: {  	v1 =	vadd.s32 v5, v1;
	v0 =	vadd.f32 v40, v0  }
0x319: {  	v14 =	vld [tilespmem:$0x1FC50];
	v1 =	vadd.s32 v4, v1  }
0x31a: {  	v6 =	vmpcnt.ones.xlane vm12;
	v29 =	vld [tilespmem:$0x1FC60];
	v1 =	vadd.s32 v54, v1;
	v0 =	vadd.f32 v39, v0  }
0x31b: {  	vm6 =	vlt.s32 v12, $0x1;
	v41 =	vld [tilespmem:$0x1FC70];
	v1 =	vadd.s32 v7, v1  }
0x31c: {  	vm1 =	vlt.s32 v6, $0x1;
	v51 =	vld [tilespmem:$0x1FC80];
	v1 =	vadd.s32 v8, v1;
	v0 =	vadd.f32 v58, v0  }
0x31d: {  	v36 =	vnsel vm1, $0x1, v6;
	vm1 =	vlt.s32 v13, $0x1;
	v1 =	vadd.s32 v3, v1;
	v56 =	vld [tilespmem:$0x1FC90]  }
0x31e: {  	v60 =	vnsel vm6, $0x1, v12;
	v12 =	vld [tilespmem:$0x1FCA0];
	v1 =	vadd.s32 v14, v1;
	v0 =	vadd.f32 v33, v0  }
0x31f: {  	v3 =	vnsel vm1, $0x1, v13;
	v13 =	vld [tilespmem:$0x1FCB0];
	v1 =	vadd.s32 v29, v1  }
0x320: {  	v1 =	vadd.s32 v41, v1;
	v0 =	vadd.f32 v35, v0  }
0x321: {  	v1 =	vadd.s32 v51, v1  }
0x322: {  	v1 =	vadd.s32 v56, v1;
	v0 =	vadd.f32 v37, v0  }
0x323: {  	v1 =	vadd.s32 v12, v1  }
0x324: {  	v1 =	vadd.s32 v13, v1;
	v0 =	vadd.f32 v38, v0  }
0x325: {  	v1 =	vadd.s32 v3, v1;
	v3 =	vld [tilespmem:$0x1FCC0]  }
0x326: {  	v0 =	vadd.f32 v44, v0;
	_ =	sdelay $0x1  }
0x327: {  	v0 =	vadd.f32 v34, v0;
	_ =	sdelay $0x1  }
0x328: {  	v1 =	vadd.s32 v3, v1;
	v3 =	vld [tilespmem:$0x1FCD0];
	v0 =	vadd.f32 v42, v0  }
0x329: {  	v29 =	vld [tilespmem:$0x1FCE0]  }
0x32a: {  	v39 =	vld [tilespmem:$0x1FCF0];
	v0 =	vadd.f32 v45, v0  }
0x32b: {  	v4 =	vld [tilespmem:s25+$0x220]  }
0x32c: {  	v54 =	vmpcnt.ones.xlane vm7;
	v40 =	vld [tilespmem:$0x1FD00];
	v0 =	vadd.f32 v47, v0  }
0x32d: {  	vm2 =	vgt.f32 v28, $0.0e+00;
	v1 =	vadd.s32 v3, v1  }
0x32e: {  	vm1 =	vlt.s32 v54, $0x1;
	v51 =	vld [tilespmem:$0x1FD10];
	v1 =	vadd.s32 v29, v1;
	v0 =	vadd.f32 v48, v0  }
0x32f: {  	v61 =	vmpcnt.ones.xlane vm8;
	v5 =	vnsel vm1, $0x1, v54;
	v54 =	vld [tilespmem:$0x1FD20];
	v1 =	vadd.s32 v39, v1  }
0x330: {  	v14 =	vmax.f32 v4, v9;
	v1 =	vadd.s32 v60, v1;
	v0 =	vadd.f32 v49, v0  }
0x331: {  	vm1 =	vlt.s32 v61, $0x1;
	vm3 =	vgt.f32 v14, $0.0e+00;
	v1 =	vadd.s32 v40, v1  }
0x332: {  	v3 =	vmpcnt.ones.xlane vm2;
	v1 =	vadd.s32 v5, v1;
	v0 =	vadd.f32 v52, v0  }
0x333: {  	v7 =	vnsel vm1, $0x1, v61;
	vm1 =	vlt.s32 v11, $0x1;
	v1 =	vadd.s32 v51, v1  }
0x334: {  	vm2 =	vlt.s32 v3, $0x1;
	v1 =	vadd.s32 v54, v1;
	v0 =	vadd.f32 v55, v0  }
0x335: {  	v3 =	vnsel vm2, $0x1, v3;
	vm2 =	vgt.f32 v27, $0.0e+00;
	v1 =	vadd.s32 v63, v1  }
0x336: {  	v41 =	vmpcnt.ones.xlane vm2;
	v1 =	vadd.s32 v46, v1;
	v0 =	vadd.f32 v53, v0  }
0x337: {  	v50 =	vmpcnt.ones.xlane vm3;
	v43 =	vnsel vm1, $0x1, v11;
	v1 =	vadd.s32 v7, v1  }
0x338: {  	vm1 =	vlt.s32 v41, $0x1;
	v1 =	vadd.s32 v3, v1;
	v0 =	vadd.f32 v57, v0  }
0x339: {  	v56 =	vmpcnt.ones.xlane vm9;
	v58 =	vld [tilespmem:s25+$0x310];
	v6 =	vnsel vm1, $0x1, v41;
	v1 =	vadd.s32 v31, v1  }
0x33a: {  	v60 =	vld [tilespmem:s25+$0x300];
	vm1 =	vlt.s32 v50, $0x1;
	v1 =	vadd.s32 v32, v1;
	v0 =	vadd.f32 v59, v0  }
0x33b: {  	[tilespmem:$0x1FD30] =	vst v10;
	v10 =	vmpcnt.ones.xlane vm15;
	v8 =	vnsel vm1, $0x1, v50;
	v1 =	vadd.s32 v43, v1  }
0x33c: {  	vm1 =	vlt.s32 v56, $0x1;
	v1 =	vadd.s32 v6, v1;
	v0 =	vadd.f32 v62, v0  }
0x33d: {  	v3 =	vnsel vm1, $0x1, v56;
	v1 =	vadd.s32 v30, v1  }
0x33e: {  	vm1 =	vlt.s32 v10, $0x1;
	v1 =	vadd.s32 v8, v1;
	v0 =	vadd.f32 v23, v0  }
0x33f: {  	v61 =	vmax.f32 v60, v58;
	v10 =	vnsel vm1, $0x1, v10;
	v1 =	vadd.s32 v16, v1  }
0x340: {  	vm1 =	vgt.f32 v61, $0.0e+00;
	v1 =	vadd.s32 v3, v1;
	v0 =	vadd.f32 v21, v0  }
0x341: {  	v3 =	vmpcnt.ones.xlane vm1;
	v1 =	vadd.s32 v26, v1  }
0x342: {  	v1 =	vadd.s32 v10, v1;
	v0 =	vadd.f32 v20, v0  }
0x343: {  	vm1 =	vlt.s32 v3, $0x1;
	v1 =	vadd.s32 v36, v1  }
0x344: {  	v3 =	vnsel vm1, $0x1, v3;
	v1 =	vadd.s32 v25, v1;
	v0 =	vadd.f32 v4, v0  }
0x345: {  	v1 =	vadd.s32 v3, v1  }
0x346: {  	v1 =	vcvt.s32.f32 v1;
	v0 =	vadd.f32 v19, v0;
	_ =	sdelay $0x1  }
0x347: {  	v1 =	vmax.f32 v1, $1.000000000e+00;
	v0 =	vadd.f32 v18, v0  }
0x348: {  	(erf) = vrcp.f32 v1;
	v1 =	vld [tilespmem:$0x1FD30]  }
0x349: {  	v0 =	vadd.f32 v15, v0;
	_ =	sdelay $0x1  }
0x34a: {  	v37 =	vld [tilespmem:$0x1FFB0];
	v0 =	vadd.f32 v22, v0  }
0x34b: {  	v36 =	vld [tilespmem:$0x1FFA0]  }
0x34c: {  	v0 =	vadd.f32 v1, v0;
	_ =	sdelay $0x1  }
0x34d: {  	v0 =	vadd.f32 v17, v0  }
0x34e: {  	p0 =	sne.s32 s31, $0x60E;
	v63 =	vadd.f32 v58, v2  }
.Ltmp1:
0x34f: {  	v3 =	vmul.f32 v24, v36;
	v1 =	vmul.f32 v24, v37;
	v0 =	vadd.f32 v60, v0;
	(pc) =	sbr.rel @p0 .LBB2_5-.Ltmp1, $4  }
0x350: {  	_ = 	snop  }
0x351: {  	v1 =	vsub.f32 v63, v1;
	v0 =	vsub.f32 v0, v3  }
0x352: {  	s28 =	sadd.s32 $0x20, s28;
	s29 =	sadd.s32 $0x32, s31;
	v33 =	vld [tilespmem:$0x1FFD0];
	v2 =	vpop (erf)  }
0x353: {  	s26 =	smov.u32 s28;
	s31 =	smov.u32 s29;
	v35 =	vld [tilespmem:$0x1FFE0];
	v32 =	vlaneseq.u32;
	v1 =	vmul.f32 v2, v1;
	v0 =	vmul.f32 v2, v0  }
0x354: {  	s23 =	sadd.s32 $0x1, s23  }
0x355: {  	p0 =	sne.s32 s23, $0x8  }
.Ltmp2:
0x356: {  	_ = 	snop;
	(pc) =	sbr.rel @p0 .LBB2_2-.Ltmp2, $4  }
0x357: {  	_ = 	snop  }
0x358: {  	s24 =	sshll.u32 s24, $0x7;
	[tilespmem:s26+$0x0] =	vst v1  }
0x359: {  	v34 =	vld [tilespmem:$0x1FFF0];
	[tilespmem:s26+$0xFFFFFFF0] =	vst v0;
	s24 =	sadd.s32 s24, s8  }
0x35a: {  	v38 =	vld [tilespmem:$0x1FFC0];
	[hbm4b:s24+s2] =	stream.linear.scatter [tilespmem:s19], [sflag:$0x4], $0x400, $0x38  }
0x35b: {  	s22 =	sadd.s32 $0x1, s22  }
0x35c: {  	_ =	swait.ge [sflag:s20], $0x400;
	p0 =	sne.s32 s22, s10  }
.Ltmp3:
0x35d: {  	[sflag:s20] =	ssyncset.done $0x0;
	(pc) =	sbr.rel @p0 .LBB2_1-.Ltmp3, $4  }
0x35e: {  	[sflag:s20] =	ssyncadd.s32 $0xFFFFFC00  }
0x35f: {  	_ =	swait.ge [sflag:s21], $0x400  }
0x360: {  	[sflag:s21] =	ssyncset.done $0x0  }
0x361: {  	[sflag:s21] =	ssyncadd.s32 $0xFFFFFC00  }
0x362: {  	_ =	sfence.sel $0x180000  }
0x363: {  	[bflag:$0x0] =	sbarrier.arrive $0xFFFF  }
0x364: {  	p0 =	sne.s32 s1, $0x0;
	_ =	strace $0x90000047  }
0x365: {  	s0 =	sadd.s32 @!p0 $0x100000, s0;
	[bflag:$0x2] =	sbarrier.arrive $0xFFFF  }
0x366: {  	[sflag:s0] =	ssyncadd.tile.s32 @!p0 $0x1;
	_ =	shalt  }
.Lfunc_end2:
_tile_overlayer_lowered:
.L_overlay_start_2:
0x367: {  	(tag) =	ssettag $0x2  }
0x368: {  	s0 =	rddreg [dreg:$0x0];
	s2 =	stileid.u32  }
0x369: {  	s1 =	rddreg [dreg:$0x1];
	p0 =	sne.s32 s2, $0x0  }
0x36a: {  	s3 =	rddreg [dreg:$0x2];
	[bflag:$0x3] =	sbarrier.arrive $0xFFFF;
	s2 =	simm.s32 @!p0 $0x1C05  }
0x36b: {  	[timem:s3], [sflag:s2] =	dma.local @!p0 [hbm:s0], s1  }
0x36c: {  	s0 =	simm.s32 @!p0 $0x5  }
0x36d: {  	_ =	swait.ge @!p0 [sflag:s0], s1  }
0x36e: {  	s1 =	ssub.s32 @!p0 $0x0, s1;
	[sflag:s0] =	ssyncset.done @!p0 $0x0  }
0x36f: {  	[sflag:s0] =	ssyncadd.s32 @!p0 s1  }
0x370: {  	[bflag:$0x3] =	sbarrier.arrive $0xFFFF  }
0x371: {  	_ =	shalt  }

</sc_bundles>
